<compile_context>
chip_gen: v7x
topology: tpu7x:2x2x1
jax: 0.10.2.dev20260603
libtpu: 0.0.44.dev20260713+nightly
codegen_flags: <defaults>
</compile_context>

<pallas_src>
import functools

import jax
import jax.numpy as jnp
from jax import lax
from jax.experimental import pallas as pl
from jax.experimental.pallas import tpu as pltpu
from jax.experimental.pallas import tpu_sc as plsc

N = 50000
E = 800000
F = 32
H = 64
NW = 32
NTILE = 16
CB = 128
KCH = 196
EPAD = NW * KCH * CB
NPAD = 50176
RPT = NPAD // NTILE
ZR = 49
NG = 28
D = 4
DP = 4
NBLK = 7
RB = NPAD // NBLK

_MESH = plsc.VectorSubcoreMesh(core_axis_name="c", subcore_axis_name="s")
_SC_PARAMS = pltpu.CompilerParams(use_tc_tiling_on_sc=False)


def _mm(a, b):
    def dot(x, y):
        return lax.dot_general(x, y, (((1,), (0,)), ((), ())),
                               preferred_element_type=jnp.float32)
    ah = a.astype(jnp.bfloat16)
    al = (a - ah.astype(jnp.float32)).astype(jnp.bfloat16)
    bh = b.astype(jnp.bfloat16)
    bl = (b - bh.astype(jnp.float32)).astype(jnp.bfloat16)
    return dot(ah, bh) + (dot(ah, bl) + dot(al, bh))


def _zero_1d(ref, n):
    @pl.loop(0, n // 16)
    def _(i):
        ref[pl.ds(i * 16, 16)] = jnp.zeros((16,), jnp.float32)


def _zero_2d(ref, n):
    @pl.loop(0, n)
    def _(r):
        z = jnp.zeros((16,), jnp.float32)
        ref[r, pl.ds(0, 16)] = z
        ref[r, pl.ds(16, 16)] = z


@functools.partial(
    pl.kernel,
    out_type=jax.ShapeDtypeStruct((2 * NPAD,), jnp.float32),
    mesh=_MESH,
    compiler_params=_SC_PARAMS,
    scratch_types=[
        pltpu.VMEM((NG, CB), jnp.int32),
        pltpu.VMEM((CB,), jnp.float32),
        pltpu.VMEM((RPT,), jnp.float32),
        pltpu.SemaphoreType.DMA,
        pltpu.SemaphoreType.DMA,
        pltpu.SemaphoreType.DMA,
        pltpu.SemaphoreType.DMA,
        pltpu.VMEM_SHARED((NPAD,), jnp.float32),
    ],
)
def _sc_degree(dst_hbm, out_hbm, idst, ones, zb, s0, s1, s2, s3, dacc):
    cid = lax.axis_index("c")
    sid = lax.axis_index("s")
    wid = cid * NTILE + sid

    @pl.loop(0, CB // 16)
    def _(i):
        ones[pl.ds(i * 16, 16)] = jnp.ones((16,), jnp.float32)

    _zero_1d(zb, RPT)
    pltpu.sync_copy(zb, dacc.at[pl.ds(sid * RPT, RPT)])
    plsc.subcore_barrier()

    ssem = (s0, s1, s2, s3)

    @pl.loop(0, KCH // NG)
    def _(gi):
        pltpu.sync_copy(dst_hbm.at[wid, pl.ds(gi * NG, NG)], idst)

        @pl.loop(0, NG // D)
        def _(bi):
            ds = [pltpu.async_copy(ones, dacc.at[idst.at[bi * D + k]],
                                   ssem[k], add=True) for k in range(D)]
            for d in ds:
                d.wait()

    plsc.subcore_barrier()
    pltpu.sync_copy(dacc.at[pl.ds(sid * RPT, RPT)], zb)
    pltpu.sync_copy(zb, out_hbm.at[pl.ds(cid * NPAD + sid * RPT, RPT)])


@functools.partial(
    pl.kernel,
    out_type=(jax.ShapeDtypeStruct((2, NPAD, F), jnp.float32),
              jax.ShapeDtypeStruct((2 * NPAD,), jnp.float32)),
    mesh=_MESH,
    compiler_params=_SC_PARAMS,
    scratch_types=[
        pltpu.VMEM((NG, CB), jnp.int32),
        pltpu.VMEM((NG, CB), jnp.int32),
        pltpu.VMEM((D, CB, F), jnp.float32),
        pltpu.VMEM((D, CB), jnp.float32),
        pltpu.VMEM((ZR, F), jnp.float32),
        pltpu.VMEM((RPT // 4,), jnp.float32),
        [pltpu.SemaphoreType.DMA] * D,
        [pltpu.SemaphoreType.DMA] * D,
        [pltpu.SemaphoreType.DMA] * D,
        [pltpu.SemaphoreType.DMA] * D,
        pltpu.VMEM_SHARED((NPAD, F), jnp.float32),
        pltpu.VMEM_SHARED((NPAD,), jnp.float32),
    ],
)
def _sc_prop_c(g_hbm, dinv_hbm, src_hbm, dst_hbm, out_hbm, cout_hbm,
               isrc, idst, rows, cv, zb, zc, gsem, ssem, cgsem, cssem,
               acc, cacc):
    cid = lax.axis_index("c")
    sid = lax.axis_index("s")
    wid = cid * NTILE + sid

    _zero_2d(zb, ZR)
    _zero_1d(zc, RPT // 4)

    @pl.loop(0, RPT // ZR)
    def _(k):
        pltpu.sync_copy(zb, acc.at[pl.ds(sid * RPT + k * ZR, ZR)])

    @pl.loop(0, 4)
    def _(q):
        pltpu.sync_copy(zc, cacc.at[pl.ds(sid * RPT + q * (RPT // 4), RPT // 4)])
    plsc.subcore_barrier()

    @pl.loop(0, KCH // NG)
    def _(gi):
        pltpu.sync_copy(src_hbm.at[wid, pl.ds(gi * NG, NG)], isrc)
        pltpu.sync_copy(dst_hbm.at[wid, pl.ds(gi * NG, NG)], idst)

        @pl.loop(0, NG // D)
        def _(bi):
            gd = [(pltpu.async_copy(g_hbm.at[isrc.at[bi * D + k]],
                                    rows.at[k], gsem[k]),
                   pltpu.async_copy(dinv_hbm.at[idst.at[bi * D + k]],
                                    cv.at[k], cgsem[k]))
                  for k in range(D)]
            sd = []
            for k in range(D):
                gd[k][0].wait()
                sd.append(pltpu.async_copy(
                    rows.at[k], acc.at[idst.at[bi * D + k]], ssem[k],
                    add=True))
                gd[k][1].wait()
                sd.append(pltpu.async_copy(
                    cv.at[k], cacc.at[isrc.at[bi * D + k]], cssem[k],
                    add=True))
            for d in sd:
                d.wait()

    plsc.subcore_barrier()

    @pl.loop(0, RPT // ZR)
    def _(k):
        pltpu.sync_copy(acc.at[pl.ds(sid * RPT + k * ZR, ZR)], zb)
        pltpu.sync_copy(zb, out_hbm.at[cid, pl.ds(sid * RPT + k * ZR, ZR)])

    @pl.loop(0, 4)
    def _(q):
        pltpu.sync_copy(cacc.at[pl.ds(sid * RPT + q * (RPT // 4), RPT // 4)], zc)
        pltpu.sync_copy(
            zc, cout_hbm.at[pl.ds(cid * NPAD + sid * RPT + q * (RPT // 4),
                                  RPT // 4)])


@functools.partial(
    pl.kernel,
    out_type=jax.ShapeDtypeStruct((2, NPAD, F), jnp.float32),
    mesh=_MESH,
    compiler_params=_SC_PARAMS,
    scratch_types=[
        pltpu.VMEM((NG, CB), jnp.int32),
        pltpu.VMEM((NG, CB), jnp.int32),
        pltpu.VMEM((DP, CB, F), jnp.float32),
        pltpu.VMEM((ZR, F), jnp.float32),
        [pltpu.SemaphoreType.DMA] * DP,
        [pltpu.SemaphoreType.DMA] * DP,
        pltpu.VMEM_SHARED((NPAD, F), jnp.float32),
    ],
)
def _sc_prop(g_hbm, src_hbm, dst_hbm, out_hbm, isrc, idst, rows, zb,
             gsem, ssem, acc):
    cid = lax.axis_index("c")
    sid = lax.axis_index("s")
    wid = cid * NTILE + sid

    _zero_2d(zb, ZR)

    @pl.loop(0, RPT // ZR)
    def _(k):
        pltpu.sync_copy(zb, acc.at[pl.ds(sid * RPT + k * ZR, ZR)])

    plsc.subcore_barrier()

    @pl.loop(0, KCH // NG)
    def _(gi):
        pltpu.sync_copy(src_hbm.at[wid, pl.ds(gi * NG, NG)], isrc)
        pltpu.sync_copy(dst_hbm.at[wid, pl.ds(gi * NG, NG)], idst)

        @pl.loop(0, NG // DP)
        def _(bi):
            gd = [pltpu.async_copy(g_hbm.at[isrc.at[bi * DP + k]],
                                   rows.at[k], gsem[k])
                  for k in range(DP)]
            sd = []
            for k in range(DP):
                gd[k].wait()
                sd.append(pltpu.async_copy(
                    rows.at[k], acc.at[idst.at[bi * DP + k]], ssem[k],
                    add=True))
            for d in sd:
                d.wait()

    plsc.subcore_barrier()

    @pl.loop(0, RPT // ZR)
    def _(k):
        pltpu.sync_copy(acc.at[pl.ds(sid * RPT + k * ZR, ZR)], zb)
        pltpu.sync_copy(zb, out_hbm.at[cid, pl.ds(sid * RPT + k * ZR, ZR)])


MP = NPAD // 4
MB = MP // NBLK
XROWS = N * F // 128


def _tc1_body(dp0_ref, dp1_ref, dq_ref, x_ref, bq_ref, dinv_ref, dvq_ref,
              g_ref):
    i = pl.program_id(0)
    deg = dp0_ref[...] + dp1_ref[...] + 1.0
    row = i * RB + lax.broadcasted_iota(jnp.int32, (RB,), 0)
    dinv_ref[...] = jnp.where(row < N, lax.rsqrt(deg), 0.0)

    dq = dq_ref[...]
    degq = dq[0] + dq[1] + 1.0
    node = (4 * (i * MB + lax.broadcasted_iota(jnp.int32, (MB, 4), 0))
            + lax.broadcasted_iota(jnp.int32, (MB, 4), 1))
    dvq = jnp.where(node < N, lax.rsqrt(degq), 0.0)
    dvq_ref[...] = dvq
    dv32 = _mm(dvq, bq_ref[...])
    g_ref[...] = jnp.where(dv32 > 0.0, x_ref[...] * dv32, 0.0)


def _tc1(degp, degq, xp, bq):
    return pl.pallas_call(
        _tc1_body,
        grid=(NBLK,),
        in_specs=[pl.BlockSpec((RB,), lambda i: (i,)),
                  pl.BlockSpec((RB,), lambda i: (i + NBLK,)),
                  pl.BlockSpec((2, MB, 4), lambda i: (0, i, 0)),
                  pl.BlockSpec((MB, 128), lambda i: (i, 0)),
                  pl.BlockSpec((4, 128), lambda i: (0, 0))],
        out_specs=[pl.BlockSpec((RB,), lambda i: (i,)),
                   pl.BlockSpec((MB, 4), lambda i: (i, 0)),
                   pl.BlockSpec((MB, 128), lambda i: (i, 0))],
        out_shape=[jax.ShapeDtypeStruct((NPAD,), jnp.float32),
                   jax.ShapeDtypeStruct((MP, 4), jnp.float32),
                   jax.ShapeDtypeStruct((MP, 128), jnp.float32)],
    )(degp, degp, degq, xp, bq)


def _tc2_body(a_ref, g0_ref, dvq_ref, cq_ref, bq_ref, w1_ref, b1_ref,
              w2_ref, g2_ref, cq_out_ref):
    a = a_ref[...]
    dvq = dvq_ref[...]
    dv32 = _mm(dvq, bq_ref[...])
    p1 = dv32 * (a[0] + a[1] + g0_ref[...])
    h1 = jnp.maximum(_mm(p1, w1_ref[...]) + b1_ref[...], 0.0)
    g2_ref[...] = dv32 * _mm(h1, w2_ref[...])
    cq = cq_ref[...]
    cq_out_ref[...] = dvq * (cq[0] + cq[1] + dvq)


def _tc2(accp, g0p, dvq, cpq, bq, W1B, b1B, W2B):
    return pl.pallas_call(
        _tc2_body,
        grid=(NBLK,),
        in_specs=[pl.BlockSpec((2, MB, 128), lambda i: (0, i, 0)),
                  pl.BlockSpec((MB, 128), lambda i: (i, 0)),
                  pl.BlockSpec((MB, 4), lambda i: (i, 0)),
                  pl.BlockSpec((2, MB, 4), lambda i: (0, i, 0)),
                  pl.BlockSpec((4, 128), lambda i: (0, 0)),
                  pl.BlockSpec((128, 4 * H), lambda i: (0, 0)),
                  pl.BlockSpec((1, 4 * H), lambda i: (0, 0)),
                  pl.BlockSpec((4 * H, 128), lambda i: (0, 0))],
        out_specs=[pl.BlockSpec((MB, 128), lambda i: (i, 0)),
                   pl.BlockSpec((MB, 4), lambda i: (i, 0))],
        out_shape=[jax.ShapeDtypeStruct((MP, 128), jnp.float32),
                   jax.ShapeDtypeStruct((MP, 4), jnp.float32)],
    )(accp, g0p, dvq, cpq, bq, W1B, b1B, W2B)


def _tc3_body(a_ref, g2_ref, dvq_ref, cq_ref, bq_ref, b2_ref, w3_ref,
              b3_ref, o_ref, t_ref):
    i = pl.program_id(0)

    @pl.when(i == 0)
    def _():
        t_ref[...] = jnp.zeros((1, 128), jnp.float32)

    a = a_ref[...]
    bq = bq_ref[...]
    dv32 = _mm(dvq_ref[...], bq)
    h2 = jnp.maximum(dv32 * (a[0] + a[1] + g2_ref[...]) + b2_ref[...], 0.0)
    c32 = _mm(cq_ref[...], bq)
    t_ref[...] += jnp.sum(c32 * h2, axis=0, keepdims=True)

    @pl.when(i == NBLK - 1)
    def _():
        t = t_ref[...]
        t32 = (t[:, 0:32] + t[:, 32:64] + t[:, 64:96] + t[:, 96:128])
        pooled = (jnp.sum(t32 * w3_ref[...], axis=1, keepdims=True)
                  + N * b3_ref[...])
        o_ref[...] = jax.nn.sigmoid(pooled)


def _tc3(accp, g2p, dvq, cq, bq, b2B, w3r, b3r):
    return pl.pallas_call(
        _tc3_body,
        grid=(NBLK,),
        in_specs=[pl.BlockSpec((2, MB, 128), lambda i: (0, i, 0)),
                  pl.BlockSpec((MB, 128), lambda i: (i, 0)),
                  pl.BlockSpec((MB, 4), lambda i: (i, 0)),
                  pl.BlockSpec((MB, 4), lambda i: (i, 0)),
                  pl.BlockSpec((4, 128), lambda i: (0, 0)),
                  pl.BlockSpec((1, 128), lambda i: (0, 0)),
                  pl.BlockSpec((1, F), lambda i: (0, 0)),
                  pl.BlockSpec((1, 1), lambda i: (0, 0))],
        out_specs=pl.BlockSpec((1, 1), lambda i: (0, 0)),
        out_shape=jax.ShapeDtypeStruct((1, 1), jnp.float32),
        scratch_shapes=[pltpu.VMEM((1, 128), jnp.float32)],
    )(accp, g2p, dvq, cq, bq, b2B, w3r, b3r)


def kernel(x, edge_index, W1, b1, W2, b2, W3, b3):
    src = edge_index[0]
    dst = edge_index[1]
    src_r = jnp.full((EPAD,), NPAD - 1, jnp.int32).at[:E].set(src)
    src_r = src_r.reshape(NW, KCH, CB)
    dst_r = jnp.full((EPAD,), NPAD - 2, jnp.int32).at[:E].set(dst)
    dst_r = dst_r.reshape(NW, KCH, CB)
    xp = x.reshape(XROWS, 128)

    bq = (jnp.arange(128, dtype=jnp.int32)[None, :] // F
          == jnp.arange(4, dtype=jnp.int32)[:, None]).astype(jnp.float32)
    eye4 = jnp.eye(4, dtype=jnp.float32)
    W1B = jnp.kron(eye4, W1)
    W2B = jnp.kron(eye4, W2)
    b1B = jnp.tile(b1, 4).reshape(1, 4 * H)
    b2B = jnp.tile(b2, 4).reshape(1, 128)

    degp = _sc_degree(dst_r)
    degq = degp.reshape(2, MP, 4)
    dinv, dvq, g0p = _tc1(degp, degq, xp, bq)
    acc1, cpart = _sc_prop_c(g0p.reshape(NPAD, F), dinv, src_r, dst_r)
    g2p, cq = _tc2(acc1.reshape(2, MP, 128), g0p, dvq,
                   cpart.reshape(2, MP, 4), bq, W1B, b1B, W2B)
    acc2 = _sc_prop(g2p.reshape(NPAD, F), src_r, dst_r)
    out = _tc3(acc2.reshape(2, MP, 128), g2p, dvq, cq, bq, b2B,
               W3.reshape(1, F), b3.reshape(1, 1))
    return out.reshape(1)

# --- scband reference (transcript-rebuilt; emitter-appended) ---
"""Pipeline reference for scband-gcnclassifier-30786325577983 (READ-ONLY COPY).

The authoritative reference and input builder live on the scoring server;
editing this copy changes nothing except your own understanding.
"""

import jax, jax.numpy as jnp
import numpy as np

N_NODES = 50000
N_EDGES = 800000
IN_DIM = 32


def _glorot(key, shape):
    fan_in, fan_out = shape[0], shape[1]
    lim = float(np.sqrt(6.0 / (fan_in + fan_out)))
    return jax.random.uniform(key, shape, dtype=jnp.float32, minval=-lim, maxval=lim)


def setup_inputs(seed: int = 0) -> dict:
    key = jax.random.key(seed)
    ks = jax.random.split(key, 8)
    x = jax.random.normal(ks[0], (N_NODES, IN_DIM), dtype=jnp.float32)
    edge_index = jax.random.randint(ks[1], (2, N_EDGES), 0, N_NODES, dtype=jnp.int32)
    W1 = _glorot(ks[2], (IN_DIM, 64))
    b1 = jnp.zeros((64,), dtype=jnp.float32)
    W2 = _glorot(ks[3], (64, 32))
    b2 = jnp.zeros((32,), dtype=jnp.float32)
    W3 = _glorot(ks[4], (32, 1))
    b3 = jnp.zeros((1,), dtype=jnp.float32)
    return {"x": x, "edge_index": edge_index, "W1": W1, "b1": b1, "W2": W2, "b2": b2, "W3": W3, "b3": b3}


def _gcn_conv(x, src, dst, W, b):
    # GCNConv: D^{-1/2} (A + I) D^{-1/2} X W + b  (add_self_loops=True, normalize=True)
    n = x.shape[0]
    h = x @ W
    loop = jnp.arange(n, dtype=src.dtype)
    s = jnp.concatenate([src, loop])
    d = jnp.concatenate([dst, loop])
    deg = jnp.zeros((n,), dtype=h.dtype).at[d].add(1.0)
    dinv = jax.lax.rsqrt(jnp.maximum(deg, 1.0))
    norm = dinv[s] * dinv[d]
    msg = h[s] * norm[:, None]
    out = jnp.zeros((n, h.shape[1]), dtype=h.dtype).at[d].add(msg)
    return out + b


def reference(x, edge_index, W1, b1, W2, b2, W3, b3):
    src = edge_index[0]
    dst = edge_index[1]
    h = jax.nn.relu(_gcn_conv(x, src, dst, W1, b1))
    h = jax.nn.relu(_gcn_conv(h, src, dst, W2, b2))
    h = _gcn_conv(h, src, dst, W3, b3)
    pooled = jnp.sum(h, axis=0)
    return jax.nn.sigmoid(pooled)

if __name__ == "__main__":
    import jax
    _d = setup_inputs()
    print(jax.jit(kernel)(*tuple(_d.values())))

</pallas_src>

<mosaic_0001>
#map = affine_map<(d0, d1) -> (0, 0)>
#map1 = affine_map<(d0, d1) -> (0)>
#map2 = affine_map<(d0, d1) -> (0, 0, 0)>
module attributes {stable_mosaic.version = 14 : i64} {
  func.func @_sc_prop_c(%arg0: i32, %arg1: i32, %arg2: memref<50176x32xf32, #tpu.memory_space<hbm>>, %arg3: memref<50176xf32, #tpu.memory_space<hbm>>, %arg4: memref<32x196x128xi32, #tpu.memory_space<hbm>>, %arg5: memref<32x196x128xi32, #tpu.memory_space<hbm>>, %arg6: memref<2x50176x32xf32, #tpu.memory_space<hbm>>, %arg7: memref<100352xf32, #tpu.memory_space<hbm>>, %arg8: memref<28x128xi32, #tpu.memory_space<vmem>>, %arg9: memref<28x128xi32, #tpu.memory_space<vmem>>, %arg10: memref<4x128x32xf32, #tpu.memory_space<vmem>>, %arg11: memref<4x128xf32, #tpu.memory_space<vmem>>, %arg12: memref<49x32xf32, #tpu.memory_space<vmem>>, %arg13: memref<784xf32, #tpu.memory_space<vmem>>, %arg14: memref<!tpu.dma_semaphore, #tpu.memory_space<semaphore_mem>>, %arg15: memref<!tpu.dma_semaphore, #tpu.memory_space<semaphore_mem>>, %arg16: memref<!tpu.dma_semaphore, #tpu.memory_space<semaphore_mem>>, %arg17: memref<!tpu.dma_semaphore, #tpu.memory_space<semaphore_mem>>, %arg18: memref<!tpu.dma_semaphore, #tpu.memory_space<semaphore_mem>>, %arg19: memref<!tpu.dma_semaphore, #tpu.memory_space<semaphore_mem>>, %arg20: memref<!tpu.dma_semaphore, #tpu.memory_space<semaphore_mem>>, %arg21: memref<!tpu.dma_semaphore, #tpu.memory_space<semaphore_mem>>, %arg22: memref<!tpu.dma_semaphore, #tpu.memory_space<semaphore_mem>>, %arg23: memref<!tpu.dma_semaphore, #tpu.memory_space<semaphore_mem>>, %arg24: memref<!tpu.dma_semaphore, #tpu.memory_space<semaphore_mem>>, %arg25: memref<!tpu.dma_semaphore, #tpu.memory_space<semaphore_mem>>, %arg26: memref<!tpu.dma_semaphore, #tpu.memory_space<semaphore_mem>>, %arg27: memref<!tpu.dma_semaphore, #tpu.memory_space<semaphore_mem>>, %arg28: memref<!tpu.dma_semaphore, #tpu.memory_space<semaphore_mem>>, %arg29: memref<!tpu.dma_semaphore, #tpu.memory_space<semaphore_mem>>, %arg30: memref<50176x32xf32, #tpu.memory_space<vmem_shared>>, %arg31: memref<50176xf32, #tpu.memory_space<vmem_shared>>) attributes {dimension_semantics = [#tpu.dimension_semantics<core_parallel>, #tpu.dimension_semantics<subcore_parallel>], iteration_bounds = array<i64: 2, 16>, scalar_prefetch = 0 : i64, scratch_operands = 24 : i64, tpu.core_type = #tpu.core_type<sc_vector_subcore>, window_params = [{transform_indices = #map}, {transform_indices = #map1}, {transform_indices = #map2}, {transform_indices = #map2}, {transform_indices = #map2}, {transform_indices = #map1}]} {
    %mul3A = arith.constant 16 : i32
    %mul3A_0 = arith.muli %arg0, %mul3A : i32
    %add3A = arith.addi %mul3A_0, %arg1 : i32
    %scan3A = arith.constant 0 : i32
    %scan3A_1 = arith.constant 49 : i32
    %scan3A_2 = arith.addi %scan3A, %scan3A_1 : i32
    %scan3A_3 = arith.constant 1 : i32
    scf.for %scan3A_36 = %scan3A to %scan3A_2 step %scan3A_3  : i32 {
      %mul3A_37 = arith.constant 1 : i32
      %mul3A_38 = arith.muli %scan3A_36, %mul3A_37 : i32
      %add3A_39 = arith.constant 0 : i32
      %add3A_40 = arith.addi %add3A_39, %mul3A_38 : i32
      %broadcast_in_dim3A = arith.constant 0.000000e+00 : f32
      %broadcast_in_dim3A_41 = vector.broadcast %broadcast_in_dim3A : f32 to vector<16xf32>
      %swap3A = arith.index_cast %add3A_40 : i32 to index
      %swap3A_42 = arith.constant 0 : index
      %swap3A_43 = tpu.vector_load %arg12[%swap3A, %swap3A_42] {strides = array<i32>} : memref<49x32xf32, #tpu.memory_space<vmem>>, vector<1x16xf32>,
      %swap3A_44 = vector.shape_cast %swap3A_43 : vector<1x16xf32> to vector<16xf32>
      %swap3A_45 = vector.shape_cast %broadcast_in_dim3A_41 : vector<16xf32> to vector<1x16xf32>
      tpu.vector_store %arg12[%swap3A, %swap3A_42], %swap3A_45 {strides = array<i32>} : memref<49x32xf32, #tpu.memory_space<vmem>>, vector<1x16xf32>,
      %swap3A_46 = arith.index_cast %add3A_40 : i32 to index
      %swap3A_47 = arith.constant 16 : index
      %swap3A_48 = tpu.vector_load %arg12[%swap3A_46, %swap3A_47] {strides = array<i32>} : memref<49x32xf32, #tpu.memory_space<vmem>>, vector<1x16xf32>,
      %swap3A_49 = vector.shape_cast %swap3A_48 : vector<1x16xf32> to vector<16xf32>
      %swap3A_50 = vector.shape_cast %broadcast_in_dim3A_41 : vector<16xf32> to vector<1x16xf32>
      tpu.vector_store %arg12[%swap3A_46, %swap3A_47], %swap3A_50 {strides = array<i32>} : memref<49x32xf32, #tpu.memory_space<vmem>>, vector<1x16xf32>,
    }
    %scan3A_4 = arith.constant 49 : i32
    %scan3A_5 = arith.constant 0 : i32
    %scan3A_6 = arith.constant 49 : i32
    %scan3A_7 = arith.addi %scan3A_5, %scan3A_6 : i32
    %scan3A_8 = arith.constant 1 : i32
    scf.for %scan3A_36 = %scan3A_5 to %scan3A_7 step %scan3A_8  : i32 {
      %mul3A_37 = arith.constant 1 : i32
      %mul3A_38 = arith.muli %scan3A_36, %mul3A_37 : i32
      %add3A_39 = arith.constant 0 : i32
      %add3A_40 = arith.addi %add3A_39, %mul3A_38 : i32
      %broadcast_in_dim3A = arith.constant 0.000000e+00 : f32
      %broadcast_in_dim3A_41 = vector.broadcast %broadcast_in_dim3A : f32 to vector<16xf32>
      %mul3A_42 = arith.constant 16 : i32
      %mul3A_43 = arith.muli %add3A_40, %mul3A_42 : i32
      %swap3A = arith.index_cast %mul3A_43 : i32 to index
      %swap3A_44 = tpu.vector_load %arg13[%swap3A] {strides = array<i32>} : memref<784xf32, #tpu.memory_space<vmem>>, vector<16xf32>,
      %swap3A_45 = vector.shape_cast %swap3A_44 : vector<16xf32> to vector<16xf32>
      %swap3A_46 = vector.shape_cast %broadcast_in_dim3A_41 : vector<16xf32> to vector<16xf32>
      tpu.vector_store %arg13[%swap3A], %swap3A_46 {strides = array<i32>} : memref<784xf32, #tpu.memory_space<vmem>>, vector<16xf32>,
    }
    %scan3A_9 = arith.constant 49 : i32
    %scan3A_10 = arith.constant 0 : i32
    %scan3A_11 = arith.constant 64 : i32
    %scan3A_12 = arith.addi %scan3A_10, %scan3A_11 : i32
    %scan3A_13 = arith.constant 1 : i32
    scf.for %scan3A_36 = %scan3A_10 to %scan3A_12 step %scan3A_13  : i32 {
      %mul3A_37 = arith.constant 1 : i32
      %mul3A_38 = arith.muli %scan3A_36, %mul3A_37 : i32
      %add3A_39 = arith.constant 0 : i32
      %add3A_40 = arith.addi %add3A_39, %mul3A_38 : i32
      %mul3A_41 = arith.constant 3136 : i32
      %mul3A_42 = arith.muli %arg1, %mul3A_41 : i32
      %mul3A_43 = arith.constant 49 : i32
      %mul3A_44 = arith.muli %add3A_40, %mul3A_43 : i32
      %add3A_45 = arith.addi %mul3A_42, %mul3A_44 : i32
      "tpu.region"() ({
        %run_scoped3A = tpu.sem_alloc : memref<!tpu.dma_semaphore, #tpu.memory_space<semaphore_mem>>
        %dma_start3A = arith.constant 0 : i32
        %dma_start3A_46 = tpu.memref_slice %arg30[%add3A_45, %dma_start3A] : memref<50176x32xf32, #tpu.memory_space<vmem_shared>> -> memref<49x32xf32, #tpu.memory_space<vmem_shared>>
        %dma_start3A_47 = arith.constant 0 : i32
        %dma_start3A_48 = tpu.memref_slice %arg30[%add3A_45, %dma_start3A_47] : memref<50176x32xf32, #tpu.memory_space<vmem_shared>> -> memref<49x32xf32, #tpu.memory_space<vmem_shared>>
        tpu.enqueue_dma source(%arg12 : memref<49x32xf32, #tpu.memory_space<vmem>>) target(%dma_start3A_48 : memref<49x32xf32, #tpu.memory_space<vmem_shared>>) target_semaphore(%run_scoped3A : memref<!tpu.dma_semaphore, #tpu.memory_space<semaphore_mem>>)
        %dma_wait3A = arith.constant 0 : i32
        %dma_wait3A_49 = tpu.memref_slice %arg30[%add3A_45, %dma_wait3A] : memref<50176x32xf32, #tpu.memory_space<vmem_shared>> -> memref<49x32xf32, #tpu.memory_space<vmem_shared>>
        %dma_wait3A_50 = arith.constant 0 : i32
        %dma_wait3A_51 = tpu.memref_slice %arg30[%add3A_45, %dma_wait3A_50] : memref<50176x32xf32, #tpu.memory_space<vmem_shared>> -> memref<49x32xf32, #tpu.memory_space<vmem_shared>>
        tpu.wait_dma2 semaphore(%run_scoped3A : memref<!tpu.dma_semaphore, #tpu.memory_space<semaphore_mem>>) src(%arg12 : memref<49x32xf32, #tpu.memory_space<vmem>>) dst(%dma_wait3A_51 : memref<49x32xf32, #tpu.memory_space<vmem_shared>>)
        tpu.yield
      }) : () -> ()
    }
    %scan3A_14 = arith.constant 64 : i32
    %scan3A_15 = arith.constant 0 : i32
    %scan3A_16 = arith.constant 4 : i32
    %scan3A_17 = arith.addi %scan3A_15, %scan3A_16 : i32
    %scan3A_18 = arith.constant 1 : i32
    scf.for %scan3A_36 = %scan3A_15 to %scan3A_17 step %scan3A_18  : i32 {
      %mul3A_37 = arith.constant 1 : i32
      %mul3A_38 = arith.muli %scan3A_36, %mul3A_37 : i32
      %add3A_39 = arith.constant 0 : i32
      %add3A_40 = arith.addi %add3A_39, %mul3A_38 : i32
      %mul3A_41 = arith.constant 3136 : i32
      %mul3A_42 = arith.muli %arg1, %mul3A_41 : i32
      %mul3A_43 = arith.constant 784 : i32
      %mul3A_44 = arith.muli %add3A_40, %mul3A_43 : i32
      %add3A_45 = arith.addi %mul3A_42, %mul3A_44 : i32
      "tpu.region"() ({
        %run_scoped3A = tpu.sem_alloc : memref<!tpu.dma_semaphore, #tpu.memory_space<semaphore_mem>>
        %dma_start3A = tpu.memref_slice %arg31[%add3A_45] : memref<50176xf32, #tpu.memory_space<vmem_shared>> -> memref<784xf32, #tpu.memory_space<vmem_shared>>
        %dma_start3A_46 = tpu.memref_slice %arg31[%add3A_45] : memref<50176xf32, #tpu.memory_space<vmem_shared>> -> memref<784xf32, #tpu.memory_space<vmem_shared>>
        tpu.enqueue_dma source(%arg13 : memref<784xf32, #tpu.memory_space<vmem>>) target(%dma_start3A_46 : memref<784xf32, #tpu.memory_space<vmem_shared>>) target_semaphore(%run_scoped3A : memref<!tpu.dma_semaphore, #tpu.memory_space<semaphore_mem>>)
        %dma_wait3A = tpu.memref_slice %arg31[%add3A_45] : memref<50176xf32, #tpu.memory_space<vmem_shared>> -> memref<784xf32, #tpu.memory_space<vmem_shared>>
        %dma_wait3A_47 = tpu.memref_slice %arg31[%add3A_45] : memref<50176xf32, #tpu.memory_space<vmem_shared>> -> memref<784xf32, #tpu.memory_space<vmem_shared>>
        tpu.wait_dma2 semaphore(%run_scoped3A : memref<!tpu.dma_semaphore, #tpu.memory_space<semaphore_mem>>) src(%arg13 : memref<784xf32, #tpu.memory_space<vmem>>) dst(%dma_wait3A_47 : memref<784xf32, #tpu.memory_space<vmem_shared>>)
        tpu.yield
      }) : () -> ()
    }
    %scan3A_19 = arith.constant 4 : i32
    %barrier3A = arith.constant 0 : index
    tpu.barrier barrier_id(%barrier3A)
    %scan3A_20 = arith.constant 0 : i32
    %scan3A_21 = arith.constant 7 : i32
    %scan3A_22 = arith.addi %scan3A_20, %scan3A_21 : i32
    %scan3A_23 = arith.constant 1 : i32
    scf.for %scan3A_36 = %scan3A_20 to %scan3A_22 step %scan3A_23  : i32 {
      %mul3A_37 = arith.constant 1 : i32
      %mul3A_38 = arith.muli %scan3A_36, %mul3A_37 : i32
      %add3A_39 = arith.constant 0 : i32
      %add3A_40 = arith.addi %add3A_39, %mul3A_38 : i32
      %mul3A_41 = arith.constant 28 : i32
      %mul3A_42 = arith.muli %add3A_40, %mul3A_41 : i32
      "tpu.region"() ({
        %run_scoped3A = tpu.sem_alloc : memref<!tpu.dma_semaphore, #tpu.memory_space<semaphore_mem>>
        %dma_start3A = arith.constant 0 : i32
        %dma_start3A_50 = tpu.memref_slice %arg4[%add3A, %mul3A_42, %dma_start3A] : memref<32x196x128xi32, #tpu.memory_space<hbm>> -> memref<1x28x128xi32, #tpu.memory_space<hbm>>
        %dma_start3A_51 = tpu.memref_squeeze %dma_start3A_50 : memref<1x28x128xi32, #tpu.memory_space<hbm>> -> memref<28x128xi32, #tpu.memory_space<hbm>>
        %dma_start3A_52 = arith.constant 0 : i32
        %dma_start3A_53 = tpu.memref_slice %arg4[%add3A, %mul3A_42, %dma_start3A_52] : memref<32x196x128xi32, #tpu.memory_space<hbm>> -> memref<1x28x128xi32, #tpu.memory_space<hbm>>
        %dma_start3A_54 = tpu.memref_squeeze %dma_start3A_53 : memref<1x28x128xi32, #tpu.memory_space<hbm>> -> memref<28x128xi32, #tpu.memory_space<hbm>>
        tpu.enqueue_dma source(%dma_start3A_54 : memref<28x128xi32, #tpu.memory_space<hbm>>) target(%arg8 : memref<28x128xi32, #tpu.memory_space<vmem>>) target_semaphore(%run_scoped3A : memref<!tpu.dma_semaphore, #tpu.memory_space<semaphore_mem>>)
        %dma_wait3A = arith.constant 0 : i32
        %dma_wait3A_55 = tpu.memref_slice %arg4[%add3A, %mul3A_42, %dma_wait3A] : memref<32x196x128xi32, #tpu.memory_space<hbm>> -> memref<1x28x128xi32, #tpu.memory_space<hbm>>
        %dma_wait3A_56 = tpu.memref_squeeze %dma_wait3A_55 : memref<1x28x128xi32, #tpu.memory_space<hbm>> -> memref<28x128xi32, #tpu.memory_space<hbm>>
        %dma_wait3A_57 = arith.constant 0 : i32
        %dma_wait3A_58 = tpu.memref_slice %arg4[%add3A, %mul3A_42, %dma_wait3A_57] : memref<32x196x128xi32, #tpu.memory_space<hbm>> -> memref<1x28x128xi32, #tpu.memory_space<hbm>>
        %dma_wait3A_59 = tpu.memref_squeeze %dma_wait3A_58 : memref<1x28x128xi32, #tpu.memory_space<hbm>> -> memref<28x128xi32, #tpu.memory_space<hbm>>
        tpu.wait_dma2 semaphore(%run_scoped3A : memref<!tpu.dma_semaphore, #tpu.memory_space<semaphore_mem>>) src(%dma_wait3A_59 : memref<28x128xi32, #tpu.memory_space<hbm>>) dst(%arg8 : memref<28x128xi32, #tpu.memory_space<vmem>>)
        tpu.yield
      }) : () -> ()
      %mul3A_43 = arith.constant 28 : i32
      %mul3A_44 = arith.muli %add3A_40, %mul3A_43 : i32
      "tpu.region"() ({
        %run_scoped3A = tpu.sem_alloc : memref<!tpu.dma_semaphore, #tpu.memory_space<semaphore_mem>>
        %dma_start3A = arith.constant 0 : i32
        %dma_start3A_50 = tpu.memref_slice %arg5[%add3A, %mul3A_44, %dma_start3A] : memref<32x196x128xi32, #tpu.memory_space<hbm>> -> memref<1x28x128xi32, #tpu.memory_space<hbm>>
        %dma_start3A_51 = tpu.memref_squeeze %dma_start3A_50 : memref<1x28x128xi32, #tpu.memory_space<hbm>> -> memref<28x128xi32, #tpu.memory_space<hbm>>
        %dma_start3A_52 = arith.constant 0 : i32
        %dma_start3A_53 = tpu.memref_slice %arg5[%add3A, %mul3A_44, %dma_start3A_52] : memref<32x196x128xi32, #tpu.memory_space<hbm>> -> memref<1x28x128xi32, #tpu.memory_space<hbm>>
        %dma_start3A_54 = tpu.memref_squeeze %dma_start3A_53 : memref<1x28x128xi32, #tpu.memory_space<hbm>> -> memref<28x128xi32, #tpu.memory_space<hbm>>
        tpu.enqueue_dma source(%dma_start3A_54 : memref<28x128xi32, #tpu.memory_space<hbm>>) target(%arg9 : memref<28x128xi32, #tpu.memory_space<vmem>>) target_semaphore(%run_scoped3A : memref<!tpu.dma_semaphore, #tpu.memory_space<semaphore_mem>>)
        %dma_wait3A = arith.constant 0 : i32
        %dma_wait3A_55 = tpu.memref_slice %arg5[%add3A, %mul3A_44, %dma_wait3A] : memref<32x196x128xi32, #tpu.memory_space<hbm>> -> memref<1x28x128xi32, #tpu.memory_space<hbm>>
        %dma_wait3A_56 = tpu.memref_squeeze %dma_wait3A_55 : memref<1x28x128xi32, #tpu.memory_space<hbm>> -> memref<28x128xi32, #tpu.memory_space<hbm>>
        %dma_wait3A_57 = arith.constant 0 : i32
        %dma_wait3A_58 = tpu.memref_slice %arg5[%add3A, %mul3A_44, %dma_wait3A_57] : memref<32x196x128xi32, #tpu.memory_space<hbm>> -> memref<1x28x128xi32, #tpu.memory_space<hbm>>
        %dma_wait3A_59 = tpu.memref_squeeze %dma_wait3A_58 : memref<1x28x128xi32, #tpu.memory_space<hbm>> -> memref<28x128xi32, #tpu.memory_space<hbm>>
        tpu.wait_dma2 semaphore(%run_scoped3A : memref<!tpu.dma_semaphore, #tpu.memory_space<semaphore_mem>>) src(%dma_wait3A_59 : memref<28x128xi32, #tpu.memory_space<hbm>>) dst(%arg9 : memref<28x128xi32, #tpu.memory_space<vmem>>)
        tpu.yield
      }) : () -> ()
      %scan3A_45 = arith.constant 0 : i32
      %scan3A_46 = arith.constant 7 : i32
      %scan3A_47 = arith.addi %scan3A_45, %scan3A_46 : i32
      %scan3A_48 = arith.constant 1 : i32
      scf.for %scan3A_50 = %scan3A_45 to %scan3A_47 step %scan3A_48  : i32 {
        %mul3A_51 = arith.constant 1 : i32
        %mul3A_52 = arith.muli %scan3A_50, %mul3A_51 : i32
        %add3A_53 = arith.constant 0 : i32
        %add3A_54 = arith.addi %add3A_53, %mul3A_52 : i32
        %mul3A_55 = arith.constant 4 : i32
        %mul3A_56 = arith.muli %add3A_54, %mul3A_55 : i32
        %add3A_57 = arith.constant 0 : i32
        %add3A_58 = arith.addi %mul3A_56, %add3A_57 : i32
        %dma_start3A = arith.constant 0 : i32
        %dma_start3A_59 = arith.constant 0 : i32
        %dma_start3A_60 = arith.constant 0 : i32
        %dma_start3A_61 = tpu.memref_slice %arg10[%dma_start3A, %dma_start3A_59, %dma_start3A_60] : memref<4x128x32xf32, #tpu.memory_space<vmem>> -> memref<1x128x32xf32, #tpu.memory_space<vmem>>
        %dma_start3A_62 = tpu.memref_squeeze %dma_start3A_61 : memref<1x128x32xf32, #tpu.memory_space<vmem>> -> memref<128x32xf32, #tpu.memory_space<vmem>>
        %dma_start3A_63 = arith.constant 0 : i32
        %dma_start3A_64 = tpu.memref_slice %arg8[%add3A_58, %dma_start3A_63] : memref<28x128xi32, #tpu.memory_space<vmem>> -> memref<1x128xi32, #tpu.memory_space<vmem>>
        %dma_start3A_65 = tpu.memref_squeeze %dma_start3A_64 : memref<1x128xi32, #tpu.memory_space<vmem>> -> memref<128xi32, #tpu.memory_space<vmem>>
        %dma_start3A_66 = arith.constant 0 : i32
        %dma_start3A_67 = arith.constant 0 : i32
        %dma_start3A_68 = tpu.memref_slice %arg2[%dma_start3A_66, %dma_start3A_67] : memref<50176x32xf32, #tpu.memory_space<hbm>> -> memref<50176x32xf32, #tpu.memory_space<hbm>>
        tpu.enqueue_indirect_dma source(%dma_start3A_68 : memref<50176x32xf32, #tpu.memory_space<hbm>>) target(%dma_start3A_62 : memref<128x32xf32, #tpu.memory_space<vmem>>) offsets(%dma_start3A_65 : memref<128xi32, #tpu.memory_space<vmem>>) semaphore(%arg14 : memref<!tpu.dma_semaphore, #tpu.memory_space<semaphore_mem>>)
        %mul3A_69 = arith.constant 4 : i32
        %mul3A_70 = arith.muli %add3A_54, %mul3A_69 : i32
        %add3A_71 = arith.constant 0 : i32
        %add3A_72 = arith.addi %mul3A_70, %add3A_71 : i32
        %dma_start3A_73 = arith.constant 0 : i32
        %dma_start3A_74 = arith.constant 0 : i32
        %dma_start3A_75 = tpu.memref_slice %arg11[%dma_start3A_73, %dma_start3A_74] : memref<4x128xf32, #tpu.memory_space<vmem>> -> memref<1x128xf32, #tpu.memory_space<vmem>>
        %dma_start3A_76 = tpu.memref_squeeze %dma_start3A_75 : memref<1x128xf32, #tpu.memory_space<vmem>> -> memref<128xf32, #tpu.memory_space<vmem>>
        %dma_start3A_77 = arith.constant 0 : i32
        %dma_start3A_78 = tpu.memref_slice %arg9[%add3A_72, %dma_start3A_77] : memref<28x128xi32, #tpu.memory_space<vmem>> -> memref<1x128xi32, #tpu.memory_space<vmem>>
        %dma_start3A_79 = tpu.memref_squeeze %dma_start3A_78 : memref<1x128xi32, #tpu.memory_space<vmem>> -> memref<128xi32, #tpu.memory_space<vmem>>
        %dma_start3A_80 = arith.constant 0 : i32
        %dma_start3A_81 = tpu.memref_slice %arg3[%dma_start3A_80] : memref<50176xf32, #tpu.memory_space<hbm>> -> memref<50176xf32, #tpu.memory_space<hbm>>
        tpu.enqueue_indirect_dma source(%dma_start3A_81 : memref<50176xf32, #tpu.memory_space<hbm>>) target(%dma_start3A_76 : memref<128xf32, #tpu.memory_space<vmem>>) offsets(%dma_start3A_79 : memref<128xi32, #tpu.memory_space<vmem>>) semaphore(%arg22 : memref<!tpu.dma_semaphore, #tpu.memory_space<semaphore_mem>>)
        %mul3A_82 = arith.constant 4 : i32
        %mul3A_83 = arith.muli %add3A_54, %mul3A_82 : i32
        %add3A_84 = arith.constant 1 : i32
        %add3A_85 = arith.addi %mul3A_83, %add3A_84 : i32
        %dma_start3A_86 = arith.constant 1 : i32
        %dma_start3A_87 = arith.constant 0 : i32
        %dma_start3A_88 = arith.constant 0 : i32
        %dma_start3A_89 = tpu.memref_slice %arg10[%dma_start3A_86, %dma_start3A_87, %dma_start3A_88] : memref<4x128x32xf32, #tpu.memory_space<vmem>> -> memref<1x128x32xf32, #tpu.memory_space<vmem>>
        %dma_start3A_90 = tpu.memref_squeeze %dma_start3A_89 : memref<1x128x32xf32, #tpu.memory_space<vmem>> -> memref<128x32xf32, #tpu.memory_space<vmem>>
        %dma_start3A_91 = arith.constant 0 : i32
        %dma_start3A_92 = tpu.memref_slice %arg8[%add3A_85, %dma_start3A_91] : memref<28x128xi32, #tpu.memory_space<vmem>> -> memref<1x128xi32, #tpu.memory_space<vmem>>
        %dma_start3A_93 = tpu.memref_squeeze %dma_start3A_92 : memref<1x128xi32, #tpu.memory_space<vmem>> -> memref<128xi32, #tpu.memory_space<vmem>>
        %dma_start3A_94 = arith.constant 0 : i32
        %dma_start3A_95 = arith.constant 0 : i32
        %dma_start3A_96 = tpu.memref_slice %arg2[%dma_start3A_94, %dma_start3A_95] : memref<50176x32xf32, #tpu.memory_space<hbm>> -> memref<50176x32xf32, #tpu.memory_space<hbm>>
        tpu.enqueue_indirect_dma source(%dma_start3A_96 : memref<50176x32xf32, #tpu.memory_space<hbm>>) target(%dma_start3A_90 : memref<128x32xf32, #tpu.memory_space<vmem>>) offsets(%dma_start3A_93 : memref<128xi32, #tpu.memory_space<vmem>>) semaphore(%arg15 : memref<!tpu.dma_semaphore, #tpu.memory_space<semaphore_mem>>)
        %mul3A_97 = arith.constant 4 : i32
        %mul3A_98 = arith.muli %add3A_54, %mul3A_97 : i32
        %add3A_99 = arith.constant 1 : i32
        %add3A_100 = arith.addi %mul3A_98, %add3A_99 : i32
        %dma_start3A_101 = arith.constant 1 : i32
        %dma_start3A_102 = arith.constant 0 : i32
        %dma_start3A_103 = tpu.memref_slice %arg11[%dma_start3A_101, %dma_start3A_102] : memref<4x128xf32, #tpu.memory_space<vmem>> -> memref<1x128xf32, #tpu.memory_space<vmem>>
        %dma_start3A_104 = tpu.memref_squeeze %dma_start3A_103 : memref<1x128xf32, #tpu.memory_space<vmem>> -> memref<128xf32, #tpu.memory_space<vmem>>
        %dma_start3A_105 = arith.constant 0 : i32
        %dma_start3A_106 = tpu.memref_slice %arg9[%add3A_100, %dma_start3A_105] : memref<28x128xi32, #tpu.memory_space<vmem>> -> memref<1x128xi32, #tpu.memory_space<vmem>>
        %dma_start3A_107 = tpu.memref_squeeze %dma_start3A_106 : memref<1x128xi32, #tpu.memory_space<vmem>> -> memref<128xi32, #tpu.memory_space<vmem>>
        %dma_start3A_108 = arith.constant 0 : i32
        %dma_start3A_109 = tpu.memref_slice %arg3[%dma_start3A_108] : memref<50176xf32, #tpu.memory_space<hbm>> -> memref<50176xf32, #tpu.memory_space<hbm>>
        tpu.enqueue_indirect_dma source(%dma_start3A_109 : memref<50176xf32, #tpu.memory_space<hbm>>) target(%dma_start3A_104 : memref<128xf32, #tpu.memory_space<vmem>>) offsets(%dma_start3A_107 : memref<128xi32, #tpu.memory_space<vmem>>) semaphore(%arg23 : memref<!tpu.dma_semaphore, #tpu.memory_space<semaphore_mem>>)
        %mul3A_110 = arith.constant 4 : i32
        %mul3A_111 = arith.muli %add3A_54, %mul3A_110 : i32
        %add3A_112 = arith.constant 2 : i32
        %add3A_113 = arith.addi %mul3A_111, %add3A_112 : i32
        %dma_start3A_114 = arith.constant 2 : i32
        %dma_start3A_115 = arith.constant 0 : i32
        %dma_start3A_116 = arith.constant 0 : i32
        %dma_start3A_117 = tpu.memref_slice %arg10[%dma_start3A_114, %dma_start3A_115, %dma_start3A_116] : memref<4x128x32xf32, #tpu.memory_space<vmem>> -> memref<1x128x32xf32, #tpu.memory_space<vmem>>
        %dma_start3A_118 = tpu.memref_squeeze %dma_start3A_117 : memref<1x128x32xf32, #tpu.memory_space<vmem>> -> memref<128x32xf32, #tpu.memory_space<vmem>>
        %dma_start3A_119 = arith.constant 0 : i32
        %dma_start3A_120 = tpu.memref_slice %arg8[%add3A_113, %dma_start3A_119] : memref<28x128xi32, #tpu.memory_space<vmem>> -> memref<1x128xi32, #tpu.memory_space<vmem>>
        %dma_start3A_121 = tpu.memref_squeeze %dma_start3A_120 : memref<1x128xi32, #tpu.memory_space<vmem>> -> memref<128xi32, #tpu.memory_space<vmem>>
        %dma_start3A_122 = arith.constant 0 : i32
        %dma_start3A_123 = arith.constant 0 : i32
        %dma_start3A_124 = tpu.memref_slice %arg2[%dma_start3A_122, %dma_start3A_123] : memref<50176x32xf32, #tpu.memory_space<hbm>> -> memref<50176x32xf32, #tpu.memory_space<hbm>>
        tpu.enqueue_indirect_dma source(%dma_start3A_124 : memref<50176x32xf32, #tpu.memory_space<hbm>>) target(%dma_start3A_118 : memref<128x32xf32, #tpu.memory_space<vmem>>) offsets(%dma_start3A_121 : memref<128xi32, #tpu.memory_space<vmem>>) semaphore(%arg16 : memref<!tpu.dma_semaphore, #tpu.memory_space<semaphore_mem>>)
        %mul3A_125 = arith.constant 4 : i32
        %mul3A_126 = arith.muli %add3A_54, %mul3A_125 : i32
        %add3A_127 = arith.constant 2 : i32
        %add3A_128 = arith.addi %mul3A_126, %add3A_127 : i32
        %dma_start3A_129 = arith.constant 2 : i32
        %dma_start3A_130 = arith.constant 0 : i32
        %dma_start3A_131 = tpu.memref_slice %arg11[%dma_start3A_129, %dma_start3A_130] : memref<4x128xf32, #tpu.memory_space<vmem>> -> memref<1x128xf32, #tpu.memory_space<vmem>>
        %dma_start3A_132 = tpu.memref_squeeze %dma_start3A_131 : memref<1x128xf32, #tpu.memory_space<vmem>> -> memref<128xf32, #tpu.memory_space<vmem>>
        %dma_start3A_133 = arith.constant 0 : i32
        %dma_start3A_134 = tpu.memref_slice %arg9[%add3A_128, %dma_start3A_133] : memref<28x128xi32, #tpu.memory_space<vmem>> -> memref<1x128xi32, #tpu.memory_space<vmem>>
        %dma_start3A_135 = tpu.memref_squeeze %dma_start3A_134 : memref<1x128xi32, #tpu.memory_space<vmem>> -> memref<128xi32, #tpu.memory_space<vmem>>
        %dma_start3A_136 = arith.constant 0 : i32
        %dma_start3A_137 = tpu.memref_slice %arg3[%dma_start3A_136] : memref<50176xf32, #tpu.memory_space<hbm>> -> memref<50176xf32, #tpu.memory_space<hbm>>
        tpu.enqueue_indirect_dma source(%dma_start3A_137 : memref<50176xf32, #tpu.memory_space<hbm>>) target(%dma_start3A_132 : memref<128xf32, #tpu.memory_space<vmem>>) offsets(%dma_start3A_135 : memref<128xi32, #tpu.memory_space<vmem>>) semaphore(%arg24 : memref<!tpu.dma_semaphore, #tpu.memory_space<semaphore_mem>>)
        %mul3A_138 = arith.constant 4 : i32
        %mul3A_139 = arith.muli %add3A_54, %mul3A_138 : i32
        %add3A_140 = arith.constant 3 : i32
        %add3A_141 = arith.addi %mul3A_139, %add3A_140 : i32
        %dma_start3A_142 = arith.constant 3 : i32
        %dma_start3A_143 = arith.constant 0 : i32
        %dma_start3A_144 = arith.constant 0 : i32
        %dma_start3A_145 = tpu.memref_slice %arg10[%dma_start3A_142, %dma_start3A_143, %dma_start3A_144] : memref<4x128x32xf32, #tpu.memory_space<vmem>> -> memref<1x128x32xf32, #tpu.memory_space<vmem>>
        %dma_start3A_146 = tpu.memref_squeeze %dma_start3A_145 : memref<1x128x32xf32, #tpu.memory_space<vmem>> -> memref<128x32xf32, #tpu.memory_space<vmem>>
        %dma_start3A_147 = arith.constant 0 : i32
        %dma_start3A_148 = tpu.memref_slice %arg8[%add3A_141, %dma_start3A_147] : memref<28x128xi32, #tpu.memory_space<vmem>> -> memref<1x128xi32, #tpu.memory_space<vmem>>
        %dma_start3A_149 = tpu.memref_squeeze %dma_start3A_148 : memref<1x128xi32, #tpu.memory_space<vmem>> -> memref<128xi32, #tpu.memory_space<vmem>>
        %dma_start3A_150 = arith.constant 0 : i32
        %dma_start3A_151 = arith.constant 0 : i32
        %dma_start3A_152 = tpu.memref_slice %arg2[%dma_start3A_150, %dma_start3A_151] : memref<50176x32xf32, #tpu.memory_space<hbm>> -> memref<50176x32xf32, #tpu.memory_space<hbm>>
        tpu.enqueue_indirect_dma source(%dma_start3A_152 : memref<50176x32xf32, #tpu.memory_space<hbm>>) target(%dma_start3A_146 : memref<128x32xf32, #tpu.memory_space<vmem>>) offsets(%dma_start3A_149 : memref<128xi32, #tpu.memory_space<vmem>>) semaphore(%arg17 : memref<!tpu.dma_semaphore, #tpu.memory_space<semaphore_mem>>)
        %mul3A_153 = arith.constant 4 : i32
        %mul3A_154 = arith.muli %add3A_54, %mul3A_153 : i32
        %add3A_155 = arith.constant 3 : i32
        %add3A_156 = arith.addi %mul3A_154, %add3A_155 : i32
        %dma_start3A_157 = arith.constant 3 : i32
        %dma_start3A_158 = arith.constant 0 : i32
        %dma_start3A_159 = tpu.memref_slice %arg11[%dma_start3A_157, %dma_start3A_158] : memref<4x128xf32, #tpu.memory_space<vmem>> -> memref<1x128xf32, #tpu.memory_space<vmem>>
        %dma_start3A_160 = tpu.memref_squeeze %dma_start3A_159 : memref<1x128xf32, #tpu.memory_space<vmem>> -> memref<128xf32, #tpu.memory_space<vmem>>
        %dma_start3A_161 = arith.constant 0 : i32
        %dma_start3A_162 = tpu.memref_slice %arg9[%add3A_156, %dma_start3A_161] : memref<28x128xi32, #tpu.memory_space<vmem>> -> memref<1x128xi32, #tpu.memory_space<vmem>>
        %dma_start3A_163 = tpu.memref_squeeze %dma_start3A_162 : memref<1x128xi32, #tpu.memory_space<vmem>> -> memref<128xi32, #tpu.memory_space<vmem>>
        %dma_start3A_164 = arith.constant 0 : i32
        %dma_start3A_165 = tpu.memref_slice %arg3[%dma_start3A_164] : memref<50176xf32, #tpu.memory_space<hbm>> -> memref<50176xf32, #tpu.memory_space<hbm>>
        tpu.enqueue_indirect_dma source(%dma_start3A_165 : memref<50176xf32, #tpu.memory_space<hbm>>) target(%dma_start3A_160 : memref<128xf32, #tpu.memory_space<vmem>>) offsets(%dma_start3A_163 : memref<128xi32, #tpu.memory_space<vmem>>) semaphore(%arg25 : memref<!tpu.dma_semaphore, #tpu.memory_space<semaphore_mem>>)
        %dma_wait3A = arith.constant 0 : i32
        %dma_wait3A_166 = arith.constant 0 : i32
        %dma_wait3A_167 = arith.constant 0 : i32
        %dma_wait3A_168 = tpu.memref_slice %arg10[%dma_wait3A, %dma_wait3A_166, %dma_wait3A_167] : memref<4x128x32xf32, #tpu.memory_space<vmem>> -> memref<1x128x32xf32, #tpu.memory_space<vmem>>
        %dma_wait3A_169 = tpu.memref_squeeze %dma_wait3A_168 : memref<1x128x32xf32, #tpu.memory_space<vmem>> -> memref<128x32xf32, #tpu.memory_space<vmem>>
        %dma_wait3A_170 = arith.constant 0 : i32
        %dma_wait3A_171 = tpu.memref_slice %arg8[%add3A_58, %dma_wait3A_170] : memref<28x128xi32, #tpu.memory_space<vmem>> -> memref<1x128xi32, #tpu.memory_space<vmem>>
        %dma_wait3A_172 = tpu.memref_squeeze %dma_wait3A_171 : memref<1x128xi32, #tpu.memory_space<vmem>> -> memref<128xi32, #tpu.memory_space<vmem>>
        %dma_wait3A_173 = arith.constant 0 : i32
        %dma_wait3A_174 = arith.constant 0 : i32
        %dma_wait3A_175 = tpu.memref_slice %arg2[%dma_wait3A_173, %dma_wait3A_174] : memref<50176x32xf32, #tpu.memory_space<hbm>> -> memref<50176x32xf32, #tpu.memory_space<hbm>>
        tpu.wait_indirect_dma semaphore(%arg14 : memref<!tpu.dma_semaphore, #tpu.memory_space<semaphore_mem>>) src(%dma_wait3A_175 : memref<50176x32xf32, #tpu.memory_space<hbm>>) dst(%dma_wait3A_169 : memref<128x32xf32, #tpu.memory_space<vmem>>)
        %mul3A_176 = arith.constant 4 : i32
        %mul3A_177 = arith.muli %add3A_54, %mul3A_176 : i32
        %add3A_178 = arith.constant 0 : i32
        %add3A_179 = arith.addi %mul3A_177, %add3A_178 : i32
        %dma_start3A_180 = arith.constant 0 : i32
        %dma_start3A_181 = arith.constant 0 : i32
        %dma_start3A_182 = arith.constant 0 : i32
        %dma_start3A_183 = tpu.memref_slice %arg10[%dma_start3A_180, %dma_start3A_181, %dma_start3A_182] : memref<4x128x32xf32, #tpu.memory_space<vmem>> -> memref<1x128x32xf32, #tpu.memory_space<vmem>>
        %dma_start3A_184 = tpu.memref_squeeze %dma_start3A_183 : memref<1x128x32xf32, #tpu.memory_space<vmem>> -> memref<128x32xf32, #tpu.memory_space<vmem>>
        %dma_start3A_185 = arith.constant 0 : i32
        %dma_start3A_186 = tpu.memref_slice %arg9[%add3A_179, %dma_start3A_185] : memref<28x128xi32, #tpu.memory_space<vmem>> -> memref<1x128xi32, #tpu.memory_space<vmem>>
        %dma_start3A_187 = tpu.memref_squeeze %dma_start3A_186 : memref<1x128xi32, #tpu.memory_space<vmem>> -> memref<128xi32, #tpu.memory_space<vmem>>
        %dma_start3A_188 = arith.constant 0 : i32
        %dma_start3A_189 = arith.constant 0 : i32
        %dma_start3A_190 = tpu.memref_slice %arg30[%dma_start3A_188, %dma_start3A_189] : memref<50176x32xf32, #tpu.memory_space<vmem_shared>> -> memref<50176x32xf32, #tpu.memory_space<vmem_shared>>
        tpu.enqueue_indirect_dma source(%dma_start3A_184 : memref<128x32xf32, #tpu.memory_space<vmem>>) target(%dma_start3A_190 : memref<50176x32xf32, #tpu.memory_space<vmem_shared>>) offsets(%dma_start3A_187 : memref<128xi32, #tpu.memory_space<vmem>>) semaphore(%arg18 : memref<!tpu.dma_semaphore, #tpu.memory_space<semaphore_mem>>) {add = true}
        %dma_wait3A_191 = arith.constant 0 : i32
        %dma_wait3A_192 = arith.constant 0 : i32
        %dma_wait3A_193 = tpu.memref_slice %arg11[%dma_wait3A_191, %dma_wait3A_192] : memref<4x128xf32, #tpu.memory_space<vmem>> -> memref<1x128xf32, #tpu.memory_space<vmem>>
        %dma_wait3A_194 = tpu.memref_squeeze %dma_wait3A_193 : memref<1x128xf32, #tpu.memory_space<vmem>> -> memref<128xf32, #tpu.memory_space<vmem>>
        %dma_wait3A_195 = arith.constant 0 : i32
        %dma_wait3A_196 = tpu.memref_slice %arg9[%add3A_72, %dma_wait3A_195] : memref<28x128xi32, #tpu.memory_space<vmem>> -> memref<1x128xi32, #tpu.memory_space<vmem>>
        %dma_wait3A_197 = tpu.memref_squeeze %dma_wait3A_196 : memref<1x128xi32, #tpu.memory_space<vmem>> -> memref<128xi32, #tpu.memory_space<vmem>>
        %dma_wait3A_198 = arith.constant 0 : i32
        %dma_wait3A_199 = tpu.memref_slice %arg3[%dma_wait3A_198] : memref<50176xf32, #tpu.memory_space<hbm>> -> memref<50176xf32, #tpu.memory_space<hbm>>
        tpu.wait_indirect_dma semaphore(%arg22 : memref<!tpu.dma_semaphore, #tpu.memory_space<semaphore_mem>>) src(%dma_wait3A_199 : memref<50176xf32, #tpu.memory_space<hbm>>) dst(%dma_wait3A_194 : memref<128xf32, #tpu.memory_space<vmem>>)
        %mul3A_200 = arith.constant 4 : i32
        %mul3A_201 = arith.muli %add3A_54, %mul3A_200 : i32
        %add3A_202 = arith.constant 0 : i32
        %add3A_203 = arith.addi %mul3A_201, %add3A_202 : i32
        %dma_start3A_204 = arith.constant 0 : i32
        %dma_start3A_205 = arith.constant 0 : i32
        %dma_start3A_206 = tpu.memref_slice %arg11[%dma_start3A_204, %dma_start3A_205] : memref<4x128xf32, #tpu.memory_space<vmem>> -> memref<1x128xf32, #tpu.memory_space<vmem>>
        %dma_start3A_207 = tpu.memref_squeeze %dma_start3A_206 : memref<1x128xf32, #tpu.memory_space<vmem>> -> memref<128xf32, #tpu.memory_space<vmem>>
        %dma_start3A_208 = arith.constant 0 : i32
        %dma_start3A_209 = tpu.memref_slice %arg8[%add3A_203, %dma_start3A_208] : memref<28x128xi32, #tpu.memory_space<vmem>> -> memref<1x128xi32, #tpu.memory_space<vmem>>
        %dma_start3A_210 = tpu.memref_squeeze %dma_start3A_209 : memref<1x128xi32, #tpu.memory_space<vmem>> -> memref<128xi32, #tpu.memory_space<vmem>>
        %dma_start3A_211 = arith.constant 0 : i32
        %dma_start3A_212 = tpu.memref_slice %arg31[%dma_start3A_211] : memref<50176xf32, #tpu.memory_space<vmem_shared>> -> memref<50176xf32, #tpu.memory_space<vmem_shared>>
        tpu.enqueue_indirect_dma source(%dma_start3A_207 : memref<128xf32, #tpu.memory_space<vmem>>) target(%dma_start3A_212 : memref<50176xf32, #tpu.memory_space<vmem_shared>>) offsets(%dma_start3A_210 : memref<128xi32, #tpu.memory_space<vmem>>) semaphore(%arg26 : memref<!tpu.dma_semaphore, #tpu.memory_space<semaphore_mem>>) {add = true}
        %dma_wait3A_213 = arith.constant 1 : i32
        %dma_wait3A_214 = arith.constant 0 : i32
        %dma_wait3A_215 = arith.constant 0 : i32
        %dma_wait3A_216 = tpu.memref_slice %arg10[%dma_wait3A_213, %dma_wait3A_214, %dma_wait3A_215] : memref<4x128x32xf32, #tpu.memory_space<vmem>> -> memref<1x128x32xf32, #tpu.memory_space<vmem>>
        %dma_wait3A_217 = tpu.memref_squeeze %dma_wait3A_216 : memref<1x128x32xf32, #tpu.memory_space<vmem>> -> memref<128x32xf32, #tpu.memory_space<vmem>>
        %dma_wait3A_218 = arith.constant 0 : i32
        %dma_wait3A_219 = tpu.memref_slice %arg8[%add3A_85, %dma_wait3A_218] : memref<28x128xi32, #tpu.memory_space<vmem>> -> memref<1x128xi32, #tpu.memory_space<vmem>>
        %dma_wait3A_220 = tpu.memref_squeeze %dma_wait3A_219 : memref<1x128xi32, #tpu.memory_space<vmem>> -> memref<128xi32, #tpu.memory_space<vmem>>
        %dma_wait3A_221 = arith.constant 0 : i32
        %dma_wait3A_222 = arith.constant 0 : i32
        %dma_wait3A_223 = tpu.memref_slice %arg2[%dma_wait3A_221, %dma_wait3A_222] : memref<50176x32xf32, #tpu.memory_space<hbm>> -> memref<50176x32xf32, #tpu.memory_space<hbm>>
        tpu.wait_indirect_dma semaphore(%arg15 : memref<!tpu.dma_semaphore, #tpu.memory_space<semaphore_mem>>) src(%dma_wait3A_223 : memref<50176x32xf32, #tpu.memory_space<hbm>>) dst(%dma_wait3A_217 : memref<128x32xf32, #tpu.memory_space<vmem>>)
        %mul3A_224 = arith.constant 4 : i32
        %mul3A_225 = arith.muli %add3A_54, %mul3A_224 : i32
        %add3A_226 = arith.constant 1 : i32
        %add3A_227 = arith.addi %mul3A_225, %add3A_226 : i32
        %dma_start3A_228 = arith.constant 1 : i32
        %dma_start3A_229 = arith.constant 0 : i32
        %dma_start3A_230 = arith.constant 0 : i32
        %dma_start3A_231 = tpu.memref_slice %arg10[%dma_start3A_228, %dma_start3A_229, %dma_start3A_230] : memref<4x128x32xf32, #tpu.memory_space<vmem>> -> memref<1x128x32xf32, #tpu.memory_space<vmem>>
        %dma_start3A_232 = tpu.memref_squeeze %dma_start3A_231 : memref<1x128x32xf32, #tpu.memory_space<vmem>> -> memref<128x32xf32, #tpu.memory_space<vmem>>
        %dma_start3A_233 = arith.constant 0 : i32
        %dma_start3A_234 = tpu.memref_slice %arg9[%add3A_227, %dma_start3A_233] : memref<28x128xi32, #tpu.memory_space<vmem>> -> memref<1x128xi32, #tpu.memory_space<vmem>>
        %dma_start3A_235 = tpu.memref_squeeze %dma_start3A_234 : memref<1x128xi32, #tpu.memory_space<vmem>> -> memref<128xi32, #tpu.memory_space<vmem>>
        %dma_start3A_236 = arith.constant 0 : i32
        %dma_start3A_237 = arith.constant 0 : i32
        %dma_start3A_238 = tpu.memref_slice %arg30[%dma_start3A_236, %dma_start3A_237] : memref<50176x32xf32, #tpu.memory_space<vmem_shared>> -> memref<50176x32xf32, #tpu.memory_space<vmem_shared>>
        tpu.enqueue_indirect_dma source(%dma_start3A_232 : memref<128x32xf32, #tpu.memory_space<vmem>>) target(%dma_start3A_238 : memref<50176x32xf32, #tpu.memory_space<vmem_shared>>) offsets(%dma_start3A_235 : memref<128xi32, #tpu.memory_space<vmem>>) semaphore(%arg19 : memref<!tpu.dma_semaphore, #tpu.memory_space<semaphore_mem>>) {add = true}
        %dma_wait3A_239 = arith.constant 1 : i32
        %dma_wait3A_240 = arith.constant 0 : i32
        %dma_wait3A_241 = tpu.memref_slice %arg11[%dma_wait3A_239, %dma_wait3A_240] : memref<4x128xf32, #tpu.memory_space<vmem>> -> memref<1x128xf32, #tpu.memory_space<vmem>>
        %dma_wait3A_242 = tpu.memref_squeeze %dma_wait3A_241 : memref<1x128xf32, #tpu.memory_space<vmem>> -> memref<128xf32, #tpu.memory_space<vmem>>
        %dma_wait3A_243 = arith.constant 0 : i32
        %dma_wait3A_244 = tpu.memref_slice %arg9[%add3A_100, %dma_wait3A_243] : memref<28x128xi32, #tpu.memory_space<vmem>> -> memref<1x128xi32, #tpu.memory_space<vmem>>
        %dma_wait3A_245 = tpu.memref_squeeze %dma_wait3A_244 : memref<1x128xi32, #tpu.memory_space<vmem>> -> memref<128xi32, #tpu.memory_space<vmem>>
        %dma_wait3A_246 = arith.constant 0 : i32
        %dma_wait3A_247 = tpu.memref_slice %arg3[%dma_wait3A_246] : memref<50176xf32, #tpu.memory_space<hbm>> -> memref<50176xf32, #tpu.memory_space<hbm>>
        tpu.wait_indirect_dma semaphore(%arg23 : memref<!tpu.dma_semaphore, #tpu.memory_space<semaphore_mem>>) src(%dma_wait3A_247 : memref<50176xf32, #tpu.memory_space<hbm>>) dst(%dma_wait3A_242 : memref<128xf32, #tpu.memory_space<vmem>>)
        %mul3A_248 = arith.constant 4 : i32
        %mul3A_249 = arith.muli %add3A_54, %mul3A_248 : i32
        %add3A_250 = arith.constant 1 : i32
        %add3A_251 = arith.addi %mul3A_249, %add3A_250 : i32
        %dma_start3A_252 = arith.constant 1 : i32
        %dma_start3A_253 = arith.constant 0 : i32
        %dma_start3A_254 = tpu.memref_slice %arg11[%dma_start3A_252, %dma_start3A_253] : memref<4x128xf32, #tpu.memory_space<vmem>> -> memref<1x128xf32, #tpu.memory_space<vmem>>
        %dma_start3A_255 = tpu.memref_squeeze %dma_start3A_254 : memref<1x128xf32, #tpu.memory_space<vmem>> -> memref<128xf32, #tpu.memory_space<vmem>>
        %dma_start3A_256 = arith.constant 0 : i32
        %dma_start3A_257 = tpu.memref_slice %arg8[%add3A_251, %dma_start3A_256] : memref<28x128xi32, #tpu.memory_space<vmem>> -> memref<1x128xi32, #tpu.memory_space<vmem>>
        %dma_start3A_258 = tpu.memref_squeeze %dma_start3A_257 : memref<1x128xi32, #tpu.memory_space<vmem>> -> memref<128xi32, #tpu.memory_space<vmem>>
        %dma_start3A_259 = arith.constant 0 : i32
        %dma_start3A_260 = tpu.memref_slice %arg31[%dma_start3A_259] : memref<50176xf32, #tpu.memory_space<vmem_shared>> -> memref<50176xf32, #tpu.memory_space<vmem_shared>>
        tpu.enqueue_indirect_dma source(%dma_start3A_255 : memref<128xf32, #tpu.memory_space<vmem>>) target(%dma_start3A_260 : memref<50176xf32, #tpu.memory_space<vmem_shared>>) offsets(%dma_start3A_258 : memref<128xi32, #tpu.memory_space<vmem>>) semaphore(%arg27 : memref<!tpu.dma_semaphore, #tpu.memory_space<semaphore_mem>>) {add = true}
        %dma_wait3A_261 = arith.constant 2 : i32
        %dma_wait3A_262 = arith.constant 0 : i32
        %dma_wait3A_263 = arith.constant 0 : i32
        %dma_wait3A_264 = tpu.memref_slice %arg10[%dma_wait3A_261, %dma_wait3A_262, %dma_wait3A_263] : memref<4x128x32xf32, #tpu.memory_space<vmem>> -> memref<1x128x32xf32, #tpu.memory_space<vmem>>
        %dma_wait3A_265 = tpu.memref_squeeze %dma_wait3A_264 : memref<1x128x32xf32, #tpu.memory_space<vmem>> -> memref<128x32xf32, #tpu.memory_space<vmem>>
        %dma_wait3A_266 = arith.constant 0 : i32
        %dma_wait3A_267 = tpu.memref_slice %arg8[%add3A_113, %dma_wait3A_266] : memref<28x128xi32, #tpu.memory_space<vmem>> -> memref<1x128xi32, #tpu.memory_space<vmem>>
        %dma_wait3A_268 = tpu.memref_squeeze %dma_wait3A_267 : memref<1x128xi32, #tpu.memory_space<vmem>> -> memref<128xi32, #tpu.memory_space<vmem>>
        %dma_wait3A_269 = arith.constant 0 : i32
        %dma_wait3A_270 = arith.constant 0 : i32
        %dma_wait3A_271 = tpu.memref_slice %arg2[%dma_wait3A_269, %dma_wait3A_270] : memref<50176x32xf32, #tpu.memory_space<hbm>> -> memref<50176x32xf32, #tpu.memory_space<hbm>>
        tpu.wait_indirect_dma semaphore(%arg16 : memref<!tpu.dma_semaphore, #tpu.memory_space<semaphore_mem>>) src(%dma_wait3A_271 : memref<50176x32xf32, #tpu.memory_space<hbm>>) dst(%dma_wait3A_265 : memref<128x32xf32, #tpu.memory_space<vmem>>)
        %mul3A_272 = arith.constant 4 : i32
        %mul3A_273 = arith.muli %add3A_54, %mul3A_272 : i32
        %add3A_274 = arith.constant 2 : i32
        %add3A_275 = arith.addi %mul3A_273, %add3A_274 : i32
        %dma_start3A_276 = arith.constant 2 : i32
        %dma_start3A_277 = arith.constant 0 : i32
        %dma_start3A_278 = arith.constant 0 : i32
        %dma_start3A_279 = tpu.memref_slice %arg10[%dma_start3A_276, %dma_start3A_277, %dma_start3A_278] : memref<4x128x32xf32, #tpu.memory_space<vmem>> -> memref<1x128x32xf32, #tpu.memory_space<vmem>>
        %dma_start3A_280 = tpu.memref_squeeze %dma_start3A_279 : memref<1x128x32xf32, #tpu.memory_space<vmem>> -> memref<128x32xf32, #tpu.memory_space<vmem>>
        %dma_start3A_281 = arith.constant 0 : i32
        %dma_start3A_282 = tpu.memref_slice %arg9[%add3A_275, %dma_start3A_281] : memref<28x128xi32, #tpu.memory_space<vmem>> -> memref<1x128xi32, #tpu.memory_space<vmem>>
        %dma_start3A_283 = tpu.memref_squeeze %dma_start3A_282 : memref<1x128xi32, #tpu.memory_space<vmem>> -> memref<128xi32, #tpu.memory_space<vmem>>
        %dma_start3A_284 = arith.constant 0 : i32
        %dma_start3A_285 = arith.constant 0 : i32
        %dma_start3A_286 = tpu.memref_slice %arg30[%dma_start3A_284, %dma_start3A_285] : memref<50176x32xf32, #tpu.memory_space<vmem_shared>> -> memref<50176x32xf32, #tpu.memory_space<vmem_shared>>
        tpu.enqueue_indirect_dma source(%dma_start3A_280 : memref<128x32xf32, #tpu.memory_space<vmem>>) target(%dma_start3A_286 : memref<50176x32xf32, #tpu.memory_space<vmem_shared>>) offsets(%dma_start3A_283 : memref<128xi32, #tpu.memory_space<vmem>>) semaphore(%arg20 : memref<!tpu.dma_semaphore, #tpu.memory_space<semaphore_mem>>) {add = true}
        %dma_wait3A_287 = arith.constant 2 : i32
        %dma_wait3A_288 = arith.constant 0 : i32
        %dma_wait3A_289 = tpu.memref_slice %arg11[%dma_wait3A_287, %dma_wait3A_288] : memref<4x128xf32, #tpu.memory_space<vmem>> -> memref<1x128xf32, #tpu.memory_space<vmem>>
        %dma_wait3A_290 = tpu.memref_squeeze %dma_wait3A_289 : memref<1x128xf32, #tpu.memory_space<vmem>> -> memref<128xf32, #tpu.memory_space<vmem>>
        %dma_wait3A_291 = arith.constant 0 : i32
        %dma_wait3A_292 = tpu.memref_slice %arg9[%add3A_128, %dma_wait3A_291] : memref<28x128xi32, #tpu.memory_space<vmem>> -> memref<1x128xi32, #tpu.memory_space<vmem>>
        %dma_wait3A_293 = tpu.memref_squeeze %dma_wait3A_292 : memref<1x128xi32, #tpu.memory_space<vmem>> -> memref<128xi32, #tpu.memory_space<vmem>>
        %dma_wait3A_294 = arith.constant 0 : i32
        %dma_wait3A_295 = tpu.memref_slice %arg3[%dma_wait3A_294] : memref<50176xf32, #tpu.memory_space<hbm>> -> memref<50176xf32, #tpu.memory_space<hbm>>
        tpu.wait_indirect_dma semaphore(%arg24 : memref<!tpu.dma_semaphore, #tpu.memory_space<semaphore_mem>>) src(%dma_wait3A_295 : memref<50176xf32, #tpu.memory_space<hbm>>) dst(%dma_wait3A_290 : memref<128xf32, #tpu.memory_space<vmem>>)
        %mul3A_296 = arith.constant 4 : i32
        %mul3A_297 = arith.muli %add3A_54, %mul3A_296 : i32
        %add3A_298 = arith.constant 2 : i32
        %add3A_299 = arith.addi %mul3A_297, %add3A_298 : i32
        %dma_start3A_300 = arith.constant 2 : i32
        %dma_start3A_301 = arith.constant 0 : i32
        %dma_start3A_302 = tpu.memref_slice %arg11[%dma_start3A_300, %dma_start3A_301] : memref<4x128xf32, #tpu.memory_space<vmem>> -> memref<1x128xf32, #tpu.memory_space<vmem>>
        %dma_start3A_303 = tpu.memref_squeeze %dma_start3A_302 : memref<1x128xf32, #tpu.memory_space<vmem>> -> memref<128xf32, #tpu.memory_space<vmem>>
        %dma_start3A_304 = arith.constant 0 : i32
        %dma_start3A_305 = tpu.memref_slice %arg8[%add3A_299, %dma_start3A_304] : memref<28x128xi32, #tpu.memory_space<vmem>> -> memref<1x128xi32, #tpu.memory_space<vmem>>
        %dma_start3A_306 = tpu.memref_squeeze %dma_start3A_305 : memref<1x128xi32, #tpu.memory_space<vmem>> -> memref<128xi32, #tpu.memory_space<vmem>>
        %dma_start3A_307 = arith.constant 0 : i32
        %dma_start3A_308 = tpu.memref_slice %arg31[%dma_start3A_307] : memref<50176xf32, #tpu.memory_space<vmem_shared>> -> memref<50176xf32, #tpu.memory_space<vmem_shared>>
        tpu.enqueue_indirect_dma source(%dma_start3A_303 : memref<128xf32, #tpu.memory_space<vmem>>) target(%dma_start3A_308 : memref<50176xf32, #tpu.memory_space<vmem_shared>>) offsets(%dma_start3A_306 : memref<128xi32, #tpu.memory_space<vmem>>) semaphore(%arg28 : memref<!tpu.dma_semaphore, #tpu.memory_space<semaphore_mem>>) {add = true}
        %dma_wait3A_309 = arith.constant 3 : i32
        %dma_wait3A_310 = arith.constant 0 : i32
        %dma_wait3A_311 = arith.constant 0 : i32
        %dma_wait3A_312 = tpu.memref_slice %arg10[%dma_wait3A_309, %dma_wait3A_310, %dma_wait3A_311] : memref<4x128x32xf32, #tpu.memory_space<vmem>> -> memref<1x128x32xf32, #tpu.memory_space<vmem>>
        %dma_wait3A_313 = tpu.memref_squeeze %dma_wait3A_312 : memref<1x128x32xf32, #tpu.memory_space<vmem>> -> memref<128x32xf32, #tpu.memory_space<vmem>>
        %dma_wait3A_314 = arith.constant 0 : i32
        %dma_wait3A_315 = tpu.memref_slice %arg8[%add3A_141, %dma_wait3A_314] : memref<28x128xi32, #tpu.memory_space<vmem>> -> memref<1x128xi32, #tpu.memory_space<vmem>>
        %dma_wait3A_316 = tpu.memref_squeeze %dma_wait3A_315 : memref<1x128xi32, #tpu.memory_space<vmem>> -> memref<128xi32, #tpu.memory_space<vmem>>
        %dma_wait3A_317 = arith.constant 0 : i32
        %dma_wait3A_318 = arith.constant 0 : i32
        %dma_wait3A_319 = tpu.memref_slice %arg2[%dma_wait3A_317, %dma_wait3A_318] : memref<50176x32xf32, #tpu.memory_space<hbm>> -> memref<50176x32xf32, #tpu.memory_space<hbm>>
        tpu.wait_indirect_dma semaphore(%arg17 : memref<!tpu.dma_semaphore, #tpu.memory_space<semaphore_mem>>) src(%dma_wait3A_319 : memref<50176x32xf32, #tpu.memory_space<hbm>>) dst(%dma_wait3A_313 : memref<128x32xf32, #tpu.memory_space<vmem>>)
        %mul3A_320 = arith.constant 4 : i32
        %mul3A_321 = arith.muli %add3A_54, %mul3A_320 : i32
        %add3A_322 = arith.constant 3 : i32
        %add3A_323 = arith.addi %mul3A_321, %add3A_322 : i32
        %dma_start3A_324 = arith.constant 3 : i32
        %dma_start3A_325 = arith.constant 0 : i32
        %dma_start3A_326 = arith.constant 0 : i32
        %dma_start3A_327 = tpu.memref_slice %arg10[%dma_start3A_324, %dma_start3A_325, %dma_start3A_326] : memref<4x128x32xf32, #tpu.memory_space<vmem>> -> memref<1x128x32xf32, #tpu.memory_space<vmem>>
        %dma_start3A_328 = tpu.memref_squeeze %dma_start3A_327 : memref<1x128x32xf32, #tpu.memory_space<vmem>> -> memref<128x32xf32, #tpu.memory_space<vmem>>
        %dma_start3A_329 = arith.constant 0 : i32
        %dma_start3A_330 = tpu.memref_slice %arg9[%add3A_323, %dma_start3A_329] : memref<28x128xi32, #tpu.memory_space<vmem>> -> memref<1x128xi32, #tpu.memory_space<vmem>>
        %dma_start3A_331 = tpu.memref_squeeze %dma_start3A_330 : memref<1x128xi32, #tpu.memory_space<vmem>> -> memref<128xi32, #tpu.memory_space<vmem>>
        %dma_start3A_332 = arith.constant 0 : i32
        %dma_start3A_333 = arith.constant 0 : i32
        %dma_start3A_334 = tpu.memref_slice %arg30[%dma_start3A_332, %dma_start3A_333] : memref<50176x32xf32, #tpu.memory_space<vmem_shared>> -> memref<50176x32xf32, #tpu.memory_space<vmem_shared>>
        tpu.enqueue_indirect_dma source(%dma_start3A_328 : memref<128x32xf32, #tpu.memory_space<vmem>>) target(%dma_start3A_334 : memref<50176x32xf32, #tpu.memory_space<vmem_shared>>) offsets(%dma_start3A_331 : memref<128xi32, #tpu.memory_space<vmem>>) semaphore(%arg21 : memref<!tpu.dma_semaphore, #tpu.memory_space<semaphore_mem>>) {add = true}
        %dma_wait3A_335 = arith.constant 3 : i32
        %dma_wait3A_336 = arith.constant 0 : i32
        %dma_wait3A_337 = tpu.memref_slice %arg11[%dma_wait3A_335, %dma_wait3A_336] : memref<4x128xf32, #tpu.memory_space<vmem>> -> memref<1x128xf32, #tpu.memory_space<vmem>>
        %dma_wait3A_338 = tpu.memref_squeeze %dma_wait3A_337 : memref<1x128xf32, #tpu.memory_space<vmem>> -> memref<128xf32, #tpu.memory_space<vmem>>
        %dma_wait3A_339 = arith.constant 0 : i32
        %dma_wait3A_340 = tpu.memref_slice %arg9[%add3A_156, %dma_wait3A_339] : memref<28x128xi32, #tpu.memory_space<vmem>> -> memref<1x128xi32, #tpu.memory_space<vmem>>
        %dma_wait3A_341 = tpu.memref_squeeze %dma_wait3A_340 : memref<1x128xi32, #tpu.memory_space<vmem>> -> memref<128xi32, #tpu.memory_space<vmem>>
        %dma_wait3A_342 = arith.constant 0 : i32
        %dma_wait3A_343 = tpu.memref_slice %arg3[%dma_wait3A_342] : memref<50176xf32, #tpu.memory_space<hbm>> -> memref<50176xf32, #tpu.memory_space<hbm>>
        tpu.wait_indirect_dma semaphore(%arg25 : memref<!tpu.dma_semaphore, #tpu.memory_space<semaphore_mem>>) src(%dma_wait3A_343 : memref<50176xf32, #tpu.memory_space<hbm>>) dst(%dma_wait3A_338 : memref<128xf32, #tpu.memory_space<vmem>>)
        %mul3A_344 = arith.constant 4 : i32
        %mul3A_345 = arith.muli %add3A_54, %mul3A_344 : i32
        %add3A_346 = arith.constant 3 : i32
        %add3A_347 = arith.addi %mul3A_345, %add3A_346 : i32
        %dma_start3A_348 = arith.constant 3 : i32
        %dma_start3A_349 = arith.constant 0 : i32
        %dma_start3A_350 = tpu.memref_slice %arg11[%dma_start3A_348, %dma_start3A_349] : memref<4x128xf32, #tpu.memory_space<vmem>> -> memref<1x128xf32, #tpu.memory_space<vmem>>
        %dma_start3A_351 = tpu.memref_squeeze %dma_start3A_350 : memref<1x128xf32, #tpu.memory_space<vmem>> -> memref<128xf32, #tpu.memory_space<vmem>>
        %dma_start3A_352 = arith.constant 0 : i32
        %dma_start3A_353 = tpu.memref_slice %arg8[%add3A_347, %dma_start3A_352] : memref<28x128xi32, #tpu.memory_space<vmem>> -> memref<1x128xi32, #tpu.memory_space<vmem>>
        %dma_start3A_354 = tpu.memref_squeeze %dma_start3A_353 : memref<1x128xi32, #tpu.memory_space<vmem>> -> memref<128xi32, #tpu.memory_space<vmem>>
        %dma_start3A_355 = arith.constant 0 : i32
        %dma_start3A_356 = tpu.memref_slice %arg31[%dma_start3A_355] : memref<50176xf32, #tpu.memory_space<vmem_shared>> -> memref<50176xf32, #tpu.memory_space<vmem_shared>>
        tpu.enqueue_indirect_dma source(%dma_start3A_351 : memref<128xf32, #tpu.memory_space<vmem>>) target(%dma_start3A_356 : memref<50176xf32, #tpu.memory_space<vmem_shared>>) offsets(%dma_start3A_354 : memref<128xi32, #tpu.memory_space<vmem>>) semaphore(%arg29 : memref<!tpu.dma_semaphore, #tpu.memory_space<semaphore_mem>>) {add = true}
        %dma_wait3A_357 = arith.constant 0 : i32
        %dma_wait3A_358 = arith.constant 0 : i32
        %dma_wait3A_359 = arith.constant 0 : i32
        %dma_wait3A_360 = tpu.memref_slice %arg10[%dma_wait3A_357, %dma_wait3A_358, %dma_wait3A_359] : memref<4x128x32xf32, #tpu.memory_space<vmem>> -> memref<1x128x32xf32, #tpu.memory_space<vmem>>
        %dma_wait3A_361 = tpu.memref_squeeze %dma_wait3A_360 : memref<1x128x32xf32, #tpu.memory_space<vmem>> -> memref<128x32xf32, #tpu.memory_space<vmem>>
        %dma_wait3A_362 = arith.constant 0 : i32
        %dma_wait3A_363 = tpu.memref_slice %arg9[%add3A_179, %dma_wait3A_362] : memref<28x128xi32, #tpu.memory_space<vmem>> -> memref<1x128xi32, #tpu.memory_space<vmem>>
        %dma_wait3A_364 = tpu.memref_squeeze %dma_wait3A_363 : memref<1x128xi32, #tpu.memory_space<vmem>> -> memref<128xi32, #tpu.memory_space<vmem>>
        %dma_wait3A_365 = arith.constant 0 : i32
        %dma_wait3A_366 = arith.constant 0 : i32
        %dma_wait3A_367 = tpu.memref_slice %arg30[%dma_wait3A_365, %dma_wait3A_366] : memref<50176x32xf32, #tpu.memory_space<vmem_shared>> -> memref<50176x32xf32, #tpu.memory_space<vmem_shared>>
        tpu.wait_indirect_dma semaphore(%arg18 : memref<!tpu.dma_semaphore, #tpu.memory_space<semaphore_mem>>) src(%dma_wait3A_361 : memref<128x32xf32, #tpu.memory_space<vmem>>) dst(%dma_wait3A_367 : memref<50176x32xf32, #tpu.memory_space<vmem_shared>>)
        %dma_wait3A_368 = arith.constant 0 : i32
        %dma_wait3A_369 = arith.constant 0 : i32
        %dma_wait3A_370 = tpu.memref_slice %arg11[%dma_wait3A_368, %dma_wait3A_369] : memref<4x128xf32, #tpu.memory_space<vmem>> -> memref<1x128xf32, #tpu.memory_space<vmem>>
        %dma_wait3A_371 = tpu.memref_squeeze %dma_wait3A_370 : memref<1x128xf32, #tpu.memory_space<vmem>> -> memref<128xf32, #tpu.memory_space<vmem>>
        %dma_wait3A_372 = arith.constant 0 : i32
        %dma_wait3A_373 = tpu.memref_slice %arg8[%add3A_203, %dma_wait3A_372] : memref<28x128xi32, #tpu.memory_space<vmem>> -> memref<1x128xi32, #tpu.memory_space<vmem>>
        %dma_wait3A_374 = tpu.memref_squeeze %dma_wait3A_373 : memref<1x128xi32, #tpu.memory_space<vmem>> -> memref<128xi32, #tpu.memory_space<vmem>>
        %dma_wait3A_375 = arith.constant 0 : i32
        %dma_wait3A_376 = tpu.memref_slice %arg31[%dma_wait3A_375] : memref<50176xf32, #tpu.memory_space<vmem_shared>> -> memref<50176xf32, #tpu.memory_space<vmem_shared>>
        tpu.wait_indirect_dma semaphore(%arg26 : memref<!tpu.dma_semaphore, #tpu.memory_space<semaphore_mem>>) src(%dma_wait3A_371 : memref<128xf32, #tpu.memory_space<vmem>>) dst(%dma_wait3A_376 : memref<50176xf32, #tpu.memory_space<vmem_shared>>)
        %dma_wait3A_377 = arith.constant 1 : i32
        %dma_wait3A_378 = arith.constant 0 : i32
        %dma_wait3A_379 = arith.constant 0 : i32
        %dma_wait3A_380 = tpu.memref_slice %arg10[%dma_wait3A_377, %dma_wait3A_378, %dma_wait3A_379] : memref<4x128x32xf32, #tpu.memory_space<vmem>> -> memref<1x128x32xf32, #tpu.memory_space<vmem>>
        %dma_wait3A_381 = tpu.memref_squeeze %dma_wait3A_380 : memref<1x128x32xf32, #tpu.memory_space<vmem>> -> memref<128x32xf32, #tpu.memory_space<vmem>>
        %dma_wait3A_382 = arith.constant 0 : i32
        %dma_wait3A_383 = tpu.memref_slice %arg9[%add3A_227, %dma_wait3A_382] : memref<28x128xi32, #tpu.memory_space<vmem>> -> memref<1x128xi32, #tpu.memory_space<vmem>>
        %dma_wait3A_384 = tpu.memref_squeeze %dma_wait3A_383 : memref<1x128xi32, #tpu.memory_space<vmem>> -> memref<128xi32, #tpu.memory_space<vmem>>
        %dma_wait3A_385 = arith.constant 0 : i32
        %dma_wait3A_386 = arith.constant 0 : i32
        %dma_wait3A_387 = tpu.memref_slice %arg30[%dma_wait3A_385, %dma_wait3A_386] : memref<50176x32xf32, #tpu.memory_space<vmem_shared>> -> memref<50176x32xf32, #tpu.memory_space<vmem_shared>>
        tpu.wait_indirect_dma semaphore(%arg19 : memref<!tpu.dma_semaphore, #tpu.memory_space<semaphore_mem>>) src(%dma_wait3A_381 : memref<128x32xf32, #tpu.memory_space<vmem>>) dst(%dma_wait3A_387 : memref<50176x32xf32, #tpu.memory_space<vmem_shared>>)
        %dma_wait3A_388 = arith.constant 1 : i32
        %dma_wait3A_389 = arith.constant 0 : i32
        %dma_wait3A_390 = tpu.memref_slice %arg11[%dma_wait3A_388, %dma_wait3A_389] : memref<4x128xf32, #tpu.memory_space<vmem>> -> memref<1x128xf32, #tpu.memory_space<vmem>>
        %dma_wait3A_391 = tpu.memref_squeeze %dma_wait3A_390 : memref<1x128xf32, #tpu.memory_space<vmem>> -> memref<128xf32, #tpu.memory_space<vmem>>
        %dma_wait3A_392 = arith.constant 0 : i32
        %dma_wait3A_393 = tpu.memref_slice %arg8[%add3A_251, %dma_wait3A_392] : memref<28x128xi32, #tpu.memory_space<vmem>> -> memref<1x128xi32, #tpu.memory_space<vmem>>
        %dma_wait3A_394 = tpu.memref_squeeze %dma_wait3A_393 : memref<1x128xi32, #tpu.memory_space<vmem>> -> memref<128xi32, #tpu.memory_space<vmem>>
        %dma_wait3A_395 = arith.constant 0 : i32
        %dma_wait3A_396 = tpu.memref_slice %arg31[%dma_wait3A_395] : memref<50176xf32, #tpu.memory_space<vmem_shared>> -> memref<50176xf32, #tpu.memory_space<vmem_shared>>
        tpu.wait_indirect_dma semaphore(%arg27 : memref<!tpu.dma_semaphore, #tpu.memory_space<semaphore_mem>>) src(%dma_wait3A_391 : memref<128xf32, #tpu.memory_space<vmem>>) dst(%dma_wait3A_396 : memref<50176xf32, #tpu.memory_space<vmem_shared>>)
        %dma_wait3A_397 = arith.constant 2 : i32
        %dma_wait3A_398 = arith.constant 0 : i32
        %dma_wait3A_399 = arith.constant 0 : i32
        %dma_wait3A_400 = tpu.memref_slice %arg10[%dma_wait3A_397, %dma_wait3A_398, %dma_wait3A_399] : memref<4x128x32xf32, #tpu.memory_space<vmem>> -> memref<1x128x32xf32, #tpu.memory_space<vmem>>
        %dma_wait3A_401 = tpu.memref_squeeze %dma_wait3A_400 : memref<1x128x32xf32, #tpu.memory_space<vmem>> -> memref<128x32xf32, #tpu.memory_space<vmem>>
        %dma_wait3A_402 = arith.constant 0 : i32
        %dma_wait3A_403 = tpu.memref_slice %arg9[%add3A_275, %dma_wait3A_402] : memref<28x128xi32, #tpu.memory_space<vmem>> -> memref<1x128xi32, #tpu.memory_space<vmem>>
        %dma_wait3A_404 = tpu.memref_squeeze %dma_wait3A_403 : memref<1x128xi32, #tpu.memory_space<vmem>> -> memref<128xi32, #tpu.memory_space<vmem>>
        %dma_wait3A_405 = arith.constant 0 : i32
        %dma_wait3A_406 = arith.constant 0 : i32
        %dma_wait3A_407 = tpu.memref_slice %arg30[%dma_wait3A_405, %dma_wait3A_406] : memref<50176x32xf32, #tpu.memory_space<vmem_shared>> -> memref<50176x32xf32, #tpu.memory_space<vmem_shared>>
        tpu.wait_indirect_dma semaphore(%arg20 : memref<!tpu.dma_semaphore, #tpu.memory_space<semaphore_mem>>) src(%dma_wait3A_401 : memref<128x32xf32, #tpu.memory_space<vmem>>) dst(%dma_wait3A_407 : memref<50176x32xf32, #tpu.memory_space<vmem_shared>>)
        %dma_wait3A_408 = arith.constant 2 : i32
        %dma_wait3A_409 = arith.constant 0 : i32
        %dma_wait3A_410 = tpu.memref_slice %arg11[%dma_wait3A_408, %dma_wait3A_409] : memref<4x128xf32, #tpu.memory_space<vmem>> -> memref<1x128xf32, #tpu.memory_space<vmem>>
        %dma_wait3A_411 = tpu.memref_squeeze %dma_wait3A_410 : memref<1x128xf32, #tpu.memory_space<vmem>> -> memref<128xf32, #tpu.memory_space<vmem>>
        %dma_wait3A_412 = arith.constant 0 : i32
        %dma_wait3A_413 = tpu.memref_slice %arg8[%add3A_299, %dma_wait3A_412] : memref<28x128xi32, #tpu.memory_space<vmem>> -> memref<1x128xi32, #tpu.memory_space<vmem>>
        %dma_wait3A_414 = tpu.memref_squeeze %dma_wait3A_413 : memref<1x128xi32, #tpu.memory_space<vmem>> -> memref<128xi32, #tpu.memory_space<vmem>>
        %dma_wait3A_415 = arith.constant 0 : i32
        %dma_wait3A_416 = tpu.memref_slice %arg31[%dma_wait3A_415] : memref<50176xf32, #tpu.memory_space<vmem_shared>> -> memref<50176xf32, #tpu.memory_space<vmem_shared>>
        tpu.wait_indirect_dma semaphore(%arg28 : memref<!tpu.dma_semaphore, #tpu.memory_space<semaphore_mem>>) src(%dma_wait3A_411 : memref<128xf32, #tpu.memory_space<vmem>>) dst(%dma_wait3A_416 : memref<50176xf32, #tpu.memory_space<vmem_shared>>)
        %dma_wait3A_417 = arith.constant 3 : i32
        %dma_wait3A_418 = arith.constant 0 : i32
        %dma_wait3A_419 = arith.constant 0 : i32
        %dma_wait3A_420 = tpu.memref_slice %arg10[%dma_wait3A_417, %dma_wait3A_418, %dma_wait3A_419] : memref<4x128x32xf32, #tpu.memory_space<vmem>> -> memref<1x128x32xf32, #tpu.memory_space<vmem>>
        %dma_wait3A_421 = tpu.memref_squeeze %dma_wait3A_420 : memref<1x128x32xf32, #tpu.memory_space<vmem>> -> memref<128x32xf32, #tpu.memory_space<vmem>>
        %dma_wait3A_422 = arith.constant 0 : i32
        %dma_wait3A_423 = tpu.memref_slice %arg9[%add3A_323, %dma_wait3A_422] : memref<28x128xi32, #tpu.memory_space<vmem>> -> memref<1x128xi32, #tpu.memory_space<vmem>>
        %dma_wait3A_424 = tpu.memref_squeeze %dma_wait3A_423 : memref<1x128xi32, #tpu.memory_space<vmem>> -> memref<128xi32, #tpu.memory_space<vmem>>
        %dma_wait3A_425 = arith.constant 0 : i32
        %dma_wait3A_426 = arith.constant 0 : i32
        %dma_wait3A_427 = tpu.memref_slice %arg30[%dma_wait3A_425, %dma_wait3A_426] : memref<50176x32xf32, #tpu.memory_space<vmem_shared>> -> memref<50176x32xf32, #tpu.memory_space<vmem_shared>>
        tpu.wait_indirect_dma semaphore(%arg21 : memref<!tpu.dma_semaphore, #tpu.memory_space<semaphore_mem>>) src(%dma_wait3A_421 : memref<128x32xf32, #tpu.memory_space<vmem>>) dst(%dma_wait3A_427 : memref<50176x32xf32, #tpu.memory_space<vmem_shared>>)
        %dma_wait3A_428 = arith.constant 3 : i32
        %dma_wait3A_429 = arith.constant 0 : i32
        %dma_wait3A_430 = tpu.memref_slice %arg11[%dma_wait3A_428, %dma_wait3A_429] : memref<4x128xf32, #tpu.memory_space<vmem>> -> memref<1x128xf32, #tpu.memory_space<vmem>>
        %dma_wait3A_431 = tpu.memref_squeeze %dma_wait3A_430 : memref<1x128xf32, #tpu.memory_space<vmem>> -> memref<128xf32, #tpu.memory_space<vmem>>
        %dma_wait3A_432 = arith.constant 0 : i32
        %dma_wait3A_433 = tpu.memref_slice %arg8[%add3A_347, %dma_wait3A_432] : memref<28x128xi32, #tpu.memory_space<vmem>> -> memref<1x128xi32, #tpu.memory_space<vmem>>
        %dma_wait3A_434 = tpu.memref_squeeze %dma_wait3A_433 : memref<1x128xi32, #tpu.memory_space<vmem>> -> memref<128xi32, #tpu.memory_space<vmem>>
        %dma_wait3A_435 = arith.constant 0 : i32
        %dma_wait3A_436 = tpu.memref_slice %arg31[%dma_wait3A_435] : memref<50176xf32, #tpu.memory_space<vmem_shared>> -> memref<50176xf32, #tpu.memory_space<vmem_shared>>
        tpu.wait_indirect_dma semaphore(%arg29 : memref<!tpu.dma_semaphore, #tpu.memory_space<semaphore_mem>>) src(%dma_wait3A_431 : memref<128xf32, #tpu.memory_space<vmem>>) dst(%dma_wait3A_436 : memref<50176xf32, #tpu.memory_space<vmem_shared>>)
      }
      %scan3A_49 = arith.constant 7 : i32
    }
    %scan3A_24 = arith.constant 7 : i32
    %barrier3A_25 = arith.constant 0 : index
    tpu.barrier barrier_id(%barrier3A_25)
    %scan3A_26 = arith.constant 0 : i32
    %scan3A_27 = arith.constant 64 : i32
    %scan3A_28 = arith.addi %scan3A_26, %scan3A_27 : i32
    %scan3A_29 = arith.constant 1 : i32
    scf.for %scan3A_36 = %scan3A_26 to %scan3A_28 step %scan3A_29  : i32 {
      %mul3A_37 = arith.constant 1 : i32
      %mul3A_38 = arith.muli %scan3A_36, %mul3A_37 : i32
      %add3A_39 = arith.constant 0 : i32
      %add3A_40 = arith.addi %add3A_39, %mul3A_38 : i32
      %mul3A_41 = arith.constant 3136 : i32
      %mul3A_42 = arith.muli %arg1, %mul3A_41 : i32
      %mul3A_43 = arith.constant 49 : i32
      %mul3A_44 = arith.muli %add3A_40, %mul3A_43 : i32
      %add3A_45 = arith.addi %mul3A_42, %mul3A_44 : i32
      "tpu.region"() ({
        %run_scoped3A = tpu.sem_alloc : memref<!tpu.dma_semaphore, #tpu.memory_space<semaphore_mem>>
        %dma_start3A = arith.constant 0 : i32
        %dma_start3A_51 = tpu.memref_slice %arg30[%add3A_45, %dma_start3A] : memref<50176x32xf32, #tpu.memory_space<vmem_shared>> -> memref<49x32xf32, #tpu.memory_space<vmem_shared>>
        %dma_start3A_52 = arith.constant 0 : i32
        %dma_start3A_53 = tpu.memref_slice %arg30[%add3A_45, %dma_start3A_52] : memref<50176x32xf32, #tpu.memory_space<vmem_shared>> -> memref<49x32xf32, #tpu.memory_space<vmem_shared>>
        tpu.enqueue_dma source(%dma_start3A_53 : memref<49x32xf32, #tpu.memory_space<vmem_shared>>) target(%arg12 : memref<49x32xf32, #tpu.memory_space<vmem>>) target_semaphore(%run_scoped3A : memref<!tpu.dma_semaphore, #tpu.memory_space<semaphore_mem>>)
        %dma_wait3A = arith.constant 0 : i32
        %dma_wait3A_54 = tpu.memref_slice %arg30[%add3A_45, %dma_wait3A] : memref<50176x32xf32, #tpu.memory_space<vmem_shared>> -> memref<49x32xf32, #tpu.memory_space<vmem_shared>>
        %dma_wait3A_55 = arith.constant 0 : i32
        %dma_wait3A_56 = tpu.memref_slice %arg30[%add3A_45, %dma_wait3A_55] : memref<50176x32xf32, #tpu.memory_space<vmem_shared>> -> memref<49x32xf32, #tpu.memory_space<vmem_shared>>
        tpu.wait_dma2 semaphore(%run_scoped3A : memref<!tpu.dma_semaphore, #tpu.memory_space<semaphore_mem>>) src(%dma_wait3A_56 : memref<49x32xf32, #tpu.memory_space<vmem_shared>>) dst(%arg12 : memref<49x32xf32, #tpu.memory_space<vmem>>)
        tpu.yield
      }) : () -> ()
      %mul3A_46 = arith.constant 3136 : i32
      %mul3A_47 = arith.muli %arg1, %mul3A_46 : i32
      %mul3A_48 = arith.constant 49 : i32
      %mul3A_49 = arith.muli %add3A_40, %mul3A_48 : i32
      %add3A_50 = arith.addi %mul3A_47, %mul3A_49 : i32
      "tpu.region"() ({
        %run_scoped3A = tpu.sem_alloc : memref<!tpu.dma_semaphore, #tpu.memory_space<semaphore_mem>>
        %dma_start3A = arith.constant 0 : i32
        %dma_start3A_51 = tpu.memref_slice %arg6[%arg0, %add3A_50, %dma_start3A] : memref<2x50176x32xf32, #tpu.memory_space<hbm>> -> memref<1x49x32xf32, #tpu.memory_space<hbm>>
        %dma_start3A_52 = tpu.memref_squeeze %dma_start3A_51 : memref<1x49x32xf32, #tpu.memory_space<hbm>> -> memref<49x32xf32, #tpu.memory_space<hbm>>
        %dma_start3A_53 = arith.constant 0 : i32
        %dma_start3A_54 = tpu.memref_slice %arg6[%arg0, %add3A_50, %dma_start3A_53] : memref<2x50176x32xf32, #tpu.memory_space<hbm>> -> memref<1x49x32xf32, #tpu.memory_space<hbm>>
        %dma_start3A_55 = tpu.memref_squeeze %dma_start3A_54 : memref<1x49x32xf32, #tpu.memory_space<hbm>> -> memref<49x32xf32, #tpu.memory_space<hbm>>
        tpu.enqueue_dma source(%arg12 : memref<49x32xf32, #tpu.memory_space<vmem>>) target(%dma_start3A_55 : memref<49x32xf32, #tpu.memory_space<hbm>>) target_semaphore(%run_scoped3A : memref<!tpu.dma_semaphore, #tpu.memory_space<semaphore_mem>>)
        %dma_wait3A = arith.constant 0 : i32
        %dma_wait3A_56 = tpu.memref_slice %arg6[%arg0, %add3A_50, %dma_wait3A] : memref<2x50176x32xf32, #tpu.memory_space<hbm>> -> memref<1x49x32xf32, #tpu.memory_space<hbm>>
        %dma_wait3A_57 = tpu.memref_squeeze %dma_wait3A_56 : memref<1x49x32xf32, #tpu.memory_space<hbm>> -> memref<49x32xf32, #tpu.memory_space<hbm>>
        %dma_wait3A_58 = arith.constant 0 : i32
        %dma_wait3A_59 = tpu.memref_slice %arg6[%arg0, %add3A_50, %dma_wait3A_58] : memref<2x50176x32xf32, #tpu.memory_space<hbm>> -> memref<1x49x32xf32, #tpu.memory_space<hbm>>
        %dma_wait3A_60 = tpu.memref_squeeze %dma_wait3A_59 : memref<1x49x32xf32, #tpu.memory_space<hbm>> -> memref<49x32xf32, #tpu.memory_space<hbm>>
        tpu.wait_dma2 semaphore(%run_scoped3A : memref<!tpu.dma_semaphore, #tpu.memory_space<semaphore_mem>>) src(%arg12 : memref<49x32xf32, #tpu.memory_space<vmem>>) dst(%dma_wait3A_60 : memref<49x32xf32, #tpu.memory_space<hbm>>)
        tpu.yield
      }) : () -> ()
    }
    %scan3A_30 = arith.constant 64 : i32
    %scan3A_31 = arith.constant 0 : i32
    %scan3A_32 = arith.constant 4 : i32
    %scan3A_33 = arith.addi %scan3A_31, %scan3A_32 : i32
    %scan3A_34 = arith.constant 1 : i32
    scf.for %scan3A_36 = %scan3A_31 to %scan3A_33 step %scan3A_34  : i32 {
      %mul3A_37 = arith.constant 1 : i32
      %mul3A_38 = arith.muli %scan3A_36, %mul3A_37 : i32
      %add3A_39 = arith.constant 0 : i32
      %add3A_40 = arith.addi %add3A_39, %mul3A_38 : i32
      %mul3A_41 = arith.constant 3136 : i32
      %mul3A_42 = arith.muli %arg1, %mul3A_41 : i32
      %mul3A_43 = arith.constant 784 : i32
      %mul3A_44 = arith.muli %add3A_40, %mul3A_43 : i32
      %add3A_45 = arith.addi %mul3A_42, %mul3A_44 : i32
      "tpu.region"() ({
        %run_scoped3A = tpu.sem_alloc : memref<!tpu.dma_semaphore, #tpu.memory_space<semaphore_mem>>
        %dma_start3A = tpu.memref_slice %arg31[%add3A_45] : memref<50176xf32, #tpu.memory_space<vmem_shared>> -> memref<784xf32, #tpu.memory_space<vmem_shared>>
        %dma_start3A_54 = tpu.memref_slice %arg31[%add3A_45] : memref<50176xf32, #tpu.memory_space<vmem_shared>> -> memref<784xf32, #tpu.memory_space<vmem_shared>>
        tpu.enqueue_dma source(%dma_start3A_54 : memref<784xf32, #tpu.memory_space<vmem_shared>>) target(%arg13 : memref<784xf32, #tpu.memory_space<vmem>>) target_semaphore(%run_scoped3A : memref<!tpu.dma_semaphore, #tpu.memory_space<semaphore_mem>>)
        %dma_wait3A = tpu.memref_slice %arg31[%add3A_45] : memref<50176xf32, #tpu.memory_space<vmem_shared>> -> memref<784xf32, #tpu.memory_space<vmem_shared>>
        %dma_wait3A_55 = tpu.memref_slice %arg31[%add3A_45] : memref<50176xf32, #tpu.memory_space<vmem_shared>> -> memref<784xf32, #tpu.memory_space<vmem_shared>>
        tpu.wait_dma2 semaphore(%run_scoped3A : memref<!tpu.dma_semaphore, #tpu.memory_space<semaphore_mem>>) src(%dma_wait3A_55 : memref<784xf32, #tpu.memory_space<vmem_shared>>) dst(%arg13 : memref<784xf32, #tpu.memory_space<vmem>>)
        tpu.yield
      }) : () -> ()
      %mul3A_46 = arith.constant 50176 : i32
      %mul3A_47 = arith.muli %arg0, %mul3A_46 : i32
      %mul3A_48 = arith.constant 3136 : i32
      %mul3A_49 = arith.muli %arg1, %mul3A_48 : i32
      %add3A_50 = arith.addi %mul3A_47, %mul3A_49 : i32
      %mul3A_51 = arith.constant 784 : i32
      %mul3A_52 = arith.muli %add3A_40, %mul3A_51 : i32
      %add3A_53 = arith.addi %add3A_50, %mul3A_52 : i32
      "tpu.region"() ({
        %run_scoped3A = tpu.sem_alloc : memref<!tpu.dma_semaphore, #tpu.memory_space<semaphore_mem>>
        %dma_start3A = tpu.memref_slice %arg7[%add3A_53] : memref<100352xf32, #tpu.memory_space<hbm>> -> memref<784xf32, #tpu.memory_space<hbm>>
        %dma_start3A_54 = tpu.memref_slice %arg7[%add3A_53] : memref<100352xf32, #tpu.memory_space<hbm>> -> memref<784xf32, #tpu.memory_space<hbm>>
        tpu.enqueue_dma source(%arg13 : memref<784xf32, #tpu.memory_space<vmem>>) target(%dma_start3A_54 : memref<784xf32, #tpu.memory_space<hbm>>) target_semaphore(%run_scoped3A : memref<!tpu.dma_semaphore, #tpu.memory_space<semaphore_mem>>)
        %dma_wait3A = tpu.memref_slice %arg7[%add3A_53] : memref<100352xf32, #tpu.memory_space<hbm>> -> memref<784xf32, #tpu.memory_space<hbm>>
        %dma_wait3A_55 = tpu.memref_slice %arg7[%add3A_53] : memref<100352xf32, #tpu.memory_space<hbm>> -> memref<784xf32, #tpu.memory_space<hbm>>
        tpu.wait_dma2 semaphore(%run_scoped3A : memref<!tpu.dma_semaphore, #tpu.memory_space<semaphore_mem>>) src(%arg13 : memref<784xf32, #tpu.memory_space<vmem>>) dst(%dma_wait3A_55 : memref<784xf32, #tpu.memory_space<hbm>>)
        tpu.yield
      }) : () -> ()
    }
    %scan3A_35 = arith.constant 4 : i32
    return
  }
}

#map = affine_map<(d0, d1) -> (0, 0, 0)>
#map1 = affine_map<(d0, d1) -> (0)>
module attributes {stable_mosaic.version = 14 : i64} {
  func.func @_sc_degree(%arg0: i32, %arg1: i32, %arg2: memref<32x196x128xi32, #tpu.memory_space<hbm>>, %arg3: memref<100352xf32, #tpu.memory_space<hbm>>, %arg4: memref<28x128xi32, #tpu.memory_space<vmem>>, %arg5: memref<128xf32, #tpu.memory_space<vmem>>, %arg6: memref<3136xf32, #tpu.memory_space<vmem>>, %arg7: memref<!tpu.dma_semaphore, #tpu.memory_space<semaphore_mem>>, %arg8: memref<!tpu.dma_semaphore, #tpu.memory_space<semaphore_mem>>, %arg9: memref<!tpu.dma_semaphore, #tpu.memory_space<semaphore_mem>>, %arg10: memref<!tpu.dma_semaphore, #tpu.memory_space<semaphore_mem>>, %arg11: memref<50176xf32, #tpu.memory_space<vmem_shared>>) attributes {dimension_semantics = [#tpu.dimension_semantics<core_parallel>, #tpu.dimension_semantics<subcore_parallel>], iteration_bounds = array<i64: 2, 16>, scalar_prefetch = 0 : i64, scratch_operands = 8 : i64, tpu.core_type = #tpu.core_type<sc_vector_subcore>, window_params = [{transform_indices = #map}, {transform_indices = #map1}]} {
    %mul3A = arith.constant 16 : i32
    %mul3A_0 = arith.muli %arg0, %mul3A : i32
    %add3A = arith.addi %mul3A_0, %arg1 : i32
    %scan3A = arith.constant 0 : i32
    %scan3A_1 = arith.constant 8 : i32
    %scan3A_2 = arith.addi %scan3A, %scan3A_1 : i32
    %scan3A_3 = arith.constant 1 : i32
    scf.for %scan3A_25 = %scan3A to %scan3A_2 step %scan3A_3  : i32 {
      %mul3A_26 = arith.constant 1 : i32
      %mul3A_27 = arith.muli %scan3A_25, %mul3A_26 : i32
      %add3A_28 = arith.constant 0 : i32
      %add3A_29 = arith.addi %add3A_28, %mul3A_27 : i32
      %broadcast_in_dim3A = arith.constant 1.000000e+00 : f32
      %broadcast_in_dim3A_30 = vector.broadcast %broadcast_in_dim3A : f32 to vector<16xf32>
      %mul3A_31 = arith.constant 16 : i32
      %mul3A_32 = arith.muli %add3A_29, %mul3A_31 : i32
      %swap3A = arith.index_cast %mul3A_32 : i32 to index
      %swap3A_33 = tpu.vector_load %arg5[%swap3A] {strides = array<i32>} : memref<128xf32, #tpu.memory_space<vmem>>, vector<16xf32>,
      %swap3A_34 = vector.shape_cast %swap3A_33 : vector<16xf32> to vector<16xf32>
      %swap3A_35 = vector.shape_cast %broadcast_in_dim3A_30 : vector<16xf32> to vector<16xf32>
      tpu.vector_store %arg5[%swap3A], %swap3A_35 {strides = array<i32>} : memref<128xf32, #tpu.memory_space<vmem>>, vector<16xf32>,
    }
    %scan3A_4 = arith.constant 8 : i32
    %scan3A_5 = arith.constant 0 : i32
    %scan3A_6 = arith.constant 196 : i32
    %scan3A_7 = arith.addi %scan3A_5, %scan3A_6 : i32
    %scan3A_8 = arith.constant 1 : i32
    scf.for %scan3A_25 = %scan3A_5 to %scan3A_7 step %scan3A_8  : i32 {
      %mul3A_26 = arith.constant 1 : i32
      %mul3A_27 = arith.muli %scan3A_25, %mul3A_26 : i32
      %add3A_28 = arith.constant 0 : i32
      %add3A_29 = arith.addi %add3A_28, %mul3A_27 : i32
      %broadcast_in_dim3A = arith.constant 0.000000e+00 : f32
      %broadcast_in_dim3A_30 = vector.broadcast %broadcast_in_dim3A : f32 to vector<16xf32>
      %mul3A_31 = arith.constant 16 : i32
      %mul3A_32 = arith.muli %add3A_29, %mul3A_31 : i32
      %swap3A = arith.index_cast %mul3A_32 : i32 to index
      %swap3A_33 = tpu.vector_load %arg6[%swap3A] {strides = array<i32>} : memref<3136xf32, #tpu.memory_space<vmem>>, vector<16xf32>,
      %swap3A_34 = vector.shape_cast %swap3A_33 : vector<16xf32> to vector<16xf32>
      %swap3A_35 = vector.shape_cast %broadcast_in_dim3A_30 : vector<16xf32> to vector<16xf32>
      tpu.vector_store %arg6[%swap3A], %swap3A_35 {strides = array<i32>} : memref<3136xf32, #tpu.memory_space<vmem>>, vector<16xf32>,
    }
    %scan3A_9 = arith.constant 196 : i32
    %mul3A_10 = arith.constant 3136 : i32
    %mul3A_11 = arith.muli %arg1, %mul3A_10 : i32
    "tpu.region"() ({
      %run_scoped3A = tpu.sem_alloc : memref<!tpu.dma_semaphore, #tpu.memory_space<semaphore_mem>>
      %dma_start3A = tpu.memref_slice %arg11[%mul3A_11] : memref<50176xf32, #tpu.memory_space<vmem_shared>> -> memref<3136xf32, #tpu.memory_space<vmem_shared>>
      %dma_start3A_25 = tpu.memref_slice %arg11[%mul3A_11] : memref<50176xf32, #tpu.memory_space<vmem_shared>> -> memref<3136xf32, #tpu.memory_space<vmem_shared>>
      tpu.enqueue_dma source(%arg6 : memref<3136xf32, #tpu.memory_space<vmem>>) target(%dma_start3A_25 : memref<3136xf32, #tpu.memory_space<vmem_shared>>) target_semaphore(%run_scoped3A : memref<!tpu.dma_semaphore, #tpu.memory_space<semaphore_mem>>)
      %dma_wait3A = tpu.memref_slice %arg11[%mul3A_11] : memref<50176xf32, #tpu.memory_space<vmem_shared>> -> memref<3136xf32, #tpu.memory_space<vmem_shared>>
      %dma_wait3A_26 = tpu.memref_slice %arg11[%mul3A_11] : memref<50176xf32, #tpu.memory_space<vmem_shared>> -> memref<3136xf32, #tpu.memory_space<vmem_shared>>
      tpu.wait_dma2 semaphore(%run_scoped3A : memref<!tpu.dma_semaphore, #tpu.memory_space<semaphore_mem>>) src(%arg6 : memref<3136xf32, #tpu.memory_space<vmem>>) dst(%dma_wait3A_26 : memref<3136xf32, #tpu.memory_space<vmem_shared>>)
      tpu.yield
    }) : () -> ()
    %barrier3A = arith.constant 0 : index
    tpu.barrier barrier_id(%barrier3A)
    %scan3A_12 = arith.constant 0 : i32
    %scan3A_13 = arith.constant 7 : i32
    %scan3A_14 = arith.addi %scan3A_12, %scan3A_13 : i32
    %scan3A_15 = arith.constant 1 : i32
    scf.for %scan3A_25 = %scan3A_12 to %scan3A_14 step %scan3A_15  : i32 {
      %mul3A_26 = arith.constant 1 : i32
      %mul3A_27 = arith.muli %scan3A_25, %mul3A_26 : i32
      %add3A_28 = arith.constant 0 : i32
      %add3A_29 = arith.addi %add3A_28, %mul3A_27 : i32
      %mul3A_30 = arith.constant 28 : i32
      %mul3A_31 = arith.muli %add3A_29, %mul3A_30 : i32
      "tpu.region"() ({
        %run_scoped3A = tpu.sem_alloc : memref<!tpu.dma_semaphore, #tpu.memory_space<semaphore_mem>>
        %dma_start3A = arith.constant 0 : i32
        %dma_start3A_37 = tpu.memref_slice %arg2[%add3A, %mul3A_31, %dma_start3A] : memref<32x196x128xi32, #tpu.memory_space<hbm>> -> memref<1x28x128xi32, #tpu.memory_space<hbm>>
        %dma_start3A_38 = tpu.memref_squeeze %dma_start3A_37 : memref<1x28x128xi32, #tpu.memory_space<hbm>> -> memref<28x128xi32, #tpu.memory_space<hbm>>
        %dma_start3A_39 = arith.constant 0 : i32
        %dma_start3A_40 = tpu.memref_slice %arg2[%add3A, %mul3A_31, %dma_start3A_39] : memref<32x196x128xi32, #tpu.memory_space<hbm>> -> memref<1x28x128xi32, #tpu.memory_space<hbm>>
        %dma_start3A_41 = tpu.memref_squeeze %dma_start3A_40 : memref<1x28x128xi32, #tpu.memory_space<hbm>> -> memref<28x128xi32, #tpu.memory_space<hbm>>
        tpu.enqueue_dma source(%dma_start3A_41 : memref<28x128xi32, #tpu.memory_space<hbm>>) target(%arg4 : memref<28x128xi32, #tpu.memory_space<vmem>>) target_semaphore(%run_scoped3A : memref<!tpu.dma_semaphore, #tpu.memory_space<semaphore_mem>>)
        %dma_wait3A = arith.constant 0 : i32
        %dma_wait3A_42 = tpu.memref_slice %arg2[%add3A, %mul3A_31, %dma_wait3A] : memref<32x196x128xi32, #tpu.memory_space<hbm>> -> memref<1x28x128xi32, #tpu.memory_space<hbm>>
        %dma_wait3A_43 = tpu.memref_squeeze %dma_wait3A_42 : memref<1x28x128xi32, #tpu.memory_space<hbm>> -> memref<28x128xi32, #tpu.memory_space<hbm>>
        %dma_wait3A_44 = arith.constant 0 : i32
        %dma_wait3A_45 = tpu.memref_slice %arg2[%add3A, %mul3A_31, %dma_wait3A_44] : memref<32x196x128xi32, #tpu.memory_space<hbm>> -> memref<1x28x128xi32, #tpu.memory_space<hbm>>
        %dma_wait3A_46 = tpu.memref_squeeze %dma_wait3A_45 : memref<1x28x128xi32, #tpu.memory_space<hbm>> -> memref<28x128xi32, #tpu.memory_space<hbm>>
        tpu.wait_dma2 semaphore(%run_scoped3A : memref<!tpu.dma_semaphore, #tpu.memory_space<semaphore_mem>>) src(%dma_wait3A_46 : memref<28x128xi32, #tpu.memory_space<hbm>>) dst(%arg4 : memref<28x128xi32, #tpu.memory_space<vmem>>)
        tpu.yield
      }) : () -> ()
      %scan3A_32 = arith.constant 0 : i32
      %scan3A_33 = arith.constant 7 : i32
      %scan3A_34 = arith.addi %scan3A_32, %scan3A_33 : i32
      %scan3A_35 = arith.constant 1 : i32
      scf.for %scan3A_37 = %scan3A_32 to %scan3A_34 step %scan3A_35  : i32 {
        %mul3A_38 = arith.constant 1 : i32
        %mul3A_39 = arith.muli %scan3A_37, %mul3A_38 : i32
        %add3A_40 = arith.constant 0 : i32
        %add3A_41 = arith.addi %add3A_40, %mul3A_39 : i32
        %mul3A_42 = arith.constant 4 : i32
        %mul3A_43 = arith.muli %add3A_41, %mul3A_42 : i32
        %add3A_44 = arith.constant 0 : i32
        %add3A_45 = arith.addi %mul3A_43, %add3A_44 : i32
        %dma_start3A = arith.constant 0 : i32
        %dma_start3A_46 = tpu.memref_slice %arg4[%add3A_45, %dma_start3A] : memref<28x128xi32, #tpu.memory_space<vmem>> -> memref<1x128xi32, #tpu.memory_space<vmem>>
        %dma_start3A_47 = tpu.memref_squeeze %dma_start3A_46 : memref<1x128xi32, #tpu.memory_space<vmem>> -> memref<128xi32, #tpu.memory_space<vmem>>
        %dma_start3A_48 = arith.constant 0 : i32
        %dma_start3A_49 = tpu.memref_slice %arg11[%dma_start3A_48] : memref<50176xf32, #tpu.memory_space<vmem_shared>> -> memref<50176xf32, #tpu.memory_space<vmem_shared>>
        tpu.enqueue_indirect_dma source(%arg5 : memref<128xf32, #tpu.memory_space<vmem>>) target(%dma_start3A_49 : memref<50176xf32, #tpu.memory_space<vmem_shared>>) offsets(%dma_start3A_47 : memref<128xi32, #tpu.memory_space<vmem>>) semaphore(%arg7 : memref<!tpu.dma_semaphore, #tpu.memory_space<semaphore_mem>>) {add = true}
        %mul3A_50 = arith.constant 4 : i32
        %mul3A_51 = arith.muli %add3A_41, %mul3A_50 : i32
        %add3A_52 = arith.constant 1 : i32
        %add3A_53 = arith.addi %mul3A_51, %add3A_52 : i32
        %dma_start3A_54 = arith.constant 0 : i32
        %dma_start3A_55 = tpu.memref_slice %arg4[%add3A_53, %dma_start3A_54] : memref<28x128xi32, #tpu.memory_space<vmem>> -> memref<1x128xi32, #tpu.memory_space<vmem>>
        %dma_start3A_56 = tpu.memref_squeeze %dma_start3A_55 : memref<1x128xi32, #tpu.memory_space<vmem>> -> memref<128xi32, #tpu.memory_space<vmem>>
        %dma_start3A_57 = arith.constant 0 : i32
        %dma_start3A_58 = tpu.memref_slice %arg11[%dma_start3A_57] : memref<50176xf32, #tpu.memory_space<vmem_shared>> -> memref<50176xf32, #tpu.memory_space<vmem_shared>>
        tpu.enqueue_indirect_dma source(%arg5 : memref<128xf32, #tpu.memory_space<vmem>>) target(%dma_start3A_58 : memref<50176xf32, #tpu.memory_space<vmem_shared>>) offsets(%dma_start3A_56 : memref<128xi32, #tpu.memory_space<vmem>>) semaphore(%arg8 : memref<!tpu.dma_semaphore, #tpu.memory_space<semaphore_mem>>) {add = true}
        %mul3A_59 = arith.constant 4 : i32
        %mul3A_60 = arith.muli %add3A_41, %mul3A_59 : i32
        %add3A_61 = arith.constant 2 : i32
        %add3A_62 = arith.addi %mul3A_60, %add3A_61 : i32
        %dma_start3A_63 = arith.constant 0 : i32
        %dma_start3A_64 = tpu.memref_slice %arg4[%add3A_62, %dma_start3A_63] : memref<28x128xi32, #tpu.memory_space<vmem>> -> memref<1x128xi32, #tpu.memory_space<vmem>>
        %dma_start3A_65 = tpu.memref_squeeze %dma_start3A_64 : memref<1x128xi32, #tpu.memory_space<vmem>> -> memref<128xi32, #tpu.memory_space<vmem>>
        %dma_start3A_66 = arith.constant 0 : i32
        %dma_start3A_67 = tpu.memref_slice %arg11[%dma_start3A_66] : memref<50176xf32, #tpu.memory_space<vmem_shared>> -> memref<50176xf32, #tpu.memory_space<vmem_shared>>
        tpu.enqueue_indirect_dma source(%arg5 : memref<128xf32, #tpu.memory_space<vmem>>) target(%dma_start3A_67 : memref<50176xf32, #tpu.memory_space<vmem_shared>>) offsets(%dma_start3A_65 : memref<128xi32, #tpu.memory_space<vmem>>) semaphore(%arg9 : memref<!tpu.dma_semaphore, #tpu.memory_space<semaphore_mem>>) {add = true}
        %mul3A_68 = arith.constant 4 : i32
        %mul3A_69 = arith.muli %add3A_41, %mul3A_68 : i32
        %add3A_70 = arith.constant 3 : i32
        %add3A_71 = arith.addi %mul3A_69, %add3A_70 : i32
        %dma_start3A_72 = arith.constant 0 : i32
        %dma_start3A_73 = tpu.memref_slice %arg4[%add3A_71, %dma_start3A_72] : memref<28x128xi32, #tpu.memory_space<vmem>> -> memref<1x128xi32, #tpu.memory_space<vmem>>
        %dma_start3A_74 = tpu.memref_squeeze %dma_start3A_73 : memref<1x128xi32, #tpu.memory_space<vmem>> -> memref<128xi32, #tpu.memory_space<vmem>>
        %dma_start3A_75 = arith.constant 0 : i32
        %dma_start3A_76 = tpu.memref_slice %arg11[%dma_start3A_75] : memref<50176xf32, #tpu.memory_space<vmem_shared>> -> memref<50176xf32, #tpu.memory_space<vmem_shared>>
        tpu.enqueue_indirect_dma source(%arg5 : memref<128xf32, #tpu.memory_space<vmem>>) target(%dma_start3A_76 : memref<50176xf32, #tpu.memory_space<vmem_shared>>) offsets(%dma_start3A_74 : memref<128xi32, #tpu.memory_space<vmem>>) semaphore(%arg10 : memref<!tpu.dma_semaphore, #tpu.memory_space<semaphore_mem>>) {add = true}
        %dma_wait3A = arith.constant 0 : i32
        %dma_wait3A_77 = tpu.memref_slice %arg4[%add3A_45, %dma_wait3A] : memref<28x128xi32, #tpu.memory_space<vmem>> -> memref<1x128xi32, #tpu.memory_space<vmem>>
        %dma_wait3A_78 = tpu.memref_squeeze %dma_wait3A_77 : memref<1x128xi32, #tpu.memory_space<vmem>> -> memref<128xi32, #tpu.memory_space<vmem>>
        %dma_wait3A_79 = arith.constant 0 : i32
        %dma_wait3A_80 = tpu.memref_slice %arg11[%dma_wait3A_79] : memref<50176xf32, #tpu.memory_space<vmem_shared>> -> memref<50176xf32, #tpu.memory_space<vmem_shared>>
        tpu.wait_indirect_dma semaphore(%arg7 : memref<!tpu.dma_semaphore, #tpu.memory_space<semaphore_mem>>) src(%arg5 : memref<128xf32, #tpu.memory_space<vmem>>) dst(%dma_wait3A_80 : memref<50176xf32, #tpu.memory_space<vmem_shared>>)
        %dma_wait3A_81 = arith.constant 0 : i32
        %dma_wait3A_82 = tpu.memref_slice %arg4[%add3A_53, %dma_wait3A_81] : memref<28x128xi32, #tpu.memory_space<vmem>> -> memref<1x128xi32, #tpu.memory_space<vmem>>
        %dma_wait3A_83 = tpu.memref_squeeze %dma_wait3A_82 : memref<1x128xi32, #tpu.memory_space<vmem>> -> memref<128xi32, #tpu.memory_space<vmem>>
        %dma_wait3A_84 = arith.constant 0 : i32
        %dma_wait3A_85 = tpu.memref_slice %arg11[%dma_wait3A_84] : memref<50176xf32, #tpu.memory_space<vmem_shared>> -> memref<50176xf32, #tpu.memory_space<vmem_shared>>
        tpu.wait_indirect_dma semaphore(%arg8 : memref<!tpu.dma_semaphore, #tpu.memory_space<semaphore_mem>>) src(%arg5 : memref<128xf32, #tpu.memory_space<vmem>>) dst(%dma_wait3A_85 : memref<50176xf32, #tpu.memory_space<vmem_shared>>)
        %dma_wait3A_86 = arith.constant 0 : i32
        %dma_wait3A_87 = tpu.memref_slice %arg4[%add3A_62, %dma_wait3A_86] : memref<28x128xi32, #tpu.memory_space<vmem>> -> memref<1x128xi32, #tpu.memory_space<vmem>>
        %dma_wait3A_88 = tpu.memref_squeeze %dma_wait3A_87 : memref<1x128xi32, #tpu.memory_space<vmem>> -> memref<128xi32, #tpu.memory_space<vmem>>
        %dma_wait3A_89 = arith.constant 0 : i32
        %dma_wait3A_90 = tpu.memref_slice %arg11[%dma_wait3A_89] : memref<50176xf32, #tpu.memory_space<vmem_shared>> -> memref<50176xf32, #tpu.memory_space<vmem_shared>>
        tpu.wait_indirect_dma semaphore(%arg9 : memref<!tpu.dma_semaphore, #tpu.memory_space<semaphore_mem>>) src(%arg5 : memref<128xf32, #tpu.memory_space<vmem>>) dst(%dma_wait3A_90 : memref<50176xf32, #tpu.memory_space<vmem_shared>>)
        %dma_wait3A_91 = arith.constant 0 : i32
        %dma_wait3A_92 = tpu.memref_slice %arg4[%add3A_71, %dma_wait3A_91] : memref<28x128xi32, #tpu.memory_space<vmem>> -> memref<1x128xi32, #tpu.memory_space<vmem>>
        %dma_wait3A_93 = tpu.memref_squeeze %dma_wait3A_92 : memref<1x128xi32, #tpu.memory_space<vmem>> -> memref<128xi32, #tpu.memory_space<vmem>>
        %dma_wait3A_94 = arith.constant 0 : i32
        %dma_wait3A_95 = tpu.memref_slice %arg11[%dma_wait3A_94] : memref<50176xf32, #tpu.memory_space<vmem_shared>> -> memref<50176xf32, #tpu.memory_space<vmem_shared>>
        tpu.wait_indirect_dma semaphore(%arg10 : memref<!tpu.dma_semaphore, #tpu.memory_space<semaphore_mem>>) src(%arg5 : memref<128xf32, #tpu.memory_space<vmem>>) dst(%dma_wait3A_95 : memref<50176xf32, #tpu.memory_space<vmem_shared>>)
      }
      %scan3A_36 = arith.constant 7 : i32
    }
    %scan3A_16 = arith.constant 7 : i32
    %barrier3A_17 = arith.constant 0 : index
    tpu.barrier barrier_id(%barrier3A_17)
    %mul3A_18 = arith.constant 3136 : i32
    %mul3A_19 = arith.muli %arg1, %mul3A_18 : i32
    "tpu.region"() ({
      %run_scoped3A = tpu.sem_alloc : memref<!tpu.dma_semaphore, #tpu.memory_space<semaphore_mem>>
      %dma_start3A = tpu.memref_slice %arg11[%mul3A_19] : memref<50176xf32, #tpu.memory_space<vmem_shared>> -> memref<3136xf32, #tpu.memory_space<vmem_shared>>
      %dma_start3A_25 = tpu.memref_slice %arg11[%mul3A_19] : memref<50176xf32, #tpu.memory_space<vmem_shared>> -> memref<3136xf32, #tpu.memory_space<vmem_shared>>
      tpu.enqueue_dma source(%dma_start3A_25 : memref<3136xf32, #tpu.memory_space<vmem_shared>>) target(%arg6 : memref<3136xf32, #tpu.memory_space<vmem>>) target_semaphore(%run_scoped3A : memref<!tpu.dma_semaphore, #tpu.memory_space<semaphore_mem>>)
      %dma_wait3A = tpu.memref_slice %arg11[%mul3A_19] : memref<50176xf32, #tpu.memory_space<vmem_shared>> -> memref<3136xf32, #tpu.memory_space<vmem_shared>>
      %dma_wait3A_26 = tpu.memref_slice %arg11[%mul3A_19] : memref<50176xf32, #tpu.memory_space<vmem_shared>> -> memref<3136xf32, #tpu.memory_space<vmem_shared>>
      tpu.wait_dma2 semaphore(%run_scoped3A : memref<!tpu.dma_semaphore, #tpu.memory_space<semaphore_mem>>) src(%dma_wait3A_26 : memref<3136xf32, #tpu.memory_space<vmem_shared>>) dst(%arg6 : memref<3136xf32, #tpu.memory_space<vmem>>)
      tpu.yield
    }) : () -> ()
    %mul3A_20 = arith.constant 50176 : i32
    %mul3A_21 = arith.muli %arg0, %mul3A_20 : i32
    %mul3A_22 = arith.constant 3136 : i32
    %mul3A_23 = arith.muli %arg1, %mul3A_22 : i32
    %add3A_24 = arith.addi %mul3A_21, %mul3A_23 : i32
    "tpu.region"() ({
      %run_scoped3A = tpu.sem_alloc : memref<!tpu.dma_semaphore, #tpu.memory_space<semaphore_mem>>
      %dma_start3A = tpu.memref_slice %arg3[%add3A_24] : memref<100352xf32, #tpu.memory_space<hbm>> -> memref<3136xf32, #tpu.memory_space<hbm>>
      %dma_start3A_25 = tpu.memref_slice %arg3[%add3A_24] : memref<100352xf32, #tpu.memory_space<hbm>> -> memref<3136xf32, #tpu.memory_space<hbm>>
      tpu.enqueue_dma source(%arg6 : memref<3136xf32, #tpu.memory_space<vmem>>) target(%dma_start3A_25 : memref<3136xf32, #tpu.memory_space<hbm>>) target_semaphore(%run_scoped3A : memref<!tpu.dma_semaphore, #tpu.memory_space<semaphore_mem>>)
      %dma_wait3A = tpu.memref_slice %arg3[%add3A_24] : memref<100352xf32, #tpu.memory_space<hbm>> -> memref<3136xf32, #tpu.memory_space<hbm>>
      %dma_wait3A_26 = tpu.memref_slice %arg3[%add3A_24] : memref<100352xf32, #tpu.memory_space<hbm>> -> memref<3136xf32, #tpu.memory_space<hbm>>
      tpu.wait_dma2 semaphore(%run_scoped3A : memref<!tpu.dma_semaphore, #tpu.memory_space<semaphore_mem>>) src(%arg6 : memref<3136xf32, #tpu.memory_space<vmem>>) dst(%dma_wait3A_26 : memref<3136xf32, #tpu.memory_space<hbm>>)
      tpu.yield
    }) : () -> ()
    return
  }
}

#map = affine_map<(d0, d1) -> (0, 0)>
#map1 = affine_map<(d0, d1) -> (0, 0, 0)>
module attributes {stable_mosaic.version = 14 : i64} {
  func.func @_sc_prop(%arg0: i32, %arg1: i32, %arg2: memref<50176x32xf32, #tpu.memory_space<hbm>>, %arg3: memref<32x196x128xi32, #tpu.memory_space<hbm>>, %arg4: memref<32x196x128xi32, #tpu.memory_space<hbm>>, %arg5: memref<2x50176x32xf32, #tpu.memory_space<hbm>>, %arg6: memref<28x128xi32, #tpu.memory_space<vmem>>, %arg7: memref<28x128xi32, #tpu.memory_space<vmem>>, %arg8: memref<4x128x32xf32, #tpu.memory_space<vmem>>, %arg9: memref<49x32xf32, #tpu.memory_space<vmem>>, %arg10: memref<!tpu.dma_semaphore, #tpu.memory_space<semaphore_mem>>, %arg11: memref<!tpu.dma_semaphore, #tpu.memory_space<semaphore_mem>>, %arg12: memref<!tpu.dma_semaphore, #tpu.memory_space<semaphore_mem>>, %arg13: memref<!tpu.dma_semaphore, #tpu.memory_space<semaphore_mem>>, %arg14: memref<!tpu.dma_semaphore, #tpu.memory_space<semaphore_mem>>, %arg15: memref<!tpu.dma_semaphore, #tpu.memory_space<semaphore_mem>>, %arg16: memref<!tpu.dma_semaphore, #tpu.memory_space<semaphore_mem>>, %arg17: memref<!tpu.dma_semaphore, #tpu.memory_space<semaphore_mem>>, %arg18: memref<50176x32xf32, #tpu.memory_space<vmem_shared>>) attributes {dimension_semantics = [#tpu.dimension_semantics<core_parallel>, #tpu.dimension_semantics<subcore_parallel>], iteration_bounds = array<i64: 2, 16>, scalar_prefetch = 0 : i64, scratch_operands = 13 : i64, tpu.core_type = #tpu.core_type<sc_vector_subcore>, window_params = [{transform_indices = #map}, {transform_indices = #map1}, {transform_indices = #map1}, {transform_indices = #map1}]} {
    %mul3A = arith.constant 16 : i32
    %mul3A_0 = arith.muli %arg0, %mul3A : i32
    %add3A = arith.addi %mul3A_0, %arg1 : i32
    %scan3A = arith.constant 0 : i32
    %scan3A_1 = arith.constant 49 : i32
    %scan3A_2 = arith.addi %scan3A, %scan3A_1 : i32
    %scan3A_3 = arith.constant 1 : i32
    scf.for %scan3A_21 = %scan3A to %scan3A_2 step %scan3A_3  : i32 {
      %mul3A_22 = arith.constant 1 : i32
      %mul3A_23 = arith.muli %scan3A_21, %mul3A_22 : i32
      %add3A_24 = arith.constant 0 : i32
      %add3A_25 = arith.addi %add3A_24, %mul3A_23 : i32
      %broadcast_in_dim3A = arith.constant 0.000000e+00 : f32
      %broadcast_in_dim3A_26 = vector.broadcast %broadcast_in_dim3A : f32 to vector<16xf32>
      %swap3A = arith.index_cast %add3A_25 : i32 to index
      %swap3A_27 = arith.constant 0 : index
      %swap3A_28 = tpu.vector_load %arg9[%swap3A, %swap3A_27] {strides = array<i32>} : memref<49x32xf32, #tpu.memory_space<vmem>>, vector<1x16xf32>,
      %swap3A_29 = vector.shape_cast %swap3A_28 : vector<1x16xf32> to vector<16xf32>
      %swap3A_30 = vector.shape_cast %broadcast_in_dim3A_26 : vector<16xf32> to vector<1x16xf32>
      tpu.vector_store %arg9[%swap3A, %swap3A_27], %swap3A_30 {strides = array<i32>} : memref<49x32xf32, #tpu.memory_space<vmem>>, vector<1x16xf32>,
      %swap3A_31 = arith.index_cast %add3A_25 : i32 to index
      %swap3A_32 = arith.constant 16 : index
      %swap3A_33 = tpu.vector_load %arg9[%swap3A_31, %swap3A_32] {strides = array<i32>} : memref<49x32xf32, #tpu.memory_space<vmem>>, vector<1x16xf32>,
      %swap3A_34 = vector.shape_cast %swap3A_33 : vector<1x16xf32> to vector<16xf32>
      %swap3A_35 = vector.shape_cast %broadcast_in_dim3A_26 : vector<16xf32> to vector<1x16xf32>
      tpu.vector_store %arg9[%swap3A_31, %swap3A_32], %swap3A_35 {strides = array<i32>} : memref<49x32xf32, #tpu.memory_space<vmem>>, vector<1x16xf32>,
    }
    %scan3A_4 = arith.constant 49 : i32
    %scan3A_5 = arith.constant 0 : i32
    %scan3A_6 = arith.constant 64 : i32
    %scan3A_7 = arith.addi %scan3A_5, %scan3A_6 : i32
    %scan3A_8 = arith.constant 1 : i32
    scf.for %scan3A_21 = %scan3A_5 to %scan3A_7 step %scan3A_8  : i32 {
      %mul3A_22 = arith.constant 1 : i32
      %mul3A_23 = arith.muli %scan3A_21, %mul3A_22 : i32
      %add3A_24 = arith.constant 0 : i32
      %add3A_25 = arith.addi %add3A_24, %mul3A_23 : i32
      %mul3A_26 = arith.constant 3136 : i32
      %mul3A_27 = arith.muli %arg1, %mul3A_26 : i32
      %mul3A_28 = arith.constant 49 : i32
      %mul3A_29 = arith.muli %add3A_25, %mul3A_28 : i32
      %add3A_30 = arith.addi %mul3A_27, %mul3A_29 : i32
      "tpu.region"() ({
        %run_scoped3A = tpu.sem_alloc : memref<!tpu.dma_semaphore, #tpu.memory_space<semaphore_mem>>
        %dma_start3A = arith.constant 0 : i32
        %dma_start3A_31 = tpu.memref_slice %arg18[%add3A_30, %dma_start3A] : memref<50176x32xf32, #tpu.memory_space<vmem_shared>> -> memref<49x32xf32, #tpu.memory_space<vmem_shared>>
        %dma_start3A_32 = arith.constant 0 : i32
        %dma_start3A_33 = tpu.memref_slice %arg18[%add3A_30, %dma_start3A_32] : memref<50176x32xf32, #tpu.memory_space<vmem_shared>> -> memref<49x32xf32, #tpu.memory_space<vmem_shared>>
        tpu.enqueue_dma source(%arg9 : memref<49x32xf32, #tpu.memory_space<vmem>>) target(%dma_start3A_33 : memref<49x32xf32, #tpu.memory_space<vmem_shared>>) target_semaphore(%run_scoped3A : memref<!tpu.dma_semaphore, #tpu.memory_space<semaphore_mem>>)
        %dma_wait3A = arith.constant 0 : i32
        %dma_wait3A_34 = tpu.memref_slice %arg18[%add3A_30, %dma_wait3A] : memref<50176x32xf32, #tpu.memory_space<vmem_shared>> -> memref<49x32xf32, #tpu.memory_space<vmem_shared>>
        %dma_wait3A_35 = arith.constant 0 : i32
        %dma_wait3A_36 = tpu.memref_slice %arg18[%add3A_30, %dma_wait3A_35] : memref<50176x32xf32, #tpu.memory_space<vmem_shared>> -> memref<49x32xf32, #tpu.memory_space<vmem_shared>>
        tpu.wait_dma2 semaphore(%run_scoped3A : memref<!tpu.dma_semaphore, #tpu.memory_space<semaphore_mem>>) src(%arg9 : memref<49x32xf32, #tpu.memory_space<vmem>>) dst(%dma_wait3A_36 : memref<49x32xf32, #tpu.memory_space<vmem_shared>>)
        tpu.yield
      }) : () -> ()
    }
    %scan3A_9 = arith.constant 64 : i32
    %barrier3A = arith.constant 0 : index
    tpu.barrier barrier_id(%barrier3A)
    %scan3A_10 = arith.constant 0 : i32
    %scan3A_11 = arith.constant 7 : i32
    %scan3A_12 = arith.addi %scan3A_10, %scan3A_11 : i32
    %scan3A_13 = arith.constant 1 : i32
    scf.for %scan3A_21 = %scan3A_10 to %scan3A_12 step %scan3A_13  : i32 {
      %mul3A_22 = arith.constant 1 : i32
      %mul3A_23 = arith.muli %scan3A_21, %mul3A_22 : i32
      %add3A_24 = arith.constant 0 : i32
      %add3A_25 = arith.addi %add3A_24, %mul3A_23 : i32
      %mul3A_26 = arith.constant 28 : i32
      %mul3A_27 = arith.muli %add3A_25, %mul3A_26 : i32
      "tpu.region"() ({
        %run_scoped3A = tpu.sem_alloc : memref<!tpu.dma_semaphore, #tpu.memory_space<semaphore_mem>>
        %dma_start3A = arith.constant 0 : i32
        %dma_start3A_35 = tpu.memref_slice %arg3[%add3A, %mul3A_27, %dma_start3A] : memref<32x196x128xi32, #tpu.memory_space<hbm>> -> memref<1x28x128xi32, #tpu.memory_space<hbm>>
        %dma_start3A_36 = tpu.memref_squeeze %dma_start3A_35 : memref<1x28x128xi32, #tpu.memory_space<hbm>> -> memref<28x128xi32, #tpu.memory_space<hbm>>
        %dma_start3A_37 = arith.constant 0 : i32
        %dma_start3A_38 = tpu.memref_slice %arg3[%add3A, %mul3A_27, %dma_start3A_37] : memref<32x196x128xi32, #tpu.memory_space<hbm>> -> memref<1x28x128xi32, #tpu.memory_space<hbm>>
        %dma_start3A_39 = tpu.memref_squeeze %dma_start3A_38 : memref<1x28x128xi32, #tpu.memory_space<hbm>> -> memref<28x128xi32, #tpu.memory_space<hbm>>
        tpu.enqueue_dma source(%dma_start3A_39 : memref<28x128xi32, #tpu.memory_space<hbm>>) target(%arg6 : memref<28x128xi32, #tpu.memory_space<vmem>>) target_semaphore(%run_scoped3A : memref<!tpu.dma_semaphore, #tpu.memory_space<semaphore_mem>>)
        %dma_wait3A = arith.constant 0 : i32
        %dma_wait3A_40 = tpu.memref_slice %arg3[%add3A, %mul3A_27, %dma_wait3A] : memref<32x196x128xi32, #tpu.memory_space<hbm>> -> memref<1x28x128xi32, #tpu.memory_space<hbm>>
        %dma_wait3A_41 = tpu.memref_squeeze %dma_wait3A_40 : memref<1x28x128xi32, #tpu.memory_space<hbm>> -> memref<28x128xi32, #tpu.memory_space<hbm>>
        %dma_wait3A_42 = arith.constant 0 : i32
        %dma_wait3A_43 = tpu.memref_slice %arg3[%add3A, %mul3A_27, %dma_wait3A_42] : memref<32x196x128xi32, #tpu.memory_space<hbm>> -> memref<1x28x128xi32, #tpu.memory_space<hbm>>
        %dma_wait3A_44 = tpu.memref_squeeze %dma_wait3A_43 : memref<1x28x128xi32, #tpu.memory_space<hbm>> -> memref<28x128xi32, #tpu.memory_space<hbm>>
        tpu.wait_dma2 semaphore(%run_scoped3A : memref<!tpu.dma_semaphore, #tpu.memory_space<semaphore_mem>>) src(%dma_wait3A_44 : memref<28x128xi32, #tpu.memory_space<hbm>>) dst(%arg6 : memref<28x128xi32, #tpu.memory_space<vmem>>)
        tpu.yield
      }) : () -> ()
      %mul3A_28 = arith.constant 28 : i32
      %mul3A_29 = arith.muli %add3A_25, %mul3A_28 : i32
      "tpu.region"() ({
        %run_scoped3A = tpu.sem_alloc : memref<!tpu.dma_semaphore, #tpu.memory_space<semaphore_mem>>
        %dma_start3A = arith.constant 0 : i32
        %dma_start3A_35 = tpu.memref_slice %arg4[%add3A, %mul3A_29, %dma_start3A] : memref<32x196x128xi32, #tpu.memory_space<hbm>> -> memref<1x28x128xi32, #tpu.memory_space<hbm>>
        %dma_start3A_36 = tpu.memref_squeeze %dma_start3A_35 : memref<1x28x128xi32, #tpu.memory_space<hbm>> -> memref<28x128xi32, #tpu.memory_space<hbm>>
        %dma_start3A_37 = arith.constant 0 : i32
        %dma_start3A_38 = tpu.memref_slice %arg4[%add3A, %mul3A_29, %dma_start3A_37] : memref<32x196x128xi32, #tpu.memory_space<hbm>> -> memref<1x28x128xi32, #tpu.memory_space<hbm>>
        %dma_start3A_39 = tpu.memref_squeeze %dma_start3A_38 : memref<1x28x128xi32, #tpu.memory_space<hbm>> -> memref<28x128xi32, #tpu.memory_space<hbm>>
        tpu.enqueue_dma source(%dma_start3A_39 : memref<28x128xi32, #tpu.memory_space<hbm>>) target(%arg7 : memref<28x128xi32, #tpu.memory_space<vmem>>) target_semaphore(%run_scoped3A : memref<!tpu.dma_semaphore, #tpu.memory_space<semaphore_mem>>)
        %dma_wait3A = arith.constant 0 : i32
        %dma_wait3A_40 = tpu.memref_slice %arg4[%add3A, %mul3A_29, %dma_wait3A] : memref<32x196x128xi32, #tpu.memory_space<hbm>> -> memref<1x28x128xi32, #tpu.memory_space<hbm>>
        %dma_wait3A_41 = tpu.memref_squeeze %dma_wait3A_40 : memref<1x28x128xi32, #tpu.memory_space<hbm>> -> memref<28x128xi32, #tpu.memory_space<hbm>>
        %dma_wait3A_42 = arith.constant 0 : i32
        %dma_wait3A_43 = tpu.memref_slice %arg4[%add3A, %mul3A_29, %dma_wait3A_42] : memref<32x196x128xi32, #tpu.memory_space<hbm>> -> memref<1x28x128xi32, #tpu.memory_space<hbm>>
        %dma_wait3A_44 = tpu.memref_squeeze %dma_wait3A_43 : memref<1x28x128xi32, #tpu.memory_space<hbm>> -> memref<28x128xi32, #tpu.memory_space<hbm>>
        tpu.wait_dma2 semaphore(%run_scoped3A : memref<!tpu.dma_semaphore, #tpu.memory_space<semaphore_mem>>) src(%dma_wait3A_44 : memref<28x128xi32, #tpu.memory_space<hbm>>) dst(%arg7 : memref<28x128xi32, #tpu.memory_space<vmem>>)
        tpu.yield
      }) : () -> ()
      %scan3A_30 = arith.constant 0 : i32
      %scan3A_31 = arith.constant 7 : i32
      %scan3A_32 = arith.addi %scan3A_30, %scan3A_31 : i32
      %scan3A_33 = arith.constant 1 : i32
      scf.for %scan3A_35 = %scan3A_30 to %scan3A_32 step %scan3A_33  : i32 {
        %mul3A_36 = arith.constant 1 : i32
        %mul3A_37 = arith.muli %scan3A_35, %mul3A_36 : i32
        %add3A_38 = arith.constant 0 : i32
        %add3A_39 = arith.addi %add3A_38, %mul3A_37 : i32
        %mul3A_40 = arith.constant 4 : i32
        %mul3A_41 = arith.muli %add3A_39, %mul3A_40 : i32
        %add3A_42 = arith.constant 0 : i32
        %add3A_43 = arith.addi %mul3A_41, %add3A_42 : i32
        %dma_start3A = arith.constant 0 : i32
        %dma_start3A_44 = arith.constant 0 : i32
        %dma_start3A_45 = arith.constant 0 : i32
        %dma_start3A_46 = tpu.memref_slice %arg8[%dma_start3A, %dma_start3A_44, %dma_start3A_45] : memref<4x128x32xf32, #tpu.memory_space<vmem>> -> memref<1x128x32xf32, #tpu.memory_space<vmem>>
        %dma_start3A_47 = tpu.memref_squeeze %dma_start3A_46 : memref<1x128x32xf32, #tpu.memory_space<vmem>> -> memref<128x32xf32, #tpu.memory_space<vmem>>
        %dma_start3A_48 = arith.constant 0 : i32
        %dma_start3A_49 = tpu.memref_slice %arg6[%add3A_43, %dma_start3A_48] : memref<28x128xi32, #tpu.memory_space<vmem>> -> memref<1x128xi32, #tpu.memory_space<vmem>>
        %dma_start3A_50 = tpu.memref_squeeze %dma_start3A_49 : memref<1x128xi32, #tpu.memory_space<vmem>> -> memref<128xi32, #tpu.memory_space<vmem>>
        %dma_start3A_51 = arith.constant 0 : i32
        %dma_start3A_52 = arith.constant 0 : i32
        %dma_start3A_53 = tpu.memref_slice %arg2[%dma_start3A_51, %dma_start3A_52] : memref<50176x32xf32, #tpu.memory_space<hbm>> -> memref<50176x32xf32, #tpu.memory_space<hbm>>
        tpu.enqueue_indirect_dma source(%dma_start3A_53 : memref<50176x32xf32, #tpu.memory_space<hbm>>) target(%dma_start3A_47 : memref<128x32xf32, #tpu.memory_space<vmem>>) offsets(%dma_start3A_50 : memref<128xi32, #tpu.memory_space<vmem>>) semaphore(%arg10 : memref<!tpu.dma_semaphore, #tpu.memory_space<semaphore_mem>>)
        %mul3A_54 = arith.constant 4 : i32
        %mul3A_55 = arith.muli %add3A_39, %mul3A_54 : i32
        %add3A_56 = arith.constant 1 : i32
        %add3A_57 = arith.addi %mul3A_55, %add3A_56 : i32
        %dma_start3A_58 = arith.constant 1 : i32
        %dma_start3A_59 = arith.constant 0 : i32
        %dma_start3A_60 = arith.constant 0 : i32
        %dma_start3A_61 = tpu.memref_slice %arg8[%dma_start3A_58, %dma_start3A_59, %dma_start3A_60] : memref<4x128x32xf32, #tpu.memory_space<vmem>> -> memref<1x128x32xf32, #tpu.memory_space<vmem>>
        %dma_start3A_62 = tpu.memref_squeeze %dma_start3A_61 : memref<1x128x32xf32, #tpu.memory_space<vmem>> -> memref<128x32xf32, #tpu.memory_space<vmem>>
        %dma_start3A_63 = arith.constant 0 : i32
        %dma_start3A_64 = tpu.memref_slice %arg6[%add3A_57, %dma_start3A_63] : memref<28x128xi32, #tpu.memory_space<vmem>> -> memref<1x128xi32, #tpu.memory_space<vmem>>
        %dma_start3A_65 = tpu.memref_squeeze %dma_start3A_64 : memref<1x128xi32, #tpu.memory_space<vmem>> -> memref<128xi32, #tpu.memory_space<vmem>>
        %dma_start3A_66 = arith.constant 0 : i32
        %dma_start3A_67 = arith.constant 0 : i32
        %dma_start3A_68 = tpu.memref_slice %arg2[%dma_start3A_66, %dma_start3A_67] : memref<50176x32xf32, #tpu.memory_space<hbm>> -> memref<50176x32xf32, #tpu.memory_space<hbm>>
        tpu.enqueue_indirect_dma source(%dma_start3A_68 : memref<50176x32xf32, #tpu.memory_space<hbm>>) target(%dma_start3A_62 : memref<128x32xf32, #tpu.memory_space<vmem>>) offsets(%dma_start3A_65 : memref<128xi32, #tpu.memory_space<vmem>>) semaphore(%arg11 : memref<!tpu.dma_semaphore, #tpu.memory_space<semaphore_mem>>)
        %mul3A_69 = arith.constant 4 : i32
        %mul3A_70 = arith.muli %add3A_39, %mul3A_69 : i32
        %add3A_71 = arith.constant 2 : i32
        %add3A_72 = arith.addi %mul3A_70, %add3A_71 : i32
        %dma_start3A_73 = arith.constant 2 : i32
        %dma_start3A_74 = arith.constant 0 : i32
        %dma_start3A_75 = arith.constant 0 : i32
        %dma_start3A_76 = tpu.memref_slice %arg8[%dma_start3A_73, %dma_start3A_74, %dma_start3A_75] : memref<4x128x32xf32, #tpu.memory_space<vmem>> -> memref<1x128x32xf32, #tpu.memory_space<vmem>>
        %dma_start3A_77 = tpu.memref_squeeze %dma_start3A_76 : memref<1x128x32xf32, #tpu.memory_space<vmem>> -> memref<128x32xf32, #tpu.memory_space<vmem>>
        %dma_start3A_78 = arith.constant 0 : i32
        %dma_start3A_79 = tpu.memref_slice %arg6[%add3A_72, %dma_start3A_78] : memref<28x128xi32, #tpu.memory_space<vmem>> -> memref<1x128xi32, #tpu.memory_space<vmem>>
        %dma_start3A_80 = tpu.memref_squeeze %dma_start3A_79 : memref<1x128xi32, #tpu.memory_space<vmem>> -> memref<128xi32, #tpu.memory_space<vmem>>
        %dma_start3A_81 = arith.constant 0 : i32
        %dma_start3A_82 = arith.constant 0 : i32
        %dma_start3A_83 = tpu.memref_slice %arg2[%dma_start3A_81, %dma_start3A_82] : memref<50176x32xf32, #tpu.memory_space<hbm>> -> memref<50176x32xf32, #tpu.memory_space<hbm>>
        tpu.enqueue_indirect_dma source(%dma_start3A_83 : memref<50176x32xf32, #tpu.memory_space<hbm>>) target(%dma_start3A_77 : memref<128x32xf32, #tpu.memory_space<vmem>>) offsets(%dma_start3A_80 : memref<128xi32, #tpu.memory_space<vmem>>) semaphore(%arg12 : memref<!tpu.dma_semaphore, #tpu.memory_space<semaphore_mem>>)
        %mul3A_84 = arith.constant 4 : i32
        %mul3A_85 = arith.muli %add3A_39, %mul3A_84 : i32
        %add3A_86 = arith.constant 3 : i32
        %add3A_87 = arith.addi %mul3A_85, %add3A_86 : i32
        %dma_start3A_88 = arith.constant 3 : i32
        %dma_start3A_89 = arith.constant 0 : i32
        %dma_start3A_90 = arith.constant 0 : i32
        %dma_start3A_91 = tpu.memref_slice %arg8[%dma_start3A_88, %dma_start3A_89, %dma_start3A_90] : memref<4x128x32xf32, #tpu.memory_space<vmem>> -> memref<1x128x32xf32, #tpu.memory_space<vmem>>
        %dma_start3A_92 = tpu.memref_squeeze %dma_start3A_91 : memref<1x128x32xf32, #tpu.memory_space<vmem>> -> memref<128x32xf32, #tpu.memory_space<vmem>>
        %dma_start3A_93 = arith.constant 0 : i32
        %dma_start3A_94 = tpu.memref_slice %arg6[%add3A_87, %dma_start3A_93] : memref<28x128xi32, #tpu.memory_space<vmem>> -> memref<1x128xi32, #tpu.memory_space<vmem>>
        %dma_start3A_95 = tpu.memref_squeeze %dma_start3A_94 : memref<1x128xi32, #tpu.memory_space<vmem>> -> memref<128xi32, #tpu.memory_space<vmem>>
        %dma_start3A_96 = arith.constant 0 : i32
        %dma_start3A_97 = arith.constant 0 : i32
        %dma_start3A_98 = tpu.memref_slice %arg2[%dma_start3A_96, %dma_start3A_97] : memref<50176x32xf32, #tpu.memory_space<hbm>> -> memref<50176x32xf32, #tpu.memory_space<hbm>>
        tpu.enqueue_indirect_dma source(%dma_start3A_98 : memref<50176x32xf32, #tpu.memory_space<hbm>>) target(%dma_start3A_92 : memref<128x32xf32, #tpu.memory_space<vmem>>) offsets(%dma_start3A_95 : memref<128xi32, #tpu.memory_space<vmem>>) semaphore(%arg13 : memref<!tpu.dma_semaphore, #tpu.memory_space<semaphore_mem>>)
        %dma_wait3A = arith.constant 0 : i32
        %dma_wait3A_99 = arith.constant 0 : i32
        %dma_wait3A_100 = arith.constant 0 : i32
        %dma_wait3A_101 = tpu.memref_slice %arg8[%dma_wait3A, %dma_wait3A_99, %dma_wait3A_100] : memref<4x128x32xf32, #tpu.memory_space<vmem>> -> memref<1x128x32xf32, #tpu.memory_space<vmem>>
        %dma_wait3A_102 = tpu.memref_squeeze %dma_wait3A_101 : memref<1x128x32xf32, #tpu.memory_space<vmem>> -> memref<128x32xf32, #tpu.memory_space<vmem>>
        %dma_wait3A_103 = arith.constant 0 : i32
        %dma_wait3A_104 = tpu.memref_slice %arg6[%add3A_43, %dma_wait3A_103] : memref<28x128xi32, #tpu.memory_space<vmem>> -> memref<1x128xi32, #tpu.memory_space<vmem>>
        %dma_wait3A_105 = tpu.memref_squeeze %dma_wait3A_104 : memref<1x128xi32, #tpu.memory_space<vmem>> -> memref<128xi32, #tpu.memory_space<vmem>>
        %dma_wait3A_106 = arith.constant 0 : i32
        %dma_wait3A_107 = arith.constant 0 : i32
        %dma_wait3A_108 = tpu.memref_slice %arg2[%dma_wait3A_106, %dma_wait3A_107] : memref<50176x32xf32, #tpu.memory_space<hbm>> -> memref<50176x32xf32, #tpu.memory_space<hbm>>
        tpu.wait_indirect_dma semaphore(%arg10 : memref<!tpu.dma_semaphore, #tpu.memory_space<semaphore_mem>>) src(%dma_wait3A_108 : memref<50176x32xf32, #tpu.memory_space<hbm>>) dst(%dma_wait3A_102 : memref<128x32xf32, #tpu.memory_space<vmem>>)
        %mul3A_109 = arith.constant 4 : i32
        %mul3A_110 = arith.muli %add3A_39, %mul3A_109 : i32
        %add3A_111 = arith.constant 0 : i32
        %add3A_112 = arith.addi %mul3A_110, %add3A_111 : i32
        %dma_start3A_113 = arith.constant 0 : i32
        %dma_start3A_114 = arith.constant 0 : i32
        %dma_start3A_115 = arith.constant 0 : i32
        %dma_start3A_116 = tpu.memref_slice %arg8[%dma_start3A_113, %dma_start3A_114, %dma_start3A_115] : memref<4x128x32xf32, #tpu.memory_space<vmem>> -> memref<1x128x32xf32, #tpu.memory_space<vmem>>
        %dma_start3A_117 = tpu.memref_squeeze %dma_start3A_116 : memref<1x128x32xf32, #tpu.memory_space<vmem>> -> memref<128x32xf32, #tpu.memory_space<vmem>>
        %dma_start3A_118 = arith.constant 0 : i32
        %dma_start3A_119 = tpu.memref_slice %arg7[%add3A_112, %dma_start3A_118] : memref<28x128xi32, #tpu.memory_space<vmem>> -> memref<1x128xi32, #tpu.memory_space<vmem>>
        %dma_start3A_120 = tpu.memref_squeeze %dma_start3A_119 : memref<1x128xi32, #tpu.memory_space<vmem>> -> memref<128xi32, #tpu.memory_space<vmem>>
        %dma_start3A_121 = arith.constant 0 : i32
        %dma_start3A_122 = arith.constant 0 : i32
        %dma_start3A_123 = tpu.memref_slice %arg18[%dma_start3A_121, %dma_start3A_122] : memref<50176x32xf32, #tpu.memory_space<vmem_shared>> -> memref<50176x32xf32, #tpu.memory_space<vmem_shared>>
        tpu.enqueue_indirect_dma source(%dma_start3A_117 : memref<128x32xf32, #tpu.memory_space<vmem>>) target(%dma_start3A_123 : memref<50176x32xf32, #tpu.memory_space<vmem_shared>>) offsets(%dma_start3A_120 : memref<128xi32, #tpu.memory_space<vmem>>) semaphore(%arg14 : memref<!tpu.dma_semaphore, #tpu.memory_space<semaphore_mem>>) {add = true}
        %dma_wait3A_124 = arith.constant 1 : i32
        %dma_wait3A_125 = arith.constant 0 : i32
        %dma_wait3A_126 = arith.constant 0 : i32
        %dma_wait3A_127 = tpu.memref_slice %arg8[%dma_wait3A_124, %dma_wait3A_125, %dma_wait3A_126] : memref<4x128x32xf32, #tpu.memory_space<vmem>> -> memref<1x128x32xf32, #tpu.memory_space<vmem>>
        %dma_wait3A_128 = tpu.memref_squeeze %dma_wait3A_127 : memref<1x128x32xf32, #tpu.memory_space<vmem>> -> memref<128x32xf32, #tpu.memory_space<vmem>>
        %dma_wait3A_129 = arith.constant 0 : i32
        %dma_wait3A_130 = tpu.memref_slice %arg6[%add3A_57, %dma_wait3A_129] : memref<28x128xi32, #tpu.memory_space<vmem>> -> memref<1x128xi32, #tpu.memory_space<vmem>>
        %dma_wait3A_131 = tpu.memref_squeeze %dma_wait3A_130 : memref<1x128xi32, #tpu.memory_space<vmem>> -> memref<128xi32, #tpu.memory_space<vmem>>
        %dma_wait3A_132 = arith.constant 0 : i32
        %dma_wait3A_133 = arith.constant 0 : i32
        %dma_wait3A_134 = tpu.memref_slice %arg2[%dma_wait3A_132, %dma_wait3A_133] : memref<50176x32xf32, #tpu.memory_space<hbm>> -> memref<50176x32xf32, #tpu.memory_space<hbm>>
        tpu.wait_indirect_dma semaphore(%arg11 : memref<!tpu.dma_semaphore, #tpu.memory_space<semaphore_mem>>) src(%dma_wait3A_134 : memref<50176x32xf32, #tpu.memory_space<hbm>>) dst(%dma_wait3A_128 : memref<128x32xf32, #tpu.memory_space<vmem>>)
        %mul3A_135 = arith.constant 4 : i32
        %mul3A_136 = arith.muli %add3A_39, %mul3A_135 : i32
        %add3A_137 = arith.constant 1 : i32
        %add3A_138 = arith.addi %mul3A_136, %add3A_137 : i32
        %dma_start3A_139 = arith.constant 1 : i32
        %dma_start3A_140 = arith.constant 0 : i32
        %dma_start3A_141 = arith.constant 0 : i32
        %dma_start3A_142 = tpu.memref_slice %arg8[%dma_start3A_139, %dma_start3A_140, %dma_start3A_141] : memref<4x128x32xf32, #tpu.memory_space<vmem>> -> memref<1x128x32xf32, #tpu.memory_space<vmem>>
        %dma_start3A_143 = tpu.memref_squeeze %dma_start3A_142 : memref<1x128x32xf32, #tpu.memory_space<vmem>> -> memref<128x32xf32, #tpu.memory_space<vmem>>
        %dma_start3A_144 = arith.constant 0 : i32
        %dma_start3A_145 = tpu.memref_slice %arg7[%add3A_138, %dma_start3A_144] : memref<28x128xi32, #tpu.memory_space<vmem>> -> memref<1x128xi32, #tpu.memory_space<vmem>>
        %dma_start3A_146 = tpu.memref_squeeze %dma_start3A_145 : memref<1x128xi32, #tpu.memory_space<vmem>> -> memref<128xi32, #tpu.memory_space<vmem>>
        %dma_start3A_147 = arith.constant 0 : i32
        %dma_start3A_148 = arith.constant 0 : i32
        %dma_start3A_149 = tpu.memref_slice %arg18[%dma_start3A_147, %dma_start3A_148] : memref<50176x32xf32, #tpu.memory_space<vmem_shared>> -> memref<50176x32xf32, #tpu.memory_space<vmem_shared>>
        tpu.enqueue_indirect_dma source(%dma_start3A_143 : memref<128x32xf32, #tpu.memory_space<vmem>>) target(%dma_start3A_149 : memref<50176x32xf32, #tpu.memory_space<vmem_shared>>) offsets(%dma_start3A_146 : memref<128xi32, #tpu.memory_space<vmem>>) semaphore(%arg15 : memref<!tpu.dma_semaphore, #tpu.memory_space<semaphore_mem>>) {add = true}
        %dma_wait3A_150 = arith.constant 2 : i32
        %dma_wait3A_151 = arith.constant 0 : i32
        %dma_wait3A_152 = arith.constant 0 : i32
        %dma_wait3A_153 = tpu.memref_slice %arg8[%dma_wait3A_150, %dma_wait3A_151, %dma_wait3A_152] : memref<4x128x32xf32, #tpu.memory_space<vmem>> -> memref<1x128x32xf32, #tpu.memory_space<vmem>>
        %dma_wait3A_154 = tpu.memref_squeeze %dma_wait3A_153 : memref<1x128x32xf32, #tpu.memory_space<vmem>> -> memref<128x32xf32, #tpu.memory_space<vmem>>
        %dma_wait3A_155 = arith.constant 0 : i32
        %dma_wait3A_156 = tpu.memref_slice %arg6[%add3A_72, %dma_wait3A_155] : memref<28x128xi32, #tpu.memory_space<vmem>> -> memref<1x128xi32, #tpu.memory_space<vmem>>
        %dma_wait3A_157 = tpu.memref_squeeze %dma_wait3A_156 : memref<1x128xi32, #tpu.memory_space<vmem>> -> memref<128xi32, #tpu.memory_space<vmem>>
        %dma_wait3A_158 = arith.constant 0 : i32
        %dma_wait3A_159 = arith.constant 0 : i32
        %dma_wait3A_160 = tpu.memref_slice %arg2[%dma_wait3A_158, %dma_wait3A_159] : memref<50176x32xf32, #tpu.memory_space<hbm>> -> memref<50176x32xf32, #tpu.memory_space<hbm>>
        tpu.wait_indirect_dma semaphore(%arg12 : memref<!tpu.dma_semaphore, #tpu.memory_space<semaphore_mem>>) src(%dma_wait3A_160 : memref<50176x32xf32, #tpu.memory_space<hbm>>) dst(%dma_wait3A_154 : memref<128x32xf32, #tpu.memory_space<vmem>>)
        %mul3A_161 = arith.constant 4 : i32
        %mul3A_162 = arith.muli %add3A_39, %mul3A_161 : i32
        %add3A_163 = arith.constant 2 : i32
        %add3A_164 = arith.addi %mul3A_162, %add3A_163 : i32
        %dma_start3A_165 = arith.constant 2 : i32
        %dma_start3A_166 = arith.constant 0 : i32
        %dma_start3A_167 = arith.constant 0 : i32
        %dma_start3A_168 = tpu.memref_slice %arg8[%dma_start3A_165, %dma_start3A_166, %dma_start3A_167] : memref<4x128x32xf32, #tpu.memory_space<vmem>> -> memref<1x128x32xf32, #tpu.memory_space<vmem>>
        %dma_start3A_169 = tpu.memref_squeeze %dma_start3A_168 : memref<1x128x32xf32, #tpu.memory_space<vmem>> -> memref<128x32xf32, #tpu.memory_space<vmem>>
        %dma_start3A_170 = arith.constant 0 : i32
        %dma_start3A_171 = tpu.memref_slice %arg7[%add3A_164, %dma_start3A_170] : memref<28x128xi32, #tpu.memory_space<vmem>> -> memref<1x128xi32, #tpu.memory_space<vmem>>
        %dma_start3A_172 = tpu.memref_squeeze %dma_start3A_171 : memref<1x128xi32, #tpu.memory_space<vmem>> -> memref<128xi32, #tpu.memory_space<vmem>>
        %dma_start3A_173 = arith.constant 0 : i32
        %dma_start3A_174 = arith.constant 0 : i32
        %dma_start3A_175 = tpu.memref_slice %arg18[%dma_start3A_173, %dma_start3A_174] : memref<50176x32xf32, #tpu.memory_space<vmem_shared>> -> memref<50176x32xf32, #tpu.memory_space<vmem_shared>>
        tpu.enqueue_indirect_dma source(%dma_start3A_169 : memref<128x32xf32, #tpu.memory_space<vmem>>) target(%dma_start3A_175 : memref<50176x32xf32, #tpu.memory_space<vmem_shared>>) offsets(%dma_start3A_172 : memref<128xi32, #tpu.memory_space<vmem>>) semaphore(%arg16 : memref<!tpu.dma_semaphore, #tpu.memory_space<semaphore_mem>>) {add = true}
        %dma_wait3A_176 = arith.constant 3 : i32
        %dma_wait3A_177 = arith.constant 0 : i32
        %dma_wait3A_178 = arith.constant 0 : i32
        %dma_wait3A_179 = tpu.memref_slice %arg8[%dma_wait3A_176, %dma_wait3A_177, %dma_wait3A_178] : memref<4x128x32xf32, #tpu.memory_space<vmem>> -> memref<1x128x32xf32, #tpu.memory_space<vmem>>
        %dma_wait3A_180 = tpu.memref_squeeze %dma_wait3A_179 : memref<1x128x32xf32, #tpu.memory_space<vmem>> -> memref<128x32xf32, #tpu.memory_space<vmem>>
        %dma_wait3A_181 = arith.constant 0 : i32
        %dma_wait3A_182 = tpu.memref_slice %arg6[%add3A_87, %dma_wait3A_181] : memref<28x128xi32, #tpu.memory_space<vmem>> -> memref<1x128xi32, #tpu.memory_space<vmem>>
        %dma_wait3A_183 = tpu.memref_squeeze %dma_wait3A_182 : memref<1x128xi32, #tpu.memory_space<vmem>> -> memref<128xi32, #tpu.memory_space<vmem>>
        %dma_wait3A_184 = arith.constant 0 : i32
        %dma_wait3A_185 = arith.constant 0 : i32
        %dma_wait3A_186 = tpu.memref_slice %arg2[%dma_wait3A_184, %dma_wait3A_185] : memref<50176x32xf32, #tpu.memory_space<hbm>> -> memref<50176x32xf32, #tpu.memory_space<hbm>>
        tpu.wait_indirect_dma semaphore(%arg13 : memref<!tpu.dma_semaphore, #tpu.memory_space<semaphore_mem>>) src(%dma_wait3A_186 : memref<50176x32xf32, #tpu.memory_space<hbm>>) dst(%dma_wait3A_180 : memref<128x32xf32, #tpu.memory_space<vmem>>)
        %mul3A_187 = arith.constant 4 : i32
        %mul3A_188 = arith.muli %add3A_39, %mul3A_187 : i32
        %add3A_189 = arith.constant 3 : i32
        %add3A_190 = arith.addi %mul3A_188, %add3A_189 : i32
        %dma_start3A_191 = arith.constant 3 : i32
        %dma_start3A_192 = arith.constant 0 : i32
        %dma_start3A_193 = arith.constant 0 : i32
        %dma_start3A_194 = tpu.memref_slice %arg8[%dma_start3A_191, %dma_start3A_192, %dma_start3A_193] : memref<4x128x32xf32, #tpu.memory_space<vmem>> -> memref<1x128x32xf32, #tpu.memory_space<vmem>>
        %dma_start3A_195 = tpu.memref_squeeze %dma_start3A_194 : memref<1x128x32xf32, #tpu.memory_space<vmem>> -> memref<128x32xf32, #tpu.memory_space<vmem>>
        %dma_start3A_196 = arith.constant 0 : i32
        %dma_start3A_197 = tpu.memref_slice %arg7[%add3A_190, %dma_start3A_196] : memref<28x128xi32, #tpu.memory_space<vmem>> -> memref<1x128xi32, #tpu.memory_space<vmem>>
        %dma_start3A_198 = tpu.memref_squeeze %dma_start3A_197 : memref<1x128xi32, #tpu.memory_space<vmem>> -> memref<128xi32, #tpu.memory_space<vmem>>
        %dma_start3A_199 = arith.constant 0 : i32
        %dma_start3A_200 = arith.constant 0 : i32
        %dma_start3A_201 = tpu.memref_slice %arg18[%dma_start3A_199, %dma_start3A_200] : memref<50176x32xf32, #tpu.memory_space<vmem_shared>> -> memref<50176x32xf32, #tpu.memory_space<vmem_shared>>
        tpu.enqueue_indirect_dma source(%dma_start3A_195 : memref<128x32xf32, #tpu.memory_space<vmem>>) target(%dma_start3A_201 : memref<50176x32xf32, #tpu.memory_space<vmem_shared>>) offsets(%dma_start3A_198 : memref<128xi32, #tpu.memory_space<vmem>>) semaphore(%arg17 : memref<!tpu.dma_semaphore, #tpu.memory_space<semaphore_mem>>) {add = true}
        %dma_wait3A_202 = arith.constant 0 : i32
        %dma_wait3A_203 = arith.constant 0 : i32
        %dma_wait3A_204 = arith.constant 0 : i32
        %dma_wait3A_205 = tpu.memref_slice %arg8[%dma_wait3A_202, %dma_wait3A_203, %dma_wait3A_204] : memref<4x128x32xf32, #tpu.memory_space<vmem>> -> memref<1x128x32xf32, #tpu.memory_space<vmem>>
        %dma_wait3A_206 = tpu.memref_squeeze %dma_wait3A_205 : memref<1x128x32xf32, #tpu.memory_space<vmem>> -> memref<128x32xf32, #tpu.memory_space<vmem>>
        %dma_wait3A_207 = arith.constant 0 : i32
        %dma_wait3A_208 = tpu.memref_slice %arg7[%add3A_112, %dma_wait3A_207] : memref<28x128xi32, #tpu.memory_space<vmem>> -> memref<1x128xi32, #tpu.memory_space<vmem>>
        %dma_wait3A_209 = tpu.memref_squeeze %dma_wait3A_208 : memref<1x128xi32, #tpu.memory_space<vmem>> -> memref<128xi32, #tpu.memory_space<vmem>>
        %dma_wait3A_210 = arith.constant 0 : i32
        %dma_wait3A_211 = arith.constant 0 : i32
        %dma_wait3A_212 = tpu.memref_slice %arg18[%dma_wait3A_210, %dma_wait3A_211] : memref<50176x32xf32, #tpu.memory_space<vmem_shared>> -> memref<50176x32xf32, #tpu.memory_space<vmem_shared>>
        tpu.wait_indirect_dma semaphore(%arg14 : memref<!tpu.dma_semaphore, #tpu.memory_space<semaphore_mem>>) src(%dma_wait3A_206 : memref<128x32xf32, #tpu.memory_space<vmem>>) dst(%dma_wait3A_212 : memref<50176x32xf32, #tpu.memory_space<vmem_shared>>)
        %dma_wait3A_213 = arith.constant 1 : i32
        %dma_wait3A_214 = arith.constant 0 : i32
        %dma_wait3A_215 = arith.constant 0 : i32
        %dma_wait3A_216 = tpu.memref_slice %arg8[%dma_wait3A_213, %dma_wait3A_214, %dma_wait3A_215] : memref<4x128x32xf32, #tpu.memory_space<vmem>> -> memref<1x128x32xf32, #tpu.memory_space<vmem>>
        %dma_wait3A_217 = tpu.memref_squeeze %dma_wait3A_216 : memref<1x128x32xf32, #tpu.memory_space<vmem>> -> memref<128x32xf32, #tpu.memory_space<vmem>>
        %dma_wait3A_218 = arith.constant 0 : i32
        %dma_wait3A_219 = tpu.memref_slice %arg7[%add3A_138, %dma_wait3A_218] : memref<28x128xi32, #tpu.memory_space<vmem>> -> memref<1x128xi32, #tpu.memory_space<vmem>>
        %dma_wait3A_220 = tpu.memref_squeeze %dma_wait3A_219 : memref<1x128xi32, #tpu.memory_space<vmem>> -> memref<128xi32, #tpu.memory_space<vmem>>
        %dma_wait3A_221 = arith.constant 0 : i32
        %dma_wait3A_222 = arith.constant 0 : i32
        %dma_wait3A_223 = tpu.memref_slice %arg18[%dma_wait3A_221, %dma_wait3A_222] : memref<50176x32xf32, #tpu.memory_space<vmem_shared>> -> memref<50176x32xf32, #tpu.memory_space<vmem_shared>>
        tpu.wait_indirect_dma semaphore(%arg15 : memref<!tpu.dma_semaphore, #tpu.memory_space<semaphore_mem>>) src(%dma_wait3A_217 : memref<128x32xf32, #tpu.memory_space<vmem>>) dst(%dma_wait3A_223 : memref<50176x32xf32, #tpu.memory_space<vmem_shared>>)
        %dma_wait3A_224 = arith.constant 2 : i32
        %dma_wait3A_225 = arith.constant 0 : i32
        %dma_wait3A_226 = arith.constant 0 : i32
        %dma_wait3A_227 = tpu.memref_slice %arg8[%dma_wait3A_224, %dma_wait3A_225, %dma_wait3A_226] : memref<4x128x32xf32, #tpu.memory_space<vmem>> -> memref<1x128x32xf32, #tpu.memory_space<vmem>>
        %dma_wait3A_228 = tpu.memref_squeeze %dma_wait3A_227 : memref<1x128x32xf32, #tpu.memory_space<vmem>> -> memref<128x32xf32, #tpu.memory_space<vmem>>
        %dma_wait3A_229 = arith.constant 0 : i32
        %dma_wait3A_230 = tpu.memref_slice %arg7[%add3A_164, %dma_wait3A_229] : memref<28x128xi32, #tpu.memory_space<vmem>> -> memref<1x128xi32, #tpu.memory_space<vmem>>
        %dma_wait3A_231 = tpu.memref_squeeze %dma_wait3A_230 : memref<1x128xi32, #tpu.memory_space<vmem>> -> memref<128xi32, #tpu.memory_space<vmem>>
        %dma_wait3A_232 = arith.constant 0 : i32
        %dma_wait3A_233 = arith.constant 0 : i32
        %dma_wait3A_234 = tpu.memref_slice %arg18[%dma_wait3A_232, %dma_wait3A_233] : memref<50176x32xf32, #tpu.memory_space<vmem_shared>> -> memref<50176x32xf32, #tpu.memory_space<vmem_shared>>
        tpu.wait_indirect_dma semaphore(%arg16 : memref<!tpu.dma_semaphore, #tpu.memory_space<semaphore_mem>>) src(%dma_wait3A_228 : memref<128x32xf32, #tpu.memory_space<vmem>>) dst(%dma_wait3A_234 : memref<50176x32xf32, #tpu.memory_space<vmem_shared>>)
        %dma_wait3A_235 = arith.constant 3 : i32
        %dma_wait3A_236 = arith.constant 0 : i32
        %dma_wait3A_237 = arith.constant 0 : i32
        %dma_wait3A_238 = tpu.memref_slice %arg8[%dma_wait3A_235, %dma_wait3A_236, %dma_wait3A_237] : memref<4x128x32xf32, #tpu.memory_space<vmem>> -> memref<1x128x32xf32, #tpu.memory_space<vmem>>
        %dma_wait3A_239 = tpu.memref_squeeze %dma_wait3A_238 : memref<1x128x32xf32, #tpu.memory_space<vmem>> -> memref<128x32xf32, #tpu.memory_space<vmem>>
        %dma_wait3A_240 = arith.constant 0 : i32
        %dma_wait3A_241 = tpu.memref_slice %arg7[%add3A_190, %dma_wait3A_240] : memref<28x128xi32, #tpu.memory_space<vmem>> -> memref<1x128xi32, #tpu.memory_space<vmem>>
        %dma_wait3A_242 = tpu.memref_squeeze %dma_wait3A_241 : memref<1x128xi32, #tpu.memory_space<vmem>> -> memref<128xi32, #tpu.memory_space<vmem>>
        %dma_wait3A_243 = arith.constant 0 : i32
        %dma_wait3A_244 = arith.constant 0 : i32
        %dma_wait3A_245 = tpu.memref_slice %arg18[%dma_wait3A_243, %dma_wait3A_244] : memref<50176x32xf32, #tpu.memory_space<vmem_shared>> -> memref<50176x32xf32, #tpu.memory_space<vmem_shared>>
        tpu.wait_indirect_dma semaphore(%arg17 : memref<!tpu.dma_semaphore, #tpu.memory_space<semaphore_mem>>) src(%dma_wait3A_239 : memref<128x32xf32, #tpu.memory_space<vmem>>) dst(%dma_wait3A_245 : memref<50176x32xf32, #tpu.memory_space<vmem_shared>>)
      }
      %scan3A_34 = arith.constant 7 : i32
    }
    %scan3A_14 = arith.constant 7 : i32
    %barrier3A_15 = arith.constant 0 : index
    tpu.barrier barrier_id(%barrier3A_15)
    %scan3A_16 = arith.constant 0 : i32
    %scan3A_17 = arith.constant 64 : i32
    %scan3A_18 = arith.addi %scan3A_16, %scan3A_17 : i32
    %scan3A_19 = arith.constant 1 : i32
    scf.for %scan3A_21 = %scan3A_16 to %scan3A_18 step %scan3A_19  : i32 {
      %mul3A_22 = arith.constant 1 : i32
      %mul3A_23 = arith.muli %scan3A_21, %mul3A_22 : i32
      %add3A_24 = arith.constant 0 : i32
      %add3A_25 = arith.addi %add3A_24, %mul3A_23 : i32
      %mul3A_26 = arith.constant 3136 : i32
      %mul3A_27 = arith.muli %arg1, %mul3A_26 : i32
      %mul3A_28 = arith.constant 49 : i32
      %mul3A_29 = arith.muli %add3A_25, %mul3A_28 : i32
      %add3A_30 = arith.addi %mul3A_27, %mul3A_29 : i32
      "tpu.region"() ({
        %run_scoped3A = tpu.sem_alloc : memref<!tpu.dma_semaphore, #tpu.memory_space<semaphore_mem>>
        %dma_start3A = arith.constant 0 : i32
        %dma_start3A_36 = tpu.memref_slice %arg18[%add3A_30, %dma_start3A] : memref<50176x32xf32, #tpu.memory_space<vmem_shared>> -> memref<49x32xf32, #tpu.memory_space<vmem_shared>>
        %dma_start3A_37 = arith.constant 0 : i32
        %dma_start3A_38 = tpu.memref_slice %arg18[%add3A_30, %dma_start3A_37] : memref<50176x32xf32, #tpu.memory_space<vmem_shared>> -> memref<49x32xf32, #tpu.memory_space<vmem_shared>>
        tpu.enqueue_dma source(%dma_start3A_38 : memref<49x32xf32, #tpu.memory_space<vmem_shared>>) target(%arg9 : memref<49x32xf32, #tpu.memory_space<vmem>>) target_semaphore(%run_scoped3A : memref<!tpu.dma_semaphore, #tpu.memory_space<semaphore_mem>>)
        %dma_wait3A = arith.constant 0 : i32
        %dma_wait3A_39 = tpu.memref_slice %arg18[%add3A_30, %dma_wait3A] : memref<50176x32xf32, #tpu.memory_space<vmem_shared>> -> memref<49x32xf32, #tpu.memory_space<vmem_shared>>
        %dma_wait3A_40 = arith.constant 0 : i32
        %dma_wait3A_41 = tpu.memref_slice %arg18[%add3A_30, %dma_wait3A_40] : memref<50176x32xf32, #tpu.memory_space<vmem_shared>> -> memref<49x32xf32, #tpu.memory_space<vmem_shared>>
        tpu.wait_dma2 semaphore(%run_scoped3A : memref<!tpu.dma_semaphore, #tpu.memory_space<semaphore_mem>>) src(%dma_wait3A_41 : memref<49x32xf32, #tpu.memory_space<vmem_shared>>) dst(%arg9 : memref<49x32xf32, #tpu.memory_space<vmem>>)
        tpu.yield
      }) : () -> ()
      %mul3A_31 = arith.constant 3136 : i32
      %mul3A_32 = arith.muli %arg1, %mul3A_31 : i32
      %mul3A_33 = arith.constant 49 : i32
      %mul3A_34 = arith.muli %add3A_25, %mul3A_33 : i32
      %add3A_35 = arith.addi %mul3A_32, %mul3A_34 : i32
      "tpu.region"() ({
        %run_scoped3A = tpu.sem_alloc : memref<!tpu.dma_semaphore, #tpu.memory_space<semaphore_mem>>
        %dma_start3A = arith.constant 0 : i32
        %dma_start3A_36 = tpu.memref_slice %arg5[%arg0, %add3A_35, %dma_start3A] : memref<2x50176x32xf32, #tpu.memory_space<hbm>> -> memref<1x49x32xf32, #tpu.memory_space<hbm>>
        %dma_start3A_37 = tpu.memref_squeeze %dma_start3A_36 : memref<1x49x32xf32, #tpu.memory_space<hbm>> -> memref<49x32xf32, #tpu.memory_space<hbm>>
        %dma_start3A_38 = arith.constant 0 : i32
        %dma_start3A_39 = tpu.memref_slice %arg5[%arg0, %add3A_35, %dma_start3A_38] : memref<2x50176x32xf32, #tpu.memory_space<hbm>> -> memref<1x49x32xf32, #tpu.memory_space<hbm>>
        %dma_start3A_40 = tpu.memref_squeeze %dma_start3A_39 : memref<1x49x32xf32, #tpu.memory_space<hbm>> -> memref<49x32xf32, #tpu.memory_space<hbm>>
        tpu.enqueue_dma source(%arg9 : memref<49x32xf32, #tpu.memory_space<vmem>>) target(%dma_start3A_40 : memref<49x32xf32, #tpu.memory_space<hbm>>) target_semaphore(%run_scoped3A : memref<!tpu.dma_semaphore, #tpu.memory_space<semaphore_mem>>)
        %dma_wait3A = arith.constant 0 : i32
        %dma_wait3A_41 = tpu.memref_slice %arg5[%arg0, %add3A_35, %dma_wait3A] : memref<2x50176x32xf32, #tpu.memory_space<hbm>> -> memref<1x49x32xf32, #tpu.memory_space<hbm>>
        %dma_wait3A_42 = tpu.memref_squeeze %dma_wait3A_41 : memref<1x49x32xf32, #tpu.memory_space<hbm>> -> memref<49x32xf32, #tpu.memory_space<hbm>>
        %dma_wait3A_43 = arith.constant 0 : i32
        %dma_wait3A_44 = tpu.memref_slice %arg5[%arg0, %add3A_35, %dma_wait3A_43] : memref<2x50176x32xf32, #tpu.memory_space<hbm>> -> memref<1x49x32xf32, #tpu.memory_space<hbm>>
        %dma_wait3A_45 = tpu.memref_squeeze %dma_wait3A_44 : memref<1x49x32xf32, #tpu.memory_space<hbm>> -> memref<49x32xf32, #tpu.memory_space<hbm>>
        tpu.wait_dma2 semaphore(%run_scoped3A : memref<!tpu.dma_semaphore, #tpu.memory_space<semaphore_mem>>) src(%arg9 : memref<49x32xf32, #tpu.memory_space<vmem>>) dst(%dma_wait3A_45 : memref<49x32xf32, #tpu.memory_space<hbm>>)
        tpu.yield
      }) : () -> ()
    }
    %scan3A_20 = arith.constant 64 : i32
    return
  }
}

module attributes {stable_mosaic.version = 14 : i64} {
  func.func @_tc1_body(%arg0: i32, %arg1: memref<7168xf32, #tpu.memory_space<vmem>>, %arg2: memref<7168xf32, #tpu.memory_space<vmem>>, %arg3: memref<2x1792x4xf32, #tpu.memory_space<vmem>>, %arg4: memref<1792x128xf32, #tpu.memory_space<vmem>>, %arg5: memref<4x128xf32, #tpu.memory_space<vmem>>, %arg6: memref<7168xf32, #tpu.memory_space<vmem>>, %arg7: memref<1792x4xf32, #tpu.memory_space<vmem>>, %arg8: memref<1792x128xf32, #tpu.memory_space<vmem>>) attributes {dimension_semantics = [#tpu.dimension_semantics<arbitrary>], iteration_bounds = array<i64: 7>, scalar_prefetch = 0 : i64, scratch_operands = 0 : i64, tpu.core_type = #tpu.core_type<tc>, window_params = [{transform_indices = @transform_0, window_bounds = array<i64: 7168>}, {transform_indices = @transform_1, window_bounds = array<i64: 7168>}, {transform_indices = @transform_2, window_bounds = array<i64: 2, 1792, 4>}, {transform_indices = @transform_3, window_bounds = array<i64: 1792, 128>}, {pipeline_mode = #tpu.pipeline_mode<synchronous>, transform_indices = @transform_4, window_bounds = array<i64: 4, 128>}, {transform_indices = @transform_5, window_bounds = array<i64: 7168>}, {transform_indices = @transform_6, window_bounds = array<i64: 1792, 4>}, {transform_indices = @transform_7, window_bounds = array<i64: 1792, 128>}]} {
    %get3A = arith.constant 0 : index
    %get3A_0 = vector.load %arg1[%get3A] : memref<7168xf32, #tpu.memory_space<vmem>>, vector<7168xf32>
    %get3A_1 = arith.constant 0 : index
    %get3A_2 = vector.load %arg2[%get3A_1] : memref<7168xf32, #tpu.memory_space<vmem>>, vector<7168xf32>
    %add3A = arith.addf %get3A_0, %get3A_2 : vector<7168xf32>
    %add3A_3 = arith.constant 1.000000e+00 : f32
    %add3A_4 = vector.broadcast %add3A_3 : f32 to vector<7168xf32>
    %add3A_5 = arith.addf %add3A, %add3A_4 : vector<7168xf32>
    %mul3A = arith.constant 7168 : i32
    %mul3A_6 = arith.muli %arg0, %mul3A : i32
    %iota3A = tpu.iota {dimensions = array<i32: 1>} : vector<1x7168xi32>
    %iota3A_7 = vector.shape_cast %iota3A : vector<1x7168xi32> to vector<7168xi32>
    %add3A_8 = vector.broadcast %mul3A_6 : i32 to vector<7168xi32>
    %add3A_9 = arith.addi %add3A_8, %iota3A_7 : vector<7168xi32>
    %lt3A = arith.constant 50000 : i32
    %lt3A_10 = vector.broadcast %lt3A : i32 to vector<7168xi32>
    %lt3A_11 = arith.cmpi slt, %add3A_9, %lt3A_10 : vector<7168xi32>
    %rsqrt3A = math.rsqrt %add3A_5 : vector<7168xf32>
    %jit3A = arith.constant 0.000000e+00 : f32
    %broadcast_in_dim3A = vector.broadcast %jit3A : f32 to vector<7168xf32>
    %select_n3A = arith.select %lt3A_11, %rsqrt3A, %broadcast_in_dim3A : vector<7168xi1>, vector<7168xf32>
    %swap3A = arith.constant 0 : index
    %swap3A_12 = vector.load %arg6[%swap3A] : memref<7168xf32, #tpu.memory_space<vmem>>, vector<7168xf32>
    tpu.vector_store %arg6[%swap3A], %select_n3A {strides = array<i32>} : memref<7168xf32, #tpu.memory_space<vmem>>, vector<7168xf32>,
    %get3A_13 = arith.constant 0 : index
    %get3A_14 = arith.constant 0 : index
    %get3A_15 = arith.constant 0 : index
    %get3A_16 = vector.load %arg3[%get3A_13, %get3A_14, %get3A_15] : memref<2x1792x4xf32, #tpu.memory_space<vmem>>, vector<2x1792x4xf32>
    %slice3A = vector.extract_strided_slice %get3A_16 {offsets = [0, 0, 0], sizes = [1, 1792, 4], strides = [1, 1, 1]} : vector<2x1792x4xf32> to vector<1x1792x4xf32>
    %squeeze3A = vector.shape_cast %slice3A : vector<1x1792x4xf32> to vector<1792x4xf32>
    %slice3A_17 = vector.extract_strided_slice %get3A_16 {offsets = [1, 0, 0], sizes = [1, 1792, 4], strides = [1, 1, 1]} : vector<2x1792x4xf32> to vector<1x1792x4xf32>
    %squeeze3A_18 = vector.shape_cast %slice3A_17 : vector<1x1792x4xf32> to vector<1792x4xf32>
    %add3A_19 = arith.addf %squeeze3A, %squeeze3A_18 : vector<1792x4xf32>
    %add3A_20 = arith.constant 1.000000e+00 : f32
    %add3A_21 = vector.broadcast %add3A_20 : f32 to vector<1792x4xf32>
    %add3A_22 = arith.addf %add3A_19, %add3A_21 : vector<1792x4xf32>
    %mul3A_23 = arith.constant 1792 : i32
    %mul3A_24 = arith.muli %arg0, %mul3A_23 : i32
    %iota3A_25 = tpu.iota {dimensions = array<i32: 0>} : vector<1792x4xi32>
    %add3A_26 = vector.broadcast %mul3A_24 : i32 to vector<1792x4xi32>
    %add3A_27 = arith.addi %add3A_26, %iota3A_25 : vector<1792x4xi32>
    %mul3A_28 = arith.constant 4 : i32
    %mul3A_29 = vector.broadcast %mul3A_28 : i32 to vector<1792x4xi32>
    %mul3A_30 = arith.muli %mul3A_29, %add3A_27 : vector<1792x4xi32>
    %iota3A_31 = tpu.iota {dimensions = array<i32: 1>} : vector<1792x4xi32>
    %add3A_32 = arith.addi %mul3A_30, %iota3A_31 : vector<1792x4xi32>
    %lt3A_33 = arith.constant 50000 : i32
    %lt3A_34 = vector.broadcast %lt3A_33 : i32 to vector<1792x4xi32>
    %lt3A_35 = arith.cmpi slt, %add3A_32, %lt3A_34 : vector<1792x4xi32>
    %rsqrt3A_36 = math.rsqrt %add3A_22 : vector<1792x4xf32>
    %jit3A_37 = arith.constant 0.000000e+00 : f32
    %broadcast_in_dim3A_38 = vector.broadcast %jit3A_37 : f32 to vector<1792x4xf32>
    %select_n3A_39 = arith.select %lt3A_35, %rsqrt3A_36, %broadcast_in_dim3A_38 : vector<1792x4xi1>, vector<1792x4xf32>
    %swap3A_40 = arith.constant 0 : index
    %swap3A_41 = arith.constant 0 : index
    %swap3A_42 = vector.load %arg7[%swap3A_40, %swap3A_41] : memref<1792x4xf32, #tpu.memory_space<vmem>>, vector<1792x4xf32>
    tpu.vector_store %arg7[%swap3A_40, %swap3A_41], %select_n3A_39 {strides = array<i32>} : memref<1792x4xf32, #tpu.memory_space<vmem>>, vector<1792x4xf32>,
    %get3A_43 = arith.constant 0 : index
    %get3A_44 = arith.constant 0 : index
    %get3A_45 = vector.load %arg5[%get3A_43, %get3A_44] : memref<4x128xf32, #tpu.memory_space<vmem>>, vector<4x128xf32>
    %convert_element_type3A = arith.truncf %select_n3A_39 : vector<1792x4xf32> to vector<1792x4xbf16>
    %convert_element_type3A_46 = arith.extf %convert_element_type3A : vector<1792x4xbf16> to vector<1792x4xf32>
    %sub3A = arith.subf %select_n3A_39, %convert_element_type3A_46 : vector<1792x4xf32>
    %convert_element_type3A_47 = arith.truncf %sub3A : vector<1792x4xf32> to vector<1792x4xbf16>
    %convert_element_type3A_48 = arith.truncf %get3A_45 : vector<4x128xf32> to vector<4x128xbf16>
    %convert_element_type3A_49 = arith.extf %convert_element_type3A_48 : vector<4x128xbf16> to vector<4x128xf32>
    %sub3A_50 = arith.subf %get3A_45, %convert_element_type3A_49 : vector<4x128xf32>
    %convert_element_type3A_51 = arith.truncf %sub3A_50 : vector<4x128xf32> to vector<4x128xbf16>
    %dot_general3A = arith.constant dense<0.000000e+00> : vector<1792x128xf32>
    %dot_general3A_52 = tpu.matmul %convert_element_type3A, %convert_element_type3A_48, %dot_general3A {dimension_numbers = #tpu.dot_dimension_numbers<[1], [0], [0], [1], [0, 0, 1, 1], [], []>, transpose_lhs_hint = false} : vector<1792x4xbf16>, vector<4x128xbf16>, vector<1792x128xf32> -> vector<1792x128xf32>
    %dot_general3A_53 = arith.constant dense<0.000000e+00> : vector<1792x128xf32>
    %dot_general3A_54 = tpu.matmul %convert_element_type3A, %convert_element_type3A_51, %dot_general3A_53 {dimension_numbers = #tpu.dot_dimension_numbers<[1], [0], [0], [1], [0, 0, 1, 1], [], []>, transpose_lhs_hint = false} : vector<1792x4xbf16>, vector<4x128xbf16>, vector<1792x128xf32> -> vector<1792x128xf32>
    %dot_general3A_55 = arith.constant dense<0.000000e+00> : vector<1792x128xf32>
    %dot_general3A_56 = tpu.matmul %convert_element_type3A_47, %convert_element_type3A_48, %dot_general3A_55 {dimension_numbers = #tpu.dot_dimension_numbers<[1], [0], [0], [1], [0, 0, 1, 1], [], []>, transpose_lhs_hint = false} : vector<1792x4xbf16>, vector<4x128xbf16>, vector<1792x128xf32> -> vector<1792x128xf32>
    %add3A_57 = arith.addf %dot_general3A_54, %dot_general3A_56 : vector<1792x128xf32>
    %add3A_58 = arith.addf %dot_general3A_52, %add3A_57 : vector<1792x128xf32>
    %gt3A = arith.constant 0.000000e+00 : f32
    %gt3A_59 = vector.broadcast %gt3A : f32 to vector<1792x128xf32>
    %gt3A_60 = arith.cmpf ogt, %add3A_58, %gt3A_59 : vector<1792x128xf32>
    %get3A_61 = arith.constant 0 : index
    %get3A_62 = arith.constant 0 : index
    %get3A_63 = vector.load %arg4[%get3A_61, %get3A_62] : memref<1792x128xf32, #tpu.memory_space<vmem>>, vector<1792x128xf32>
    %mul3A_64 = arith.mulf %get3A_63, %add3A_58 : vector<1792x128xf32>
    %jit3A_65 = arith.constant 0.000000e+00 : f32
    %broadcast_in_dim3A_66 = vector.broadcast %jit3A_65 : f32 to vector<1792x128xf32>
    %select_n3A_67 = arith.select %gt3A_60, %mul3A_64, %broadcast_in_dim3A_66 : vector<1792x128xi1>, vector<1792x128xf32>
    %swap3A_68 = arith.constant 0 : index
    %swap3A_69 = arith.constant 0 : index
    %swap3A_70 = vector.load %arg8[%swap3A_68, %swap3A_69] : memref<1792x128xf32, #tpu.memory_space<vmem>>, vector<1792x128xf32>
    tpu.vector_store %arg8[%swap3A_68, %swap3A_69], %select_n3A_67 {strides = array<i32>} : memref<1792x128xf32, #tpu.memory_space<vmem>>, vector<1792x128xf32>,
    return
  }
  func.func @transform_0(%arg0: i32) -> i32 {
    %c0_i32 = arith.constant 0 : i32
    return %arg0 : i32
  }
  func.func @transform_1(%arg0: i32) -> i32 {
    %add3A = arith.constant 7 : i32
    %add3A_0 = arith.addi %arg0, %add3A : i32
    %c0_i32 = arith.constant 0 : i32
    return %add3A_0 : i32
  }
  func.func @transform_2(%arg0: i32) -> (i32, i32, i32) {
    %c0_i32 = arith.constant 0 : i32
    %c0_i32_0 = arith.constant 0 : i32
    %c0_i32_1 = arith.constant 0 : i32
    return %c0_i32, %arg0, %c0_i32_0 : i32, i32, i32
  }
  func.func @transform_3(%arg0: i32) -> (i32, i32) {
    %c0_i32 = arith.constant 0 : i32
    %c0_i32_0 = arith.constant 0 : i32
    return %arg0, %c0_i32 : i32, i32
  }
  func.func @transform_4(%arg0: i32) -> (i32, i32) {
    %c0_i32 = arith.constant 0 : i32
    %c0_i32_0 = arith.constant 0 : i32
    %c0_i32_1 = arith.constant 0 : i32
    return %c0_i32, %c0_i32_0 : i32, i32
  }
  func.func @transform_5(%arg0: i32) -> i32 {
    %c0_i32 = arith.constant 0 : i32
    return %arg0 : i32
  }
  func.func @transform_6(%arg0: i32) -> (i32, i32) {
    %c0_i32 = arith.constant 0 : i32
    %c0_i32_0 = arith.constant 0 : i32
    return %arg0, %c0_i32 : i32, i32
  }
  func.func @transform_7(%arg0: i32) -> (i32, i32) {
    %c0_i32 = arith.constant 0 : i32
    %c0_i32_0 = arith.constant 0 : i32
    return %arg0, %c0_i32 : i32, i32
  }
}

module attributes {stable_mosaic.version = 14 : i64} {
  func.func @_tc2_body(%arg0: i32, %arg1: memref<2x1792x128xf32, #tpu.memory_space<vmem>>, %arg2: memref<1792x128xf32, #tpu.memory_space<vmem>>, %arg3: memref<1792x4xf32, #tpu.memory_space<vmem>>, %arg4: memref<2x1792x4xf32, #tpu.memory_space<vmem>>, %arg5: memref<4x128xf32, #tpu.memory_space<vmem>>, %arg6: memref<128x256xf32, #tpu.memory_space<vmem>>, %arg7: memref<1x256xf32, #tpu.memory_space<vmem>>, %arg8: memref<256x128xf32, #tpu.memory_space<vmem>>, %arg9: memref<1792x128xf32, #tpu.memory_space<vmem>>, %arg10: memref<1792x4xf32, #tpu.memory_space<vmem>>) attributes {dimension_semantics = [#tpu.dimension_semantics<arbitrary>], iteration_bounds = array<i64: 7>, scalar_prefetch = 0 : i64, scratch_operands = 0 : i64, tpu.core_type = #tpu.core_type<tc>, window_params = [{transform_indices = @transform_0, window_bounds = array<i64: 2, 1792, 128>}, {transform_indices = @transform_1, window_bounds = array<i64: 1792, 128>}, {transform_indices = @transform_2, window_bounds = array<i64: 1792, 4>}, {transform_indices = @transform_3, window_bounds = array<i64: 2, 1792, 4>}, {pipeline_mode = #tpu.pipeline_mode<synchronous>, transform_indices = @transform_4, window_bounds = array<i64: 4, 128>}, {pipeline_mode = #tpu.pipeline_mode<synchronous>, transform_indices = @transform_5, window_bounds = array<i64: 128, 256>}, {pipeline_mode = #tpu.pipeline_mode<synchronous>, transform_indices = @transform_6, window_bounds = array<i64: 1, 256>}, {pipeline_mode = #tpu.pipeline_mode<synchronous>, transform_indices = @transform_7, window_bounds = array<i64: 256, 128>}, {transform_indices = @transform_8, window_bounds = array<i64: 1792, 128>}, {transform_indices = @transform_9, window_bounds = array<i64: 1792, 4>}]} {
    %get3A = arith.constant 0 : index
    %get3A_0 = arith.constant 0 : index
    %get3A_1 = arith.constant 0 : index
    %get3A_2 = vector.load %arg1[%get3A, %get3A_0, %get3A_1] : memref<2x1792x128xf32, #tpu.memory_space<vmem>>, vector<2x1792x128xf32>
    %get3A_3 = arith.constant 0 : index
    %get3A_4 = arith.constant 0 : index
    %get3A_5 = vector.load %arg3[%get3A_3, %get3A_4] : memref<1792x4xf32, #tpu.memory_space<vmem>>, vector<1792x4xf32>
    %get3A_6 = arith.constant 0 : index
    %get3A_7 = arith.constant 0 : index
    %get3A_8 = vector.load %arg5[%get3A_6, %get3A_7] : memref<4x128xf32, #tpu.memory_space<vmem>>, vector<4x128xf32>
    %convert_element_type3A = arith.truncf %get3A_5 : vector<1792x4xf32> to vector<1792x4xbf16>
    %convert_element_type3A_9 = arith.extf %convert_element_type3A : vector<1792x4xbf16> to vector<1792x4xf32>
    %sub3A = arith.subf %get3A_5, %convert_element_type3A_9 : vector<1792x4xf32>
    %convert_element_type3A_10 = arith.truncf %sub3A : vector<1792x4xf32> to vector<1792x4xbf16>
    %convert_element_type3A_11 = arith.truncf %get3A_8 : vector<4x128xf32> to vector<4x128xbf16>
    %convert_element_type3A_12 = arith.extf %convert_element_type3A_11 : vector<4x128xbf16> to vector<4x128xf32>
    %sub3A_13 = arith.subf %get3A_8, %convert_element_type3A_12 : vector<4x128xf32>
    %convert_element_type3A_14 = arith.truncf %sub3A_13 : vector<4x128xf32> to vector<4x128xbf16>
    %dot_general3A = arith.constant dense<0.000000e+00> : vector<1792x128xf32>
    %dot_general3A_15 = tpu.matmul %convert_element_type3A, %convert_element_type3A_11, %dot_general3A {dimension_numbers = #tpu.dot_dimension_numbers<[1], [0], [0], [1], [0, 0, 1, 1], [], []>, transpose_lhs_hint = false} : vector<1792x4xbf16>, vector<4x128xbf16>, vector<1792x128xf32> -> vector<1792x128xf32>
    %dot_general3A_16 = arith.constant dense<0.000000e+00> : vector<1792x128xf32>
    %dot_general3A_17 = tpu.matmul %convert_element_type3A, %convert_element_type3A_14, %dot_general3A_16 {dimension_numbers = #tpu.dot_dimension_numbers<[1], [0], [0], [1], [0, 0, 1, 1], [], []>, transpose_lhs_hint = false} : vector<1792x4xbf16>, vector<4x128xbf16>, vector<1792x128xf32> -> vector<1792x128xf32>
    %dot_general3A_18 = arith.constant dense<0.000000e+00> : vector<1792x128xf32>
    %dot_general3A_19 = tpu.matmul %convert_element_type3A_10, %convert_element_type3A_11, %dot_general3A_18 {dimension_numbers = #tpu.dot_dimension_numbers<[1], [0], [0], [1], [0, 0, 1, 1], [], []>, transpose_lhs_hint = false} : vector<1792x4xbf16>, vector<4x128xbf16>, vector<1792x128xf32> -> vector<1792x128xf32>
    %add3A = arith.addf %dot_general3A_17, %dot_general3A_19 : vector<1792x128xf32>
    %add3A_20 = arith.addf %dot_general3A_15, %add3A : vector<1792x128xf32>
    %slice3A = vector.extract_strided_slice %get3A_2 {offsets = [0, 0, 0], sizes = [1, 1792, 128], strides = [1, 1, 1]} : vector<2x1792x128xf32> to vector<1x1792x128xf32>
    %squeeze3A = vector.shape_cast %slice3A : vector<1x1792x128xf32> to vector<1792x128xf32>
    %slice3A_21 = vector.extract_strided_slice %get3A_2 {offsets = [1, 0, 0], sizes = [1, 1792, 128], strides = [1, 1, 1]} : vector<2x1792x128xf32> to vector<1x1792x128xf32>
    %squeeze3A_22 = vector.shape_cast %slice3A_21 : vector<1x1792x128xf32> to vector<1792x128xf32>
    %add3A_23 = arith.addf %squeeze3A, %squeeze3A_22 : vector<1792x128xf32>
    %get3A_24 = arith.constant 0 : index
    %get3A_25 = arith.constant 0 : index
    %get3A_26 = vector.load %arg2[%get3A_24, %get3A_25] : memref<1792x128xf32, #tpu.memory_space<vmem>>, vector<1792x128xf32>
    %add3A_27 = arith.addf %add3A_23, %get3A_26 : vector<1792x128xf32>
    %mul3A = arith.mulf %add3A_20, %add3A_27 : vector<1792x128xf32>
    %get3A_28 = arith.constant 0 : index
    %get3A_29 = arith.constant 0 : index
    %get3A_30 = vector.load %arg6[%get3A_28, %get3A_29] : memref<128x256xf32, #tpu.memory_space<vmem>>, vector<128x256xf32>
    %convert_element_type3A_31 = arith.truncf %mul3A : vector<1792x128xf32> to vector<1792x128xbf16>
    %convert_element_type3A_32 = arith.extf %convert_element_type3A_31 : vector<1792x128xbf16> to vector<1792x128xf32>
    %sub3A_33 = arith.subf %mul3A, %convert_element_type3A_32 : vector<1792x128xf32>
    %convert_element_type3A_34 = arith.truncf %sub3A_33 : vector<1792x128xf32> to vector<1792x128xbf16>
    %convert_element_type3A_35 = arith.truncf %get3A_30 : vector<128x256xf32> to vector<128x256xbf16>
    %convert_element_type3A_36 = arith.extf %convert_element_type3A_35 : vector<128x256xbf16> to vector<128x256xf32>
    %sub3A_37 = arith.subf %get3A_30, %convert_element_type3A_36 : vector<128x256xf32>
    %convert_element_type3A_38 = arith.truncf %sub3A_37 : vector<128x256xf32> to vector<128x256xbf16>
    %dot_general3A_39 = arith.constant dense<0.000000e+00> : vector<1792x256xf32>
    %dot_general3A_40 = tpu.matmul %convert_element_type3A_31, %convert_element_type3A_35, %dot_general3A_39 {dimension_numbers = #tpu.dot_dimension_numbers<[1], [0], [0], [1], [0, 0, 1, 1], [], []>, transpose_lhs_hint = false} : vector<1792x128xbf16>, vector<128x256xbf16>, vector<1792x256xf32> -> vector<1792x256xf32>
    %dot_general3A_41 = arith.constant dense<0.000000e+00> : vector<1792x256xf32>
    %dot_general3A_42 = tpu.matmul %convert_element_type3A_31, %convert_element_type3A_38, %dot_general3A_41 {dimension_numbers = #tpu.dot_dimension_numbers<[1], [0], [0], [1], [0, 0, 1, 1], [], []>, transpose_lhs_hint = false} : vector<1792x128xbf16>, vector<128x256xbf16>, vector<1792x256xf32> -> vector<1792x256xf32>
    %dot_general3A_43 = arith.constant dense<0.000000e+00> : vector<1792x256xf32>
    %dot_general3A_44 = tpu.matmul %convert_element_type3A_34, %convert_element_type3A_35, %dot_general3A_43 {dimension_numbers = #tpu.dot_dimension_numbers<[1], [0], [0], [1], [0, 0, 1, 1], [], []>, transpose_lhs_hint = false} : vector<1792x128xbf16>, vector<128x256xbf16>, vector<1792x256xf32> -> vector<1792x256xf32>
    %add3A_45 = arith.addf %dot_general3A_42, %dot_general3A_44 : vector<1792x256xf32>
    %add3A_46 = arith.addf %dot_general3A_40, %add3A_45 : vector<1792x256xf32>
    %get3A_47 = arith.constant 0 : index
    %get3A_48 = arith.constant 0 : index
    %get3A_49 = vector.load %arg7[%get3A_47, %get3A_48] : memref<1x256xf32, #tpu.memory_space<vmem>>, vector<1x256xf32>
    %add3A_50 = vector.broadcast %get3A_49 : vector<1x256xf32> to vector<1792x256xf32>
    %add3A_51 = arith.addf %add3A_46, %add3A_50 : vector<1792x256xf32>
    %max3A = arith.constant 0.000000e+00 : f32
    %max3A_52 = vector.broadcast %max3A : f32 to vector<1792x256xf32>
    %max3A_53 = arith.maximumf %add3A_51, %max3A_52 : vector<1792x256xf32>
    %get3A_54 = arith.constant 0 : index
    %get3A_55 = arith.constant 0 : index
    %get3A_56 = vector.load %arg8[%get3A_54, %get3A_55] : memref<256x128xf32, #tpu.memory_space<vmem>>, vector<256x128xf32>
    %convert_element_type3A_57 = arith.truncf %max3A_53 : vector<1792x256xf32> to vector<1792x256xbf16>
    %convert_element_type3A_58 = arith.extf %convert_element_type3A_57 : vector<1792x256xbf16> to vector<1792x256xf32>
    %sub3A_59 = arith.subf %max3A_53, %convert_element_type3A_58 : vector<1792x256xf32>
    %convert_element_type3A_60 = arith.truncf %sub3A_59 : vector<1792x256xf32> to vector<1792x256xbf16>
    %convert_element_type3A_61 = arith.truncf %get3A_56 : vector<256x128xf32> to vector<256x128xbf16>
    %convert_element_type3A_62 = arith.extf %convert_element_type3A_61 : vector<256x128xbf16> to vector<256x128xf32>
    %sub3A_63 = arith.subf %get3A_56, %convert_element_type3A_62 : vector<256x128xf32>
    %convert_element_type3A_64 = arith.truncf %sub3A_63 : vector<256x128xf32> to vector<256x128xbf16>
    %dot_general3A_65 = arith.constant dense<0.000000e+00> : vector<1792x128xf32>
    %dot_general3A_66 = tpu.matmul %convert_element_type3A_57, %convert_element_type3A_61, %dot_general3A_65 {dimension_numbers = #tpu.dot_dimension_numbers<[1], [0], [0], [1], [0, 0, 1, 1], [], []>, transpose_lhs_hint = false} : vector<1792x256xbf16>, vector<256x128xbf16>, vector<1792x128xf32> -> vector<1792x128xf32>
    %dot_general3A_67 = arith.constant dense<0.000000e+00> : vector<1792x128xf32>
    %dot_general3A_68 = tpu.matmul %convert_element_type3A_57, %convert_element_type3A_64, %dot_general3A_67 {dimension_numbers = #tpu.dot_dimension_numbers<[1], [0], [0], [1], [0, 0, 1, 1], [], []>, transpose_lhs_hint = false} : vector<1792x256xbf16>, vector<256x128xbf16>, vector<1792x128xf32> -> vector<1792x128xf32>
    %dot_general3A_69 = arith.constant dense<0.000000e+00> : vector<1792x128xf32>
    %dot_general3A_70 = tpu.matmul %convert_element_type3A_60, %convert_element_type3A_61, %dot_general3A_69 {dimension_numbers = #tpu.dot_dimension_numbers<[1], [0], [0], [1], [0, 0, 1, 1], [], []>, transpose_lhs_hint = false} : vector<1792x256xbf16>, vector<256x128xbf16>, vector<1792x128xf32> -> vector<1792x128xf32>
    %add3A_71 = arith.addf %dot_general3A_68, %dot_general3A_70 : vector<1792x128xf32>
    %add3A_72 = arith.addf %dot_general3A_66, %add3A_71 : vector<1792x128xf32>
    %mul3A_73 = arith.mulf %add3A_20, %add3A_72 : vector<1792x128xf32>
    %swap3A = arith.constant 0 : index
    %swap3A_74 = arith.constant 0 : index
    %swap3A_75 = vector.load %arg9[%swap3A, %swap3A_74] : memref<1792x128xf32, #tpu.memory_space<vmem>>, vector<1792x128xf32>
    tpu.vector_store %arg9[%swap3A, %swap3A_74], %mul3A_73 {strides = array<i32>} : memref<1792x128xf32, #tpu.memory_space<vmem>>, vector<1792x128xf32>,
    %get3A_76 = arith.constant 0 : index
    %get3A_77 = arith.constant 0 : index
    %get3A_78 = arith.constant 0 : index
    %get3A_79 = vector.load %arg4[%get3A_76, %get3A_77, %get3A_78] : memref<2x1792x4xf32, #tpu.memory_space<vmem>>, vector<2x1792x4xf32>
    %slice3A_80 = vector.extract_strided_slice %get3A_79 {offsets = [0, 0, 0], sizes = [1, 1792, 4], strides = [1, 1, 1]} : vector<2x1792x4xf32> to vector<1x1792x4xf32>
    %squeeze3A_81 = vector.shape_cast %slice3A_80 : vector<1x1792x4xf32> to vector<1792x4xf32>
    %slice3A_82 = vector.extract_strided_slice %get3A_79 {offsets = [1, 0, 0], sizes = [1, 1792, 4], strides = [1, 1, 1]} : vector<2x1792x4xf32> to vector<1x1792x4xf32>
    %squeeze3A_83 = vector.shape_cast %slice3A_82 : vector<1x1792x4xf32> to vector<1792x4xf32>
    %add3A_84 = arith.addf %squeeze3A_81, %squeeze3A_83 : vector<1792x4xf32>
    %add3A_85 = arith.addf %add3A_84, %get3A_5 : vector<1792x4xf32>
    %mul3A_86 = arith.mulf %get3A_5, %add3A_85 : vector<1792x4xf32>
    %swap3A_87 = arith.constant 0 : index
    %swap3A_88 = arith.constant 0 : index
    %swap3A_89 = vector.load %arg10[%swap3A_87, %swap3A_88] : memref<1792x4xf32, #tpu.memory_space<vmem>>, vector<1792x4xf32>
    tpu.vector_store %arg10[%swap3A_87, %swap3A_88], %mul3A_86 {strides = array<i32>} : memref<1792x4xf32, #tpu.memory_space<vmem>>, vector<1792x4xf32>,
    return
  }
  func.func @transform_0(%arg0: i32) -> (i32, i32, i32) {
    %c0_i32 = arith.constant 0 : i32
    %c0_i32_0 = arith.constant 0 : i32
    %c0_i32_1 = arith.constant 0 : i32
    return %c0_i32, %arg0, %c0_i32_0 : i32, i32, i32
  }
  func.func @transform_1(%arg0: i32) -> (i32, i32) {
    %c0_i32 = arith.constant 0 : i32
    %c0_i32_0 = arith.constant 0 : i32
    return %arg0, %c0_i32 : i32, i32
  }
  func.func @transform_2(%arg0: i32) -> (i32, i32) {
    %c0_i32 = arith.constant 0 : i32
    %c0_i32_0 = arith.constant 0 : i32
    return %arg0, %c0_i32 : i32, i32
  }
  func.func @transform_3(%arg0: i32) -> (i32, i32, i32) {
    %c0_i32 = arith.constant 0 : i32
    %c0_i32_0 = arith.constant 0 : i32
    %c0_i32_1 = arith.constant 0 : i32
    return %c0_i32, %arg0, %c0_i32_0 : i32, i32, i32
  }
  func.func @transform_4(%arg0: i32) -> (i32, i32) {
    %c0_i32 = arith.constant 0 : i32
    %c0_i32_0 = arith.constant 0 : i32
    %c0_i32_1 = arith.constant 0 : i32
    return %c0_i32, %c0_i32_0 : i32, i32
  }
  func.func @transform_5(%arg0: i32) -> (i32, i32) {
    %c0_i32 = arith.constant 0 : i32
    %c0_i32_0 = arith.constant 0 : i32
    %c0_i32_1 = arith.constant 0 : i32
    return %c0_i32, %c0_i32_0 : i32, i32
  }
  func.func @transform_6(%arg0: i32) -> (i32, i32) {
    %c0_i32 = arith.constant 0 : i32
    %c0_i32_0 = arith.constant 0 : i32
    %c0_i32_1 = arith.constant 0 : i32
    return %c0_i32, %c0_i32_0 : i32, i32
  }
  func.func @transform_7(%arg0: i32) -> (i32, i32) {
    %c0_i32 = arith.constant 0 : i32
    %c0_i32_0 = arith.constant 0 : i32
    %c0_i32_1 = arith.constant 0 : i32
    return %c0_i32, %c0_i32_0 : i32, i32
  }
  func.func @transform_8(%arg0: i32) -> (i32, i32) {
    %c0_i32 = arith.constant 0 : i32
    %c0_i32_0 = arith.constant 0 : i32
    return %arg0, %c0_i32 : i32, i32
  }
  func.func @transform_9(%arg0: i32) -> (i32, i32) {
    %c0_i32 = arith.constant 0 : i32
    %c0_i32_0 = arith.constant 0 : i32
    return %arg0, %c0_i32 : i32, i32
  }
}

module attributes {stable_mosaic.version = 14 : i64} {
  func.func @_tc3_body(%arg0: i32, %arg1: memref<2x1792x128xf32, #tpu.memory_space<vmem>>, %arg2: memref<1792x128xf32, #tpu.memory_space<vmem>>, %arg3: memref<1792x4xf32, #tpu.memory_space<vmem>>, %arg4: memref<1792x4xf32, #tpu.memory_space<vmem>>, %arg5: memref<4x128xf32, #tpu.memory_space<vmem>>, %arg6: memref<1x128xf32, #tpu.memory_space<vmem>>, %arg7: memref<1x32xf32, #tpu.memory_space<vmem>>, %arg8: memref<1x1xf32, #tpu.memory_space<vmem>>, %arg9: memref<1x1xf32, #tpu.memory_space<vmem>>, %arg10: memref<1x128xf32, #tpu.memory_space<vmem>>) attributes {dimension_semantics = [#tpu.dimension_semantics<arbitrary>], iteration_bounds = array<i64: 7>, scalar_prefetch = 0 : i64, scratch_operands = 1 : i64, tpu.core_type = #tpu.core_type<tc>, window_params = [{transform_indices = @transform_0, window_bounds = array<i64: 2, 1792, 128>}, {transform_indices = @transform_1, window_bounds = array<i64: 1792, 128>}, {transform_indices = @transform_2, window_bounds = array<i64: 1792, 4>}, {transform_indices = @transform_3, window_bounds = array<i64: 1792, 4>}, {pipeline_mode = #tpu.pipeline_mode<synchronous>, transform_indices = @transform_4, window_bounds = array<i64: 4, 128>}, {pipeline_mode = #tpu.pipeline_mode<synchronous>, transform_indices = @transform_5, window_bounds = array<i64: 1, 128>}, {pipeline_mode = #tpu.pipeline_mode<synchronous>, transform_indices = @transform_6, window_bounds = array<i64: 1, 32>}, {pipeline_mode = #tpu.pipeline_mode<synchronous>, transform_indices = @transform_7, window_bounds = array<i64: 1, 1>}, {pipeline_mode = #tpu.pipeline_mode<synchronous>, transform_indices = @transform_8, window_bounds = array<i64: 1, 1>}]} {
    %eq3A = arith.constant 0 : i32
    %eq3A_0 = arith.cmpi eq, %arg0, %eq3A : i32
    %convert_element_type3A = arith.extui %eq3A_0 : i1 to i32
    %cond3A = arith.constant 0 : i32
    %cond3A_1 = arith.cmpi ne, %convert_element_type3A, %cond3A : i32
    scf.if %cond3A_1 {
      %broadcast_in_dim3A_70 = arith.constant 0.000000e+00 : f32
      %broadcast_in_dim3A_71 = vector.broadcast %broadcast_in_dim3A_70 : f32 to vector<1x128xf32>
      %swap3A_72 = arith.constant 0 : index
      %swap3A_73 = arith.constant 0 : index
      %swap3A_74 = vector.load %arg10[%swap3A_72, %swap3A_73] : memref<1x128xf32, #tpu.memory_space<vmem>>, vector<1x128xf32>
      tpu.vector_store %arg10[%swap3A_72, %swap3A_73], %broadcast_in_dim3A_71 {strides = array<i32>} : memref<1x128xf32, #tpu.memory_space<vmem>>, vector<1x128xf32>,
    } else {
    }
    %get3A = arith.constant 0 : index
    %get3A_2 = arith.constant 0 : index
    %get3A_3 = arith.constant 0 : index
    %get3A_4 = vector.load %arg1[%get3A, %get3A_2, %get3A_3] : memref<2x1792x128xf32, #tpu.memory_space<vmem>>, vector<2x1792x128xf32>
    %get3A_5 = arith.constant 0 : index
    %get3A_6 = arith.constant 0 : index
    %get3A_7 = vector.load %arg5[%get3A_5, %get3A_6] : memref<4x128xf32, #tpu.memory_space<vmem>>, vector<4x128xf32>
    %get3A_8 = arith.constant 0 : index
    %get3A_9 = arith.constant 0 : index
    %get3A_10 = vector.load %arg3[%get3A_8, %get3A_9] : memref<1792x4xf32, #tpu.memory_space<vmem>>, vector<1792x4xf32>
    %convert_element_type3A_11 = arith.truncf %get3A_10 : vector<1792x4xf32> to vector<1792x4xbf16>
    %convert_element_type3A_12 = arith.extf %convert_element_type3A_11 : vector<1792x4xbf16> to vector<1792x4xf32>
    %sub3A = arith.subf %get3A_10, %convert_element_type3A_12 : vector<1792x4xf32>
    %convert_element_type3A_13 = arith.truncf %sub3A : vector<1792x4xf32> to vector<1792x4xbf16>
    %convert_element_type3A_14 = arith.truncf %get3A_7 : vector<4x128xf32> to vector<4x128xbf16>
    %convert_element_type3A_15 = arith.extf %convert_element_type3A_14 : vector<4x128xbf16> to vector<4x128xf32>
    %sub3A_16 = arith.subf %get3A_7, %convert_element_type3A_15 : vector<4x128xf32>
    %convert_element_type3A_17 = arith.truncf %sub3A_16 : vector<4x128xf32> to vector<4x128xbf16>
    %dot_general3A = arith.constant dense<0.000000e+00> : vector<1792x128xf32>
    %dot_general3A_18 = tpu.matmul %convert_element_type3A_11, %convert_element_type3A_14, %dot_general3A {dimension_numbers = #tpu.dot_dimension_numbers<[1], [0], [0], [1], [0, 0, 1, 1], [], []>, transpose_lhs_hint = false} : vector<1792x4xbf16>, vector<4x128xbf16>, vector<1792x128xf32> -> vector<1792x128xf32>
    %dot_general3A_19 = arith.constant dense<0.000000e+00> : vector<1792x128xf32>
    %dot_general3A_20 = tpu.matmul %convert_element_type3A_11, %convert_element_type3A_17, %dot_general3A_19 {dimension_numbers = #tpu.dot_dimension_numbers<[1], [0], [0], [1], [0, 0, 1, 1], [], []>, transpose_lhs_hint = false} : vector<1792x4xbf16>, vector<4x128xbf16>, vector<1792x128xf32> -> vector<1792x128xf32>
    %dot_general3A_21 = arith.constant dense<0.000000e+00> : vector<1792x128xf32>
    %dot_general3A_22 = tpu.matmul %convert_element_type3A_13, %convert_element_type3A_14, %dot_general3A_21 {dimension_numbers = #tpu.dot_dimension_numbers<[1], [0], [0], [1], [0, 0, 1, 1], [], []>, transpose_lhs_hint = false} : vector<1792x4xbf16>, vector<4x128xbf16>, vector<1792x128xf32> -> vector<1792x128xf32>
    %add3A = arith.addf %dot_general3A_20, %dot_general3A_22 : vector<1792x128xf32>
    %add3A_23 = arith.addf %dot_general3A_18, %add3A : vector<1792x128xf32>
    %slice3A = vector.extract_strided_slice %get3A_4 {offsets = [0, 0, 0], sizes = [1, 1792, 128], strides = [1, 1, 1]} : vector<2x1792x128xf32> to vector<1x1792x128xf32>
    %squeeze3A = vector.shape_cast %slice3A : vector<1x1792x128xf32> to vector<1792x128xf32>
    %slice3A_24 = vector.extract_strided_slice %get3A_4 {offsets = [1, 0, 0], sizes = [1, 1792, 128], strides = [1, 1, 1]} : vector<2x1792x128xf32> to vector<1x1792x128xf32>
    %squeeze3A_25 = vector.shape_cast %slice3A_24 : vector<1x1792x128xf32> to vector<1792x128xf32>
    %add3A_26 = arith.addf %squeeze3A, %squeeze3A_25 : vector<1792x128xf32>
    %get3A_27 = arith.constant 0 : index
    %get3A_28 = arith.constant 0 : index
    %get3A_29 = vector.load %arg2[%get3A_27, %get3A_28] : memref<1792x128xf32, #tpu.memory_space<vmem>>, vector<1792x128xf32>
    %add3A_30 = arith.addf %add3A_26, %get3A_29 : vector<1792x128xf32>
    %mul3A = arith.mulf %add3A_23, %add3A_30 : vector<1792x128xf32>
    %get3A_31 = arith.constant 0 : index
    %get3A_32 = arith.constant 0 : index
    %get3A_33 = vector.load %arg6[%get3A_31, %get3A_32] : memref<1x128xf32, #tpu.memory_space<vmem>>, vector<1x128xf32>
    %add3A_34 = vector.broadcast %get3A_33 : vector<1x128xf32> to vector<1792x128xf32>
    %add3A_35 = arith.addf %mul3A, %add3A_34 : vector<1792x128xf32>
    %max3A = arith.constant 0.000000e+00 : f32
    %max3A_36 = vector.broadcast %max3A : f32 to vector<1792x128xf32>
    %max3A_37 = arith.maximumf %add3A_35, %max3A_36 : vector<1792x128xf32>
    %get3A_38 = arith.constant 0 : index
    %get3A_39 = arith.constant 0 : index
    %get3A_40 = vector.load %arg4[%get3A_38, %get3A_39] : memref<1792x4xf32, #tpu.memory_space<vmem>>, vector<1792x4xf32>
    %convert_element_type3A_41 = arith.truncf %get3A_40 : vector<1792x4xf32> to vector<1792x4xbf16>
    %convert_element_type3A_42 = arith.extf %convert_element_type3A_41 : vector<1792x4xbf16> to vector<1792x4xf32>
    %sub3A_43 = arith.subf %get3A_40, %convert_element_type3A_42 : vector<1792x4xf32>
    %convert_element_type3A_44 = arith.truncf %sub3A_43 : vector<1792x4xf32> to vector<1792x4xbf16>
    %convert_element_type3A_45 = arith.truncf %get3A_7 : vector<4x128xf32> to vector<4x128xbf16>
    %convert_element_type3A_46 = arith.extf %convert_element_type3A_45 : vector<4x128xbf16> to vector<4x128xf32>
    %sub3A_47 = arith.subf %get3A_7, %convert_element_type3A_46 : vector<4x128xf32>
    %convert_element_type3A_48 = arith.truncf %sub3A_47 : vector<4x128xf32> to vector<4x128xbf16>
    %dot_general3A_49 = arith.constant dense<0.000000e+00> : vector<1792x128xf32>
    %dot_general3A_50 = tpu.matmul %convert_element_type3A_41, %convert_element_type3A_45, %dot_general3A_49 {dimension_numbers = #tpu.dot_dimension_numbers<[1], [0], [0], [1], [0, 0, 1, 1], [], []>, transpose_lhs_hint = false} : vector<1792x4xbf16>, vector<4x128xbf16>, vector<1792x128xf32> -> vector<1792x128xf32>
    %dot_general3A_51 = arith.constant dense<0.000000e+00> : vector<1792x128xf32>
    %dot_general3A_52 = tpu.matmul %convert_element_type3A_41, %convert_element_type3A_48, %dot_general3A_51 {dimension_numbers = #tpu.dot_dimension_numbers<[1], [0], [0], [1], [0, 0, 1, 1], [], []>, transpose_lhs_hint = false} : vector<1792x4xbf16>, vector<4x128xbf16>, vector<1792x128xf32> -> vector<1792x128xf32>
    %dot_general3A_53 = arith.constant dense<0.000000e+00> : vector<1792x128xf32>
    %dot_general3A_54 = tpu.matmul %convert_element_type3A_44, %convert_element_type3A_45, %dot_general3A_53 {dimension_numbers = #tpu.dot_dimension_numbers<[1], [0], [0], [1], [0, 0, 1, 1], [], []>, transpose_lhs_hint = false} : vector<1792x4xbf16>, vector<4x128xbf16>, vector<1792x128xf32> -> vector<1792x128xf32>
    %add3A_55 = arith.addf %dot_general3A_52, %dot_general3A_54 : vector<1792x128xf32>
    %add3A_56 = arith.addf %dot_general3A_50, %add3A_55 : vector<1792x128xf32>
    %get3A_57 = arith.constant 0 : index
    %get3A_58 = arith.constant 0 : index
    %get3A_59 = vector.load %arg10[%get3A_57, %get3A_58] : memref<1x128xf32, #tpu.memory_space<vmem>>, vector<1x128xf32>
    %mul3A_60 = arith.mulf %add3A_56, %max3A_37 : vector<1792x128xf32>
    %reduce_sum3A = arith.constant dense<0.000000e+00> : vector<128xf32>
    %reduce_sum3A_61 = vector.multi_reduction <add>, %mul3A_60, %reduce_sum3A [0] : vector<1792x128xf32> to vector<128xf32>
    %broadcast_in_dim3A = vector.shape_cast %reduce_sum3A_61 : vector<128xf32> to vector<1x128xf32>
    %add3A_62 = arith.addf %get3A_59, %broadcast_in_dim3A : vector<1x128xf32>
    %swap3A = arith.constant 0 : index
    %swap3A_63 = arith.constant 0 : index
    %swap3A_64 = vector.load %arg10[%swap3A, %swap3A_63] : memref<1x128xf32, #tpu.memory_space<vmem>>, vector<1x128xf32>
    tpu.vector_store %arg10[%swap3A, %swap3A_63], %add3A_62 {strides = array<i32>} : memref<1x128xf32, #tpu.memory_space<vmem>>, vector<1x128xf32>,
    %eq3A_65 = arith.constant 6 : i32
    %eq3A_66 = arith.cmpi eq, %arg0, %eq3A_65 : i32
    %convert_element_type3A_67 = arith.extui %eq3A_66 : i1 to i32
    %cond3A_68 = arith.constant 0 : i32
    %cond3A_69 = arith.cmpi ne, %convert_element_type3A_67, %cond3A_68 : i32
    scf.if %cond3A_69 {
      %get3A_70 = arith.constant 0 : index
      %get3A_71 = arith.constant 0 : index
      %get3A_72 = vector.load %arg10[%get3A_70, %get3A_71] : memref<1x128xf32, #tpu.memory_space<vmem>>, vector<1x128xf32>
      %slice3A_73 = vector.extract_strided_slice %get3A_72 {offsets = [0, 0], sizes = [1, 32], strides = [1, 1]} : vector<1x128xf32> to vector<1x32xf32>
      %slice3A_74 = vector.extract_strided_slice %get3A_72 {offsets = [0, 32], sizes = [1, 32], strides = [1, 1]} : vector<1x128xf32> to vector<1x32xf32>
      %add3A_75 = arith.addf %slice3A_73, %slice3A_74 : vector<1x32xf32>
      %slice3A_76 = vector.extract_strided_slice %get3A_72 {offsets = [0, 64], sizes = [1, 32], strides = [1, 1]} : vector<1x128xf32> to vector<1x32xf32>
      %add3A_77 = arith.addf %add3A_75, %slice3A_76 : vector<1x32xf32>
      %slice3A_78 = vector.extract_strided_slice %get3A_72 {offsets = [0, 96], sizes = [1, 32], strides = [1, 1]} : vector<1x128xf32> to vector<1x32xf32>
      %add3A_79 = arith.addf %add3A_77, %slice3A_78 : vector<1x32xf32>
      %get3A_80 = arith.constant 0 : index
      %get3A_81 = arith.constant 0 : index
      %get3A_82 = vector.load %arg7[%get3A_80, %get3A_81] : memref<1x32xf32, #tpu.memory_space<vmem>>, vector<1x32xf32>
      %mul3A_83 = arith.mulf %add3A_79, %get3A_82 : vector<1x32xf32>
      %reduce_sum3A_84 = arith.constant dense<0.000000e+00> : vector<1xf32>
      %reduce_sum3A_85 = vector.multi_reduction <add>, %mul3A_83, %reduce_sum3A_84 [1] : vector<1x32xf32> to vector<1xf32>
      %broadcast_in_dim3A_86 = vector.shape_cast %reduce_sum3A_85 : vector<1xf32> to vector<1x1xf32>
      %get3A_87 = arith.constant 0 : index
      %get3A_88 = arith.constant 0 : index
      %get3A_89 = vector.load %arg8[%get3A_87, %get3A_88] : memref<1x1xf32, #tpu.memory_space<vmem>>, vector<1x1xf32>
      %mul3A_90 = arith.constant 5.000000e+04 : f32
      %mul3A_91 = vector.broadcast %mul3A_90 : f32 to vector<1x1xf32>
      %mul3A_92 = arith.mulf %mul3A_91, %get3A_89 : vector<1x1xf32>
      %add3A_93 = arith.addf %broadcast_in_dim3A_86, %mul3A_92 : vector<1x1xf32>
      %logistic3A = arith.negf %add3A_93 : vector<1x1xf32>
      %logistic3A_94 = math.exp %logistic3A : vector<1x1xf32>
      %logistic3A_95 = arith.constant 1.000000e+00 : f32
      %logistic3A_96 = vector.broadcast %logistic3A_95 : f32 to vector<1x1xf32>
      %logistic3A_97 = arith.addf %logistic3A_96, %logistic3A_94 : vector<1x1xf32>
      %logistic3A_98 = arith.divf %logistic3A_96, %logistic3A_97 : vector<1x1xf32>
      %swap3A_99 = arith.constant 0 : index
      %swap3A_100 = arith.constant 0 : index
      %swap3A_101 = vector.load %arg9[%swap3A_99, %swap3A_100] : memref<1x1xf32, #tpu.memory_space<vmem>>, vector<1x1xf32>
      tpu.vector_store %arg9[%swap3A_99, %swap3A_100], %logistic3A_98 {strides = array<i32>} : memref<1x1xf32, #tpu.memory_space<vmem>>, vector<1x1xf32>,
    } else {
    }
    return
  }
  func.func @transform_0(%arg0: i32) -> (i32, i32, i32) {
    %c0_i32 = arith.constant 0 : i32
    %c0_i32_0 = arith.constant 0 : i32
    %c0_i32_1 = arith.constant 0 : i32
    return %c0_i32, %arg0, %c0_i32_0 : i32, i32, i32
  }
  func.func @transform_1(%arg0: i32) -> (i32, i32) {
    %c0_i32 = arith.constant 0 : i32
    %c0_i32_0 = arith.constant 0 : i32
    return %arg0, %c0_i32 : i32, i32
  }
  func.func @transform_2(%arg0: i32) -> (i32, i32) {
    %c0_i32 = arith.constant 0 : i32
    %c0_i32_0 = arith.constant 0 : i32
    return %arg0, %c0_i32 : i32, i32
  }
  func.func @transform_3(%arg0: i32) -> (i32, i32) {
    %c0_i32 = arith.constant 0 : i32
    %c0_i32_0 = arith.constant 0 : i32
    return %arg0, %c0_i32 : i32, i32
  }
  func.func @transform_4(%arg0: i32) -> (i32, i32) {
    %c0_i32 = arith.constant 0 : i32
    %c0_i32_0 = arith.constant 0 : i32
    %c0_i32_1 = arith.constant 0 : i32
    return %c0_i32, %c0_i32_0 : i32, i32
  }
  func.func @transform_5(%arg0: i32) -> (i32, i32) {
    %c0_i32 = arith.constant 0 : i32
    %c0_i32_0 = arith.constant 0 : i32
    %c0_i32_1 = arith.constant 0 : i32
    return %c0_i32, %c0_i32_0 : i32, i32
  }
  func.func @transform_6(%arg0: i32) -> (i32, i32) {
    %c0_i32 = arith.constant 0 : i32
    %c0_i32_0 = arith.constant 0 : i32
    %c0_i32_1 = arith.constant 0 : i32
    return %c0_i32, %c0_i32_0 : i32, i32
  }
  func.func @transform_7(%arg0: i32) -> (i32, i32) {
    %c0_i32 = arith.constant 0 : i32
    %c0_i32_0 = arith.constant 0 : i32
    %c0_i32_1 = arith.constant 0 : i32
    return %c0_i32, %c0_i32_0 : i32, i32
  }
  func.func @transform_8(%arg0: i32) -> (i32, i32) {
    %c0_i32 = arith.constant 0 : i32
    %c0_i32_0 = arith.constant 0 : i32
    %c0_i32_1 = arith.constant 0 : i32
    return %c0_i32, %c0_i32_0 : i32, i32
  }
}

</mosaic_0001>

<sc_bundles>
// kernel: kernel.11.cloned.1.call-start
scs
__scs_entry_jumppad:
0x0: {  	(pc) =	sbr.rel $0x88, $3  }
0x1: {  	(tag) =	ssettag $0x0;
	lr =	simm.s32 $0x1  }
0x2: {  	[smem:$0x3F99] =	sst lr;
	_ =	strace $0xD0000000  }
0x3: {  	_ = 	snop  }
0x4: {  	_ = 	snop  }
0x5: {  	_ = 	snop  }
0x6: {  	_ = 	snop  }
0x7: {  	_ = 	snop  }
__scs_overlays_trampoline_lowered:
0x8: {  	[smem:$0x3FA8] =	sst s0  }
0x9: {  	[smem:$0x3FA9] =	sst s1  }
0xa: {  	[smem:$0x3FAA] =	sst s2  }
0xb: {  	[smem:$0x3FAB] =	sst s3  }
0xc: {  	[smem:$0x3FAC] =	sst s4  }
0xd: {  	[smem:$0x3FAD] =	sst s5  }
0xe: {  	[smem:$0x3FAE] =	sst s6  }
0xf: {  	[smem:$0x3FAF] =	sst s7  }
0x10: {  	[smem:$0x3FB0] =	sst s8  }
0x11: {  	[smem:$0x3FB1] =	sst s9;
	s0 =	simm.s32 @!p0 $0x0  }
0x12: {  	s1 =	sld [smem:$0x3F97];
	s0 =	simm.s32 @p0 $0x1  }
0x13: {  	[smem:$0x3FB2] =	sst s0;
	s0 =	simm.s32 @!p1 $0x0  }
0x14: {  	s2 =	sld [smem:$0x3F96];
	s0 =	simm.s32 @p1 $0x1  }
0x15: {  	[smem:$0x3FB3] =	sst s0;
	s0 =	simm.s32 @!p2 $0x0  }
0x16: {  	s3 =	sld [smem:$0x3FDB];
	s0 =	simm.s32 @p2 $0x1  }
0x17: {  	s4 =	simm.s32 $0x1BF5;
	[smem:$0x3FB5] =	sst s0  }
0x18: {  	s0 =	sld [smem:$0x3F98];
	_ =	swait.ge [sflag:s4], $0x0  }
0x19: {  	s7 =	sld [smem:$0x3F99]  }
0x1a: {  	s8 =	sadd.s32 $0xFFFFE003, lr  }
0x1b: {  	s9 =	sadd.s32 $0xFFFFFEF7, lr;
	s5 =	simm.s32 $0xFFFFFFFF;
	p2 =	slt.u32 s8, $0xFFFFF086  }
0x1c: {  	p1 =	slt.u32 s9, $0xF7A;
	s5 =	simm.s32 @!p2 $0x0  }
0x1d: {  	s5 =	simm.s32 @p1 $0x1;
	p0 =	seq.s32 s7, s2  }
0x1e: {  	s7 =	smul.u32 @!p0 $0xF7A, s2;
	p2 =	seq.s32 @!p0 s5, $0x0  }
0x1f: {  	s9 =	smul.u32 $0xF7A, s1;
	s8 =	simm.s32 @!p0 $0x1BF5;
	p2 =	por !p2, p0  }
0x20: {  	[sflag:s8] =	ssyncset.s32 @!p0 $0xFFFFF086;
	s6 =	sadd.s32 @!p0 s3, s7;
	s7 =	simm.s32 @!p0 $0x108  }
0x21: {  	s3 =	sadd.s32 s3, s9;
	s6 =	sadd.s32 @!p0 $0x88, s6;
	s7 =	simm.s32 @p2 $0x1082  }
0x22: {  	[simem:s7], [sflag:s8] =	dma.local @!p0 [hbm:s6], $0xF7A  }
0x23: {  	s9 =	sor.u32 $0xD0000000, s2;
	s6 =	simm.s32 $0x108;
	_ =	swait.ge @!p0 [sflag:s8], $0x0  }
0x24: {  	s3 =	sadd.s32 $0x88, s3;
	s6 =	simm.s32 @!p1 $0x1082;
	[sflag:s4] =	ssyncset.s32 $0xFFFFF086  }
0x25: {  	[simem:s6], [sflag:s4] =	dma.local [hbm:s3], $0xF7A  }
0x26: {  	[smem:$0x3F99] =	sst s1;
	(tag) =	ssettag s2;
	_ =	strace s9  }
0x27: {  	s1 =	sld [smem:$0x3FA9]  }
0x28: {  	s2 =	sld [smem:$0x3FAA]  }
0x29: {  	s4 =	sld [smem:$0x3FAC]  }
0x2a: {  	p0 =	seq.s32 s5, $0x0;
	s5 =	sld [smem:$0x3FAD]  }
0x2b: {  	s6 =	sld [smem:$0x3FAE]  }
0x2c: {  	s7 =	sld [smem:$0x3FAF]  }
0x2d: {  	s3 =	simm.s32 $0x108;
	s8 =	sld [smem:$0x3FB0]  }
0x2e: {  	s3 =	simm.s32 @!p0 $0x1082;
	s9 =	sld [smem:$0x3FB1]  }
0x2f: {  	lr =	sadd.s32 s0, s3;
	s0 =	sld [smem:$0x3FA8]  }
0x30: {  	s3 =	sld [smem:$0x3FAB]  }
0x31: {  	[smem:$0x3FB4] =	sst s10  }
0x32: {  	s10 =	sld [smem:$0x3FB2];
	_ =	sdelay $0x3  }
0x33: {  	p0 =	seq.s32 s10, $0x1;
	s10 =	sld [smem:$0x3FB4];
	_ =	sdelay $0x3  }
0x34: {  	[smem:$0x3FB4] =	sst s10  }
0x35: {  	s10 =	sld [smem:$0x3FB3];
	_ =	sdelay $0x3  }
0x36: {  	p1 =	seq.s32 s10, $0x1;
	s10 =	sld [smem:$0x3FB4];
	_ =	sdelay $0x3  }
0x37: {  	[smem:$0x3FB4] =	sst s10  }
0x38: {  	s10 =	sld [smem:$0x3FB5]  }
0x39: {  	_ = 	snop;
	(pc) =	sbr.ind lr, $3  }
0x3a: {  	_ = 	snop  }
0x3b: {  	_ = 	snop  }
0x3c: {  	p2 =	seq.s32 s10, $0x1;
	s10 =	sld [smem:$0x3FB4]  }
0x3d: {  	_ =	shalt  }
0x3e: {  	_ =	shalt  }
0x3f: {  	_ =	shalt  }
0x40: {  	_ =	shalt  }
0x41: {  	_ =	shalt  }
0x42: {  	_ =	shalt  }
0x43: {  	_ =	shalt  }
0x44: {  	_ =	shalt  }
0x45: {  	_ =	shalt  }
0x46: {  	_ =	shalt  }
0x47: {  	_ =	shalt  }
0x48: {  	_ =	shalt  }
0x49: {  	_ =	shalt  }
0x4a: {  	_ =	shalt  }
0x4b: {  	_ =	shalt  }
0x4c: {  	_ =	shalt  }
0x4d: {  	_ =	shalt  }
0x4e: {  	_ =	shalt  }
0x4f: {  	_ =	shalt  }
0x50: {  	_ =	shalt  }
0x51: {  	_ =	shalt  }
0x52: {  	_ =	shalt  }
0x53: {  	_ =	shalt  }
0x54: {  	_ =	shalt  }
0x55: {  	_ =	shalt  }
0x56: {  	_ =	shalt  }
0x57: {  	_ =	shalt  }
0x58: {  	_ =	shalt  }
0x59: {  	_ =	shalt  }
0x5a: {  	_ =	shalt  }
0x5b: {  	_ =	shalt  }
0x5c: {  	_ =	shalt  }
0x5d: {  	_ =	shalt  }
0x5e: {  	_ =	shalt  }
0x5f: {  	_ =	shalt  }
0x60: {  	_ =	shalt  }
0x61: {  	_ =	shalt  }
0x62: {  	_ =	shalt  }
0x63: {  	_ =	shalt  }
0x64: {  	_ =	shalt  }
0x65: {  	_ =	shalt  }
0x66: {  	_ =	shalt  }
0x67: {  	_ =	shalt  }
0x68: {  	_ =	shalt  }
0x69: {  	_ =	shalt  }
0x6a: {  	_ =	shalt  }
0x6b: {  	_ =	shalt  }
0x6c: {  	_ =	shalt  }
0x6d: {  	_ =	shalt  }
0x6e: {  	_ =	shalt  }
0x6f: {  	_ =	shalt  }
0x70: {  	_ =	shalt  }
0x71: {  	_ =	shalt  }
0x72: {  	_ =	shalt  }
0x73: {  	_ =	shalt  }
0x74: {  	_ =	shalt  }
0x75: {  	_ =	shalt  }
0x76: {  	_ =	shalt  }
0x77: {  	_ =	shalt  }
0x78: {  	_ =	shalt  }
0x79: {  	_ =	shalt  }
0x7a: {  	_ =	shalt  }
0x7b: {  	_ =	shalt  }
0x7c: {  	_ =	shalt  }
0x7d: {  	_ =	shalt  }
0x7e: {  	_ =	shalt  }
0x7f: {  	_ =	shalt  }
0x80: {  	_ =	shalt  }
0x81: {  	_ =	shalt  }
0x82: {  	_ =	shalt  }
0x83: {  	_ =	shalt  }
0x84: {  	_ =	shalt  }
0x85: {  	_ =	shalt  }
0x86: {  	_ =	shalt  }
0x87: {  	_ =	shalt  }
.Lfunc_end0:
.L_simem_size_0:
called_computation.1_lowered:
.L_overlay_start_0:
0x88: {  	s2 =	sld [smem:$0x3FD9]  }
0x89: {  	s3 =	sld [smem:$0x3FFE];
	_ =	sdelay $0x1  }
0x8a: {  	s1 =	srdreg.scid  }
0x8b: {  	s0 =	sand.u32 $0x1, s1  }
0x8c: {  	s16 =	sshll.u32 s0, $0xA;
	s2 =	sadd.s32 s3, s2  }
0x8d: {  	s2 =	sadd.s32 s2, s16  }
0x8e: {  	[smem:$0x3FC0] =	sst s2  }
0x8f: {  	_ = 	snop  }
0x90: {  	(tm) =	ssettm $0x1  }
0x91: {  	s17 =	sld [smem:$0x3FFB];
	_ =	sdelay $0x3  }
0x92: {  	_ =	strace s17  }
0x93: {  	s2 =	sld [smem:$0x3FFC];
	_ =	sdelay $0x3  }
0x94: {  	_ =	strace s2  }
0x95: {  	s2 =	sld [smem:$0x3FFD];
	_ =	sdelay $0x3  }
0x96: {  	_ =	strace s2  }
0x97: {  	_ =	strace $0x8FFFFFFF  }
0x98: {  	s18 =	sld [smem:$0x3FDB];
	_ =	sdelay $0x1  }
0x99: {  	s19 =	simm.s32 $_scs_section_size  }
0x9a: {  	s4 =	simm.s32 $_size__tile_overlayer_lowered;
	s5 =	simm.s32 $_tile_overlayer_lowered  }
0x9b: {  	s22 =	simm.s32 $0x1BFF;
	s21 =	sshll.u32 s5, $0x1;
	s2 =	sadd.s32 s19, s18  }
0x9c: {  	s6 =	simm.s32 $0x0;
	s20 =	sshll.u32 s4, $0x1;
	s4 =	sadd.s32 s21, s2  }
0x9d: {  	[timem:s6], [sflag:s22] =	dma.local [hbm:s4], s20  }
0x9e: {  	_ =	swait.ge [sflag:s22], s20  }
0x9f: {  	s3 =	ssub.s32 $0x0, s20;
	[sflag:s22] =	ssyncset.done $0x0  }
0xa0: {  	[sflag:s22] =	ssyncadd.s32 s3;
	_ =	sdelay $0x1  }
0xa1: {  	s23 =	simm.s32 $0x1B8B  }
0xa2: {  	_ =	swait.ge [sflag:s23], $0x1  }
0xa3: {  	[sflag:s23] =	ssyncset.done $0x0  }
0xa4: {  	s25 =	simm.s32 $0x1B8E;
	s24 =	sld [smem:$0x3FFE];
	[sflag:s23] =	ssyncadd.s32 $0xFFFFFFFF  }
0xa5: {  	s26 =	simm.s32 $execute0_lowered;
	[smem:$0x3FD2] =	sst s25  }
0xa6: {  	s4 =	sshll.u32 s26, $0x1;
	_ =	strace $0x80000049;
	[dreg:$0x1] =	wrdreg $0xFFFFFFFF  }
0xa7: {  	s28 =	simm.s32 $_size_execute0_lowered;
	s2 =	sadd.s32 s2, s4;
	[dreg:$0x0] =	wrdreg $0x0  }
0xa8: {  	s4 =	sshll.u32 s28, $0x1;
	[dreg:$0x2] =	wrdreg s2  }
0xa9: {  	[dreg:$0x3] =	wrdreg s4  }
0xaa: {  	[dreg:$0x4] =	wrdreg $0xC0  }
0xab: {  	_ =	task [dreg:s6], $0x5FFFF  }
0xac: {  	[dreg:$0x1] =	wrdreg $0xFFFFFFFF  }
0xad: {  	[dreg:$0x0] =	wrdreg $0x60  }
0xae: {  	[dreg:$0x2] =	wrdreg s24  }
0xaf: {  	[dreg:$0x3] =	wrdreg $0x67300  }
0xb0: {  	[dreg:$0x4] =	wrdreg $0x1EF300  }
0xb1: {  	[dreg:$0x5] =	wrdreg $0x9  }
0xb2: {  	_ =	task.clear_ibuf [dreg:s6], $0x6FFFF;
	_ =	strace $0x90000049  }
0xb3: {  	s29 =	simm.s32 $0x9;
	_ =	strace $0x8000004B  }
0xb4: {  	_ =	swait.ge [sflag:s29], $0x1  }
0xb5: {  	[sflag:s29] =	ssyncadd.s32 $0xFFFFFFFF  }
0xb6: {  	_ =	strace $0x9000004B  }
0xb7: {  	_ =	sfence  }
0xb8: {  	s30 =	sld [smem:$0x0];
	_ =	sdelay $0x2  }
0xb9: {  	s31 =	sshll.u32 s1, $0xD;
	s1 =	sshrl.u32 s1, $0x2  }
0xba: {  	s3 =	sand.u32 $0x4000, s31;
	s1 =	sadd.s32 s1, s30  }
0xbb: {  	s0 =	sor.u32 s3, s0;
	s1 =	sshll.u32 s1, $0x11  }
0xbc: {  	s0 =	sor.u32 s1, s0  }
0xbd: {  	s0 =	sadd.s32 $0x8F2B, s0  }
0xbe: {  	[sflag:s0] =	ssyncadd.remote.s32 $0x1  }
0xbf: {  	_ =	sfence.sel $0xFFFF  }
0xc0: {  	[dreg:$0x0] =	wrdreg $0xFFFFFFFF;
	(pc) =	sbr.abs _section_cstart, $3  }
0xc1: {  	[dreg:$0x1] =	wrdreg $0xFFFFFFFF  }
0xc2: {  	_ =	task.clear_ibuf [dreg:s6], $0x2FFFF;
	_ =	strace $0x9FFFFFFF  }
0xc3: {  	(tm) =	ssettm $0x7FFFFFFF  }
tec
execute0_lowered:
.L_overlay_start_1:
0x0: {  	(tag) =	ssettag $0x1  }
0x1: {  	s0 =	rddreg [dreg:$0x0]  }
0x2: {  	s29 =	rddreg [dreg:$0x1]  }
0x3: {  	s2 =	rddreg [dreg:$0x2];
	s11 =	stileid.u32  }
0x4: {  	s3 =	srdreg.scid;
	s5 =	simm.s32 $0x0;
	s6 =	smul.u32 $0x18800, s11  }
0x5: {  	s3 =	sand.u32 $0x1, s3;
	[smem:$0x7FF] =	sst s5;
	s7 =	smul.u32 $0xC40, s11  }
0x6: {  	s9 =	sadd.s32 $0x1F400, s0;
	s15 =	sadd.s32 $0x3A00, s0;
	s10 =	smul.u32 $0x3100, s11  }
0x7: {  	s4 =	smul.u32 $0x188000, s3;
	_ =	strace $0x8000004A;
	[dreg:$0x4] =	wrdreg s9  }
0x8: {  	s5 =	sadd.s32 $0x37C00, s0;
	s8 =	smul.u32 $0xC400, s3;
	[dreg:$0x5] =	wrdreg s15  }
0x9: {  	s16 =	ssub.s32 $0x2, s3;
	s3 =	sshll.u32 s3, $0x4;
	s18 =	sshrl.u32 s10, $0x2  }
0xa: {  	s3 =	sor.u32 s11, s3;
	s8 =	sadd.s32 s7, s8;
	s9 =	sadd.s32 s18, s2  }
0xb: {  	s3 =	smul.u32 $0x6200, s3;
	s7 =	sadd.s32 s7, s2;
	[dreg:$0x6] =	wrdreg s9  }
0xc: {  	s17 =	sshrl.u32 s16, $0x1;
	s4 =	sadd.s32 s6, s4;
	[dreg:$0x8] =	wrdreg s7  }
0xd: {  	s6 =	sadd.s32 $0x1C200, s0;
	s20 =	sadd.s32 $0x310, s9;
	[dreg:$0x7] =	wrdreg s3  }
0xe: {  	s4 =	sshrl.u32 s4, $0x3;
	s21 =	sadd.s32 $0x620, s9;
	[dreg:$0xa] =	wrdreg s20  }
0xf: {  	s8 =	sshrl.u32 s8, $0x3;
	s22 =	sadd.s32 $0x930, s9;
	[dreg:$0xb] =	wrdreg s21  }
0x10: {  	s25 =	sadd.s32 $0x310, s7;
	s28 =	sadd.s32 $0x620, s7;
	[dreg:$0xc] =	wrdreg s22  }
0x11: {  	s7 =	sadd.s32 $0x930, s7;
	s4 =	sadd.s32 s4, s0;
	[dreg:$0xe] =	wrdreg s25  }
0x12: {  	s0 =	sadd.s32 s8, s0;
	s8 =	ssub.s32 s16, s17;
	[dreg:$0x10] =	wrdreg s28  }
0x13: {  	[dreg:$0x12] =	wrdreg s7;
	s19 =	smax.u32 s8, $0x1  }
0x14: {  	s14 =	simm.s32 $0x5E00;
	s23 =	sadd.s32 $0x99C00, s0;
	[dreg:$0x9] =	wrdreg s19  }
0x15: {  	s24 =	smul.u32 $0x62000, s11;
	s26 =	sadd.s32 $0x99C62, s0;
	[dreg:$0xd] =	wrdreg s23  }
0x16: {  	s30 =	simm.s32 $0x80;
	s31 =	sadd.s32 $0x99CC4, s0;
	[dreg:$0xf] =	wrdreg s26  }
0x17: {  	s3 =	sshrl.u32 s24, $0x2;
	s0 =	sadd.s32 $0x99D26, s0;
	[dreg:$0x11] =	wrdreg s31  }
0x18: {  	s15 =	simm.s32 $0x11;
	s12 =	sadd.s32 s3, s29;
	[dreg:$0x13] =	wrdreg s0  }
0x19: {  	s9 =	simm.s32 $0x6420;
	s13 =	sadd.s32 $0x9CE00, s4;
	[dreg:$0x14] =	wrdreg s12  }
0x1a: {  	v0 =	vimm.f32 $0.0e+00;
	s17 =	simm.s32 $0x0;
	s3 =	simm.s32 $0x1C00;
	[dreg:$0x15] =	wrdreg s13  }
.LBB2_1:
0x1b: {  	s25 =	simm.s32 $0x80;
	s26 =	simm.s32 $0x0  }
.LBB2_2:
0x1c: {  	p0 =	sne.s32 s25, $0x1800;
	[tilespmem:s26+$0x5E00] =	vst v0;
	s31 =	smov.u32 s25;
	s25 =	sadd.s32 $0x80, s25  }
.Ltmp0:
0x1d: {  	[tilespmem:s26+$0x5E10] =	vst v0;
	(pc) =	sbr.rel @p0 .LBB2_2-.Ltmp0, $2  }
0x1e: {  	_ =	sdelay $0x2  }
0x1f: {  	s26 =	sshra.s32 s31, $0x2  }
0x20: {  	[tilespmem:s26+$0x5E00] =	vst v0  }
0x21: {  	[tilespmem:s26+$0x5E10] =	vst v0  }
0x22: {  	[tilespmem:$0x6420] =	vst v0  }
0x23: {  	[tilespmem:$0x6430] =	vst v0  }
0x24: {  	[tilespmem:$0x6440] =	vst v0  }
0x25: {  	[tilespmem:$0x6450] =	vst v0  }
0x26: {  	[tilespmem:$0x6460] =	vst v0  }
0x27: {  	[tilespmem:$0x6470] =	vst v0  }
0x28: {  	[tilespmem:$0x6480] =	vst v0  }
0x29: {  	[tilespmem:$0x6490] =	vst v0  }
0x2a: {  	[tilespmem:$0x64A0] =	vst v0  }
0x2b: {  	[tilespmem:$0x64B0] =	vst v0  }
0x2c: {  	[tilespmem:$0x64C0] =	vst v0  }
0x2d: {  	[tilespmem:$0x64D0] =	vst v0  }
0x2e: {  	[tilespmem:$0x64E0] =	vst v0  }
0x2f: {  	[tilespmem:$0x64F0] =	vst v0  }
0x30: {  	[tilespmem:$0x6500] =	vst v0  }
0x31: {  	[tilespmem:$0x6510] =	vst v0  }
0x32: {  	[tilespmem:$0x6520] =	vst v0  }
0x33: {  	[tilespmem:$0x6530] =	vst v0  }
0x34: {  	[tilespmem:$0x6540] =	vst v0  }
0x35: {  	[tilespmem:$0x6550] =	vst v0  }
0x36: {  	[tilespmem:$0x6560] =	vst v0  }
0x37: {  	[tilespmem:$0x6570] =	vst v0  }
0x38: {  	[tilespmem:$0x6580] =	vst v0  }
0x39: {  	[tilespmem:$0x6590] =	vst v0  }
0x3a: {  	[tilespmem:$0x65A0] =	vst v0  }
0x3b: {  	[tilespmem:$0x65B0] =	vst v0  }
0x3c: {  	[tilespmem:$0x65C0] =	vst v0  }
0x3d: {  	[tilespmem:$0x65D0] =	vst v0  }
0x3e: {  	[tilespmem:$0x65E0] =	vst v0  }
0x3f: {  	[tilespmem:$0x65F0] =	vst v0  }
0x40: {  	[tilespmem:$0x6600] =	vst v0  }
0x41: {  	[tilespmem:$0x6610] =	vst v0  }
0x42: {  	[tilespmem:$0x6620] =	vst v0  }
0x43: {  	[tilespmem:$0x6630] =	vst v0  }
0x44: {  	[tilespmem:$0x6640] =	vst v0  }
0x45: {  	[tilespmem:$0x6650] =	vst v0  }
0x46: {  	[tilespmem:$0x6660] =	vst v0  }
0x47: {  	[tilespmem:$0x6670] =	vst v0  }
0x48: {  	[tilespmem:$0x6680] =	vst v0  }
0x49: {  	[tilespmem:$0x6690] =	vst v0  }
0x4a: {  	[tilespmem:$0x66A0] =	vst v0  }
0x4b: {  	[tilespmem:$0x66B0] =	vst v0  }
0x4c: {  	[tilespmem:$0x66C0] =	vst v0  }
0x4d: {  	[tilespmem:$0x66D0] =	vst v0  }
0x4e: {  	[tilespmem:$0x66E0] =	vst v0  }
0x4f: {  	[tilespmem:$0x66F0] =	vst v0  }
0x50: {  	[tilespmem:$0x6700] =	vst v0  }
0x51: {  	[tilespmem:$0x6710] =	vst v0  }
0x52: {  	s25 =	sadd.s32 $0x0, s12;
	[tilespmem:$0x6720] =	vst v0  }
0x53: {  	[spmem:s25] =	stream.linear.scatter [tilespmem:s14], [sflag:$0x11], $0x620, $0x38;
	[tilespmem:$0x1FB70] =	vst v63  }
0x54: {  	s25 =	simm.s32 $0x1880;
	_ =	swait.ge [sflag:s15], $0x620  }
.LBB2_4:
0x55: {  	s26 =	sshra.s32 s25, $0x2;
	[sflag:s15] =	ssyncset.done $0x0;
	p0 =	seq.s32 s25, $0x60780  }
.Ltmp1:
0x56: {  	s26 =	sadd.s32 s26, s12;
	[sflag:s15] =	ssyncadd.s32 $0xFFFFF9E0;
	(pc) =	sbr.rel @!p0 .LBB2_4-.Ltmp1, $3  }
0x57: {  	[spmem:s26] =	stream.linear.scatter [tilespmem:s14], [sflag:$0x11], $0x620, $0x38;
	[tilespmem:$0x1FB70] =	vst v63  }
0x58: {  	s25 =	sadd.s32 $0x1880, s25;
	_ =	sdelay $0x1  }
0x59: {  	_ =	swait.ge [sflag:s15], $0x620  }
0x5a: {  	[dreg:$0x16] =	wrdreg s17;
	[sflag:s15] =	ssyncset.done $0x0  }
0x5b: {  	s0 =	rddreg [dreg:$0x6];
	[sflag:s15] =	ssyncadd.s32 $0xFFFFF9E0  }
0x5c: {  	[spmem:s0] =	stream.linear.scatter [tilespmem:s9], [sflag:$0x11], $0x310, $0x38;
	[tilespmem:$0x1FB70] =	vst v63  }
0x5d: {  	_ =	swait.ge [sflag:s15], $0x310  }
0x5e: {  	[sflag:s15] =	ssyncset.done $0x0  }
0x5f: {  	s26 =	rddreg [dreg:$0xa];
	[sflag:s15] =	ssyncadd.s32 $0xFFFFFCF0  }
0x60: {  	[spmem:s26] =	stream.linear.scatter [tilespmem:s9], [sflag:$0x11], $0x310, $0x38;
	[tilespmem:$0x1FB70] =	vst v63  }
0x61: {  	_ =	swait.ge [sflag:s15], $0x310  }
0x62: {  	[sflag:s15] =	ssyncset.done $0x0  }
0x63: {  	s28 =	rddreg [dreg:$0xb];
	[sflag:s15] =	ssyncadd.s32 $0xFFFFFCF0  }
0x64: {  	[spmem:s28] =	stream.linear.scatter [tilespmem:s9], [sflag:$0x11], $0x310, $0x38;
	[tilespmem:$0x1FB70] =	vst v63  }
0x65: {  	_ =	swait.ge [sflag:s15], $0x310  }
0x66: {  	[sflag:s15] =	ssyncset.done $0x0  }
0x67: {  	s31 =	rddreg [dreg:$0xc];
	[sflag:s15] =	ssyncadd.s32 $0xFFFFFCF0  }
0x68: {  	[spmem:s31] =	stream.linear.scatter [tilespmem:s9], [sflag:$0x11], $0x310, $0x38;
	[tilespmem:$0x1FB70] =	vst v63  }
0x69: {  	s13 =	simm.s32 $0x2C00;
	s19 =	simm.s32 $0x3C00;
	_ =	swait.ge [sflag:s15], $0x310  }
0x6a: {  	s21 =	simm.s32 $0x4C00;
	s12 =	simm.s32 $0xF;
	[sflag:s15] =	ssyncset.done $0x0  }
0x6b: {  	s14 =	simm.s32 $0x8;
	s17 =	simm.s32 $0x10;
	[sflag:s15] =	ssyncadd.s32 $0xFFFFFCF0  }
0x6c: {  	s0 =	simm.s32 $0x0;
	s9 =	simm.s32 $0x5D80;
	[bflag:$0x0] =	sbarrier.arrive $0xFFFF  }
.LBB2_6:
0x6d: {  	s25 =	smul.u32 $0xE00, s0  }
0x6e: {  	s7 =	rddreg [dreg:$0x7]  }
0x6f: {  	s25 =	sadd.s32 s7, s25  }
0x70: {  	s8 =	rddreg [dreg:$0x4];
	s25 =	sshrl.u32 s25, $0x3  }
0x71: {  	[dreg:$0x17] =	wrdreg s0;
	s31 =	simm.s32 $0x0;
	s26 =	sadd.s32 s8, s25  }
0x72: {  	[tilespmem:s31], [sflag:$0x11] =	stream.linear.gather [hbm4b:s26+s31], $0xE00, $0x38;
	[tilespmem:$0x1FB70] =	vst v63  }
0x73: {  	_ =	swait.ge [sflag:s15], $0xE00  }
0x74: {  	[sflag:s15] =	ssyncset.done $0x0;
	s10 =	rddreg [dreg:$0x5]  }
0x75: {  	s11 =	simm.s32 $0xE00;
	[sflag:s15] =	ssyncadd.s32 $0xFFFFF200;
	s25 =	sadd.s32 s10, s25  }
0x76: {  	[tilespmem:s11], [sflag:$0x11] =	stream.linear.gather [hbm4b:s25+s31], $0xE00, $0x38;
	[tilespmem:$0x1FB70] =	vst v63  }
0x77: {  	_ =	swait.ge [sflag:s15], $0xE00  }
0x78: {  	[sflag:s15] =	ssyncset.done $0x0  }
0x79: {  	s31 =	simm.s32 $0x0;
	[sflag:s15] =	ssyncadd.s32 $0xFFFFF200  }
0x7a: {  	[tilespmem:s3], [sflag:$0x1] =	stream.indirect.gather [hbm4b:s5+s30], $0x20, s31, s30, $0xb8;
	[tilespmem:$0x1FB70] =	vst v63  }
0x7b: {  	s22 =	simm.s32 $0x5C00;
	s26 =	simm.s32 $0xE00  }
0x7c: {  	[tilespmem:s22], [sflag:$0x9] =	stream.indirect.gather [hbm4b:s6+s30], $0x1, s26, s30, $0xb8;
	[tilespmem:$0x1FB70] =	vst v63  }
0x7d: {  	s20 =	simm.s32 $0x80  }
0x7e: {  	[tilespmem:s13], [sflag:$0x2] =	stream.indirect.gather [hbm4b:s5+s30], $0x20, s20, s30, $0xb8;
	[tilespmem:$0x1FB70] =	vst v63  }
0x7f: {  	s25 =	simm.s32 $0xE80;
	s15 =	simm.s32 $0x5C80  }
0x80: {  	[tilespmem:s15], [sflag:$0xA] =	stream.indirect.gather [hbm4b:s6+s30], $0x1, s25, s30, $0xb8;
	[tilespmem:$0x1FB70] =	vst v63  }
0x81: {  	s20 =	simm.s32 $0x100  }
0x82: {  	[tilespmem:s19], [sflag:$0x3] =	stream.indirect.gather [hbm4b:s5+s30], $0x20, s20, s30, $0xb8;
	[tilespmem:$0x1FB70] =	vst v63  }
0x83: {  	s18 =	simm.s32 $0x5D00;
	s20 =	simm.s32 $0xF00  }
0x84: {  	[tilespmem:s18], [sflag:$0xB] =	stream.indirect.gather [hbm4b:s6+s30], $0x1, s20, s30, $0xb8;
	[tilespmem:$0x1FB70] =	vst v63  }
0x85: {  	s18 =	simm.s32 $0x180  }
0x86: {  	[tilespmem:s21], [sflag:$0x4] =	stream.indirect.gather [hbm4b:s5+s30], $0x20, s18, s30, $0xb8;
	[tilespmem:$0x1FB70] =	vst v63  }
0x87: {  	s0 =	simm.s32 $0x1;
	s18 =	simm.s32 $0xF80  }
0x88: {  	[tilespmem:s9], [sflag:$0xC] =	stream.indirect.gather [hbm4b:s6+s30], $0x1, s18, s30, $0xb8;
	[tilespmem:$0x1FB70] =	vst v63  }
0x89: {  	_ =	swait.ge [sflag:s0], $0x1000  }
0x8a: {  	[sflag:s0] =	ssyncset.done $0x0  }
0x8b: {  	s11 =	simm.s32 $0x9;
	[sflag:s0] =	ssyncadd.s32 $0xFFFFF000  }
0x8c: {  	[spmem:s29] =	stream.indirect.scatter.add.f32 [tilespmem:s3], [sflag:$0x5], $0x20, s26, s30, $0xb8;
	[tilespmem:$0x1FB70] =	vst v63  }
0x8d: {  	_ =	swait.ge [sflag:s11], $0x80  }
0x8e: {  	[sflag:s11] =	ssyncset.done $0x0  }
0x8f: {  	s16 =	simm.s32 $0x2;
	[sflag:s11] =	ssyncadd.s32 $0xFFFFFF80  }
0x90: {  	[spmem:s2] =	stream.indirect.scatter.add.f32 [tilespmem:s22], [sflag:$0xD], $0x1, s31, s30, $0xb8;
	[tilespmem:$0x1FB70] =	vst v63  }
0x91: {  	_ =	swait.ge [sflag:s16], $0x1000  }
0x92: {  	[sflag:s16] =	ssyncset.done $0x0  }
0x93: {  	s28 =	simm.s32 $0xA;
	[sflag:s16] =	ssyncadd.s32 $0xFFFFF000  }
0x94: {  	[spmem:s29] =	stream.indirect.scatter.add.f32 [tilespmem:s13], [sflag:$0x6], $0x20, s25, s30, $0xb8;
	[tilespmem:$0x1FB70] =	vst v63  }
0x95: {  	_ =	swait.ge [sflag:s28], $0x80  }
0x96: {  	[sflag:s28] =	ssyncset.done $0x0  }
0x97: {  	s7 =	simm.s32 $0x3;
	s16 =	simm.s32 $0x80;
	[sflag:s28] =	ssyncadd.s32 $0xFFFFFF80  }
0x98: {  	[spmem:s2] =	stream.indirect.scatter.add.f32 [tilespmem:s15], [sflag:$0xE], $0x1, s16, s30, $0xb8;
	[tilespmem:$0x1FB70] =	vst v63  }
0x99: {  	_ =	swait.ge [sflag:s7], $0x1000  }
0x9a: {  	[sflag:s7] =	ssyncset.done $0x0  }
0x9b: {  	s8 =	simm.s32 $0xB;
	s20 =	simm.s32 $0xF00;
	[sflag:s7] =	ssyncadd.s32 $0xFFFFF000  }
0x9c: {  	[spmem:s29] =	stream.indirect.scatter.add.f32 [tilespmem:s19], [sflag:$0x7], $0x20, s20, s30, $0xb8;
	[tilespmem:$0x1FB70] =	vst v63  }
0x9d: {  	_ =	swait.ge [sflag:s8], $0x80  }
0x9e: {  	s10 =	simm.s32 $0x4;
	[sflag:s8] =	ssyncset.done $0x0  }
0x9f: {  	s19 =	simm.s32 $0x5D00;
	s20 =	simm.s32 $0x100;
	[sflag:s8] =	ssyncadd.s32 $0xFFFFFF80  }
0xa0: {  	[spmem:s2] =	stream.indirect.scatter.add.f32 [tilespmem:s19], [sflag:$0xF], $0x1, s20, s30, $0xb8;
	[tilespmem:$0x1FB70] =	vst v63  }
0xa1: {  	_ =	swait.ge [sflag:s10], $0x1000  }
0xa2: {  	[sflag:s10] =	ssyncset.done $0x0  }
0xa3: {  	s4 =	simm.s32 $0xC;
	s18 =	simm.s32 $0xF80;
	[sflag:s10] =	ssyncadd.s32 $0xFFFFF000  }
0xa4: {  	[spmem:s29] =	stream.indirect.scatter.add.f32 [tilespmem:s21], [sflag:$0x8], $0x20, s18, s30, $0xb8;
	[tilespmem:$0x1FB70] =	vst v63  }
0xa5: {  	_ =	swait.ge [sflag:s4], $0x80  }
0xa6: {  	[sflag:s4] =	ssyncset.done $0x0  }
0xa7: {  	s24 =	simm.s32 $0x5;
	s22 =	simm.s32 $0x180;
	[sflag:s4] =	ssyncadd.s32 $0xFFFFFF80  }
0xa8: {  	[spmem:s2] =	stream.indirect.scatter.add.f32 [tilespmem:s9], [sflag:$0x10], $0x1, s22, s30, $0xb8;
	[tilespmem:$0x1FB70] =	vst v63  }
0xa9: {  	_ =	swait.ge [sflag:s24], $0x1000  }
0xaa: {  	[sflag:s24] =	ssyncset.done $0x0  }
0xab: {  	s23 =	simm.s32 $0xD;
	[sflag:s24] =	ssyncadd.s32 $0xFFFFF000  }
0xac: {  	_ =	swait.ge [sflag:s23], $0x80  }
0xad: {  	[sflag:s23] =	ssyncset.done $0x0  }
0xae: {  	s1 =	simm.s32 $0x6;
	[sflag:s23] =	ssyncadd.s32 $0xFFFFFF80  }
0xaf: {  	_ =	swait.ge [sflag:s1], $0x1000  }
0xb0: {  	[sflag:s1] =	ssyncset.done $0x0  }
0xb1: {  	s25 =	simm.s32 $0xE;
	[sflag:s1] =	ssyncadd.s32 $0xFFFFF000  }
0xb2: {  	_ =	swait.ge [sflag:s25], $0x80  }
0xb3: {  	[sflag:s25] =	ssyncset.done $0x0  }
0xb4: {  	s26 =	simm.s32 $0x7;
	[sflag:s25] =	ssyncadd.s32 $0xFFFFFF80  }
0xb5: {  	_ =	swait.ge [sflag:s26], $0x1000  }
0xb6: {  	[sflag:s26] =	ssyncset.done $0x0  }
0xb7: {  	[sflag:s26] =	ssyncadd.s32 $0xFFFFF000  }
0xb8: {  	_ =	swait.ge [sflag:s12], $0x80  }
0xb9: {  	s31 =	simm.s32 $0x1000;
	[sflag:s12] =	ssyncset.done $0x0  }
0xba: {  	s28 =	simm.s32 $0x1;
	s15 =	simm.s32 $0x3C00;
	[sflag:s12] =	ssyncadd.s32 $0xFFFFFF80  }
0xbb: {  	s16 =	simm.s32 $0x4C00;
	s7 =	simm.s32 $0x2;
	_ =	swait.ge [sflag:s14], $0x1000  }
0xbc: {  	s8 =	simm.s32 $0xA;
	s10 =	simm.s32 $0x3;
	[sflag:s14] =	ssyncset.done $0x0  }
0xbd: {  	s4 =	simm.s32 $0xB;
	s22 =	simm.s32 $0x9;
	[sflag:s14] =	ssyncadd.s32 $0xFFFFF000  }
0xbe: {  	s24 =	simm.s32 $0x4;
	s23 =	simm.s32 $0xC;
	_ =	swait.ge [sflag:s17], $0x80  }
0xbf: {  	s25 =	simm.s32 $0x800;
	s12 =	simm.s32 $0x10;
	[sflag:s17] =	ssyncset.done $0x0  }
.LBB2_7:
0xc0: {  	s0 =	sshra.s32 s25, $0x2;
	[sflag:s12] =	ssyncadd.s32 $0xFFFFFF80  }
0xc1: {  	s25 =	smov.u32 s31;
	s26 =	sadd.s32 $0x800, s31;
	p0 =	sne.s32 s31, $0x3000  }
0xc2: {  	[tilespmem:s3], [sflag:$0x1] =	stream.indirect.gather [hbm4b:s5+s30], $0x20, s0, s30, $0xb8;
	[tilespmem:$0x1FB70] =	vst v63  }
0xc3: {  	s17 =	simm.s32 $0x1C00;
	s20 =	simm.s32 $0x5C00;
	s3 =	sadd.s32 $0xE00, s0  }
0xc4: {  	[tilespmem:s20], [sflag:$0x9] =	stream.indirect.gather [hbm4b:s6+s30], $0x1, s3, s30, $0xb8;
	[tilespmem:$0x1FB70] =	vst v63  }
0xc5: {  	s12 =	sadd.s32 $0x80, s0  }
0xc6: {  	[tilespmem:s13], [sflag:$0x2] =	stream.indirect.gather [hbm4b:s5+s30], $0x20, s12, s30, $0xb8;
	[tilespmem:$0x1FB70] =	vst v63  }
0xc7: {  	s19 =	simm.s32 $0x2C00;
	s11 =	simm.s32 $0x5C80;
	s13 =	sadd.s32 $0xE80, s0  }
0xc8: {  	[tilespmem:s11], [sflag:$0xA] =	stream.indirect.gather [hbm4b:s6+s30], $0x1, s13, s30, $0xb8;
	[tilespmem:$0x1FB70] =	vst v63  }
0xc9: {  	s14 =	sadd.s32 $0x100, s0  }
0xca: {  	[tilespmem:s15], [sflag:$0x3] =	stream.indirect.gather [hbm4b:s5+s30], $0x20, s14, s30, $0xb8;
	[tilespmem:$0x1FB70] =	vst v63  }
0xcb: {  	s21 =	simm.s32 $0x3C00;
	s18 =	simm.s32 $0x5D00;
	s15 =	sadd.s32 $0xF00, s0  }
0xcc: {  	[tilespmem:s18], [sflag:$0xB] =	stream.indirect.gather [hbm4b:s6+s30], $0x1, s15, s30, $0xb8;
	[tilespmem:$0x1FB70] =	vst v63  }
0xcd: {  	s31 =	sadd.s32 $0x180, s0  }
0xce: {  	[tilespmem:s16], [sflag:$0x4] =	stream.indirect.gather [hbm4b:s5+s30], $0x20, s31, s30, $0xb8;
	[tilespmem:$0x1FB70] =	vst v63  }
0xcf: {  	s9 =	simm.s32 $0x4C00;
	s1 =	simm.s32 $0x5D80;
	s16 =	sadd.s32 $0xF80, s0  }
0xd0: {  	[tilespmem:s1], [sflag:$0xC] =	stream.indirect.gather [hbm4b:s6+s30], $0x1, s16, s30, $0xb8;
	[tilespmem:$0x1FB70] =	vst v63  }
0xd1: {  	_ =	swait.ge [sflag:s28], $0x1000  }
0xd2: {  	[sflag:s28] =	ssyncset.done $0x0  }
0xd3: {  	[sflag:s28] =	ssyncadd.s32 $0xFFFFF000  }
0xd4: {  	[spmem:s29] =	stream.indirect.scatter.add.f32 [tilespmem:s17], [sflag:$0x5], $0x20, s3, s30, $0xb8;
	[tilespmem:$0x1FB70] =	vst v63  }
0xd5: {  	s3 =	simm.s32 $0x1C00  }
0xd6: {  	_ =	swait.ge [sflag:s22], $0x80  }
0xd7: {  	[sflag:s22] =	ssyncset.done $0x0  }
0xd8: {  	[sflag:s22] =	ssyncadd.s32 $0xFFFFFF80  }
0xd9: {  	[spmem:s2] =	stream.indirect.scatter.add.f32 [tilespmem:s20], [sflag:$0xD], $0x1, s0, s30, $0xb8;
	[tilespmem:$0x1FB70] =	vst v63  }
0xda: {  	_ =	swait.ge [sflag:s7], $0x1000  }
0xdb: {  	[sflag:s7] =	ssyncset.done $0x0  }
0xdc: {  	[sflag:s7] =	ssyncadd.s32 $0xFFFFF000  }
0xdd: {  	[spmem:s29] =	stream.indirect.scatter.add.f32 [tilespmem:s19], [sflag:$0x6], $0x20, s13, s30, $0xb8;
	[tilespmem:$0x1FB70] =	vst v63  }
0xde: {  	s13 =	simm.s32 $0x2C00  }
0xdf: {  	_ =	swait.ge [sflag:s8], $0x80  }
0xe0: {  	[sflag:s8] =	ssyncset.done $0x0  }
0xe1: {  	[sflag:s8] =	ssyncadd.s32 $0xFFFFFF80  }
0xe2: {  	[spmem:s2] =	stream.indirect.scatter.add.f32 [tilespmem:s11], [sflag:$0xE], $0x1, s12, s30, $0xb8;
	[tilespmem:$0x1FB70] =	vst v63  }
0xe3: {  	s12 =	simm.s32 $0x10  }
0xe4: {  	_ =	swait.ge [sflag:s10], $0x1000  }
0xe5: {  	[sflag:s10] =	ssyncset.done $0x0  }
0xe6: {  	[sflag:s10] =	ssyncadd.s32 $0xFFFFF000  }
0xe7: {  	[spmem:s29] =	stream.indirect.scatter.add.f32 [tilespmem:s21], [sflag:$0x7], $0x20, s15, s30, $0xb8;
	[tilespmem:$0x1FB70] =	vst v63  }
0xe8: {  	s15 =	simm.s32 $0x3C00  }
0xe9: {  	_ =	swait.ge [sflag:s4], $0x80  }
0xea: {  	[sflag:s4] =	ssyncset.done $0x0  }
0xeb: {  	[sflag:s4] =	ssyncadd.s32 $0xFFFFFF80  }
0xec: {  	[spmem:s2] =	stream.indirect.scatter.add.f32 [tilespmem:s18], [sflag:$0xF], $0x1, s14, s30, $0xb8;
	[tilespmem:$0x1FB70] =	vst v63  }
0xed: {  	_ =	swait.ge [sflag:s24], $0x1000  }
0xee: {  	[sflag:s24] =	ssyncset.done $0x0  }
0xef: {  	[sflag:s24] =	ssyncadd.s32 $0xFFFFF000  }
0xf0: {  	[spmem:s29] =	stream.indirect.scatter.add.f32 [tilespmem:s9], [sflag:$0x8], $0x20, s16, s30, $0xb8;
	[tilespmem:$0x1FB70] =	vst v63  }
0xf1: {  	s16 =	simm.s32 $0x4C00  }
0xf2: {  	_ =	swait.ge [sflag:s23], $0x80  }
0xf3: {  	[sflag:s23] =	ssyncset.done $0x0  }
0xf4: {  	s0 =	simm.s32 $0x5;
	[sflag:s23] =	ssyncadd.s32 $0xFFFFFF80  }
0xf5: {  	[spmem:s2] =	stream.indirect.scatter.add.f32 [tilespmem:s1], [sflag:$0x10], $0x1, s31, s30, $0xb8;
	[tilespmem:$0x1FB70] =	vst v63  }
0xf6: {  	_ =	swait.ge [sflag:s0], $0x1000  }
0xf7: {  	[sflag:s0] =	ssyncset.done $0x0  }
0xf8: {  	[sflag:s0] =	ssyncadd.s32 $0xFFFFF000;
	s0 =	simm.s32 $0xD  }
0xf9: {  	_ =	swait.ge [sflag:s0], $0x80  }
0xfa: {  	[sflag:s0] =	ssyncset.done $0x0  }
0xfb: {  	[sflag:s0] =	ssyncadd.s32 $0xFFFFFF80;
	s0 =	simm.s32 $0x6  }
0xfc: {  	_ =	swait.ge [sflag:s0], $0x1000  }
0xfd: {  	[sflag:s0] =	ssyncset.done $0x0  }
0xfe: {  	[sflag:s0] =	ssyncadd.s32 $0xFFFFF000;
	s0 =	simm.s32 $0xE  }
0xff: {  	_ =	swait.ge [sflag:s0], $0x80  }
0x100: {  	[sflag:s0] =	ssyncset.done $0x0  }
0x101: {  	[sflag:s0] =	ssyncadd.s32 $0xFFFFFF80;
	s0 =	simm.s32 $0x7  }
0x102: {  	_ =	swait.ge [sflag:s0], $0x1000  }
0x103: {  	[sflag:s0] =	ssyncset.done $0x0  }
0x104: {  	[sflag:s0] =	ssyncadd.s32 $0xFFFFF000;
	s0 =	simm.s32 $0xF  }
0x105: {  	_ =	swait.ge [sflag:s0], $0x80  }
0x106: {  	[sflag:s0] =	ssyncset.done $0x0  }
0x107: {  	[sflag:s0] =	ssyncadd.s32 $0xFFFFFF80;
	s0 =	simm.s32 $0x8  }
.Ltmp2:
0x108: {  	_ =	swait.ge [sflag:s0], $0x1000;
	(pc) =	sbr.rel @p0 .LBB2_7-.Ltmp2, $4  }
0x109: {  	[sflag:s0] =	ssyncset.done $0x0  }
0x10a: {  	[sflag:s0] =	ssyncadd.s32 $0xFFFFF000  }
0x10b: {  	_ =	swait.ge [sflag:s12], $0x80  }
0x10c: {  	s31 =	smov.u32 s26;
	[sflag:s12] =	ssyncset.done $0x0  }
0x10d: {  	s0 =	sshra.s32 s25, $0x2;
	[sflag:s12] =	ssyncadd.s32 $0xFFFFFF80  }
0x10e: {  	[tilespmem:s3], [sflag:$0x1] =	stream.indirect.gather [hbm4b:s5+s30], $0x20, s0, s30, $0xb8;
	[tilespmem:$0x1FB70] =	vst v63  }
0x10f: {  	s20 =	simm.s32 $0x5C00;
	s3 =	sadd.s32 $0xE00, s0  }
0x110: {  	[tilespmem:s20], [sflag:$0x9] =	stream.indirect.gather [hbm4b:s6+s30], $0x1, s3, s30, $0xb8;
	[tilespmem:$0x1FB70] =	vst v63  }
0x111: {  	s12 =	sadd.s32 $0x80, s0  }
0x112: {  	[tilespmem:s13], [sflag:$0x2] =	stream.indirect.gather [hbm4b:s5+s30], $0x20, s12, s30, $0xb8;
	[tilespmem:$0x1FB70] =	vst v63  }
0x113: {  	s11 =	simm.s32 $0x5C80;
	s13 =	sadd.s32 $0xE80, s0  }
0x114: {  	[tilespmem:s11], [sflag:$0xA] =	stream.indirect.gather [hbm4b:s6+s30], $0x1, s13, s30, $0xb8;
	[tilespmem:$0x1FB70] =	vst v63  }
0x115: {  	s14 =	sadd.s32 $0x100, s0  }
0x116: {  	[tilespmem:s15], [sflag:$0x3] =	stream.indirect.gather [hbm4b:s5+s30], $0x20, s14, s30, $0xb8;
	[tilespmem:$0x1FB70] =	vst v63  }
0x117: {  	s18 =	simm.s32 $0x5D00;
	s31 =	sadd.s32 $0xF00, s0  }
0x118: {  	[tilespmem:s18], [sflag:$0xB] =	stream.indirect.gather [hbm4b:s6+s30], $0x1, s31, s30, $0xb8;
	[tilespmem:$0x1FB70] =	vst v63  }
0x119: {  	s21 =	simm.s32 $0x4C00;
	s16 =	sadd.s32 $0x180, s0  }
0x11a: {  	[tilespmem:s21], [sflag:$0x4] =	stream.indirect.gather [hbm4b:s5+s30], $0x20, s16, s30, $0xb8;
	[tilespmem:$0x1FB70] =	vst v63  }
0x11b: {  	s1 =	simm.s32 $0x5D80;
	s25 =	sadd.s32 $0xF80, s0  }
0x11c: {  	[tilespmem:s1], [sflag:$0xC] =	stream.indirect.gather [hbm4b:s6+s30], $0x1, s25, s30, $0xb8;
	[tilespmem:$0x1FB70] =	vst v63  }
0x11d: {  	_ =	swait.ge [sflag:s28], $0x1000  }
0x11e: {  	[sflag:s28] =	ssyncset.done $0x0  }
0x11f: {  	s26 =	simm.s32 $0x1C00;
	[sflag:s28] =	ssyncadd.s32 $0xFFFFF000  }
0x120: {  	[spmem:s29] =	stream.indirect.scatter.add.f32 [tilespmem:s26], [sflag:$0x5], $0x20, s3, s30, $0xb8;
	[tilespmem:$0x1FB70] =	vst v63  }
0x121: {  	_ =	swait.ge [sflag:s22], $0x80  }
0x122: {  	[sflag:s22] =	ssyncset.done $0x0  }
0x123: {  	[sflag:s22] =	ssyncadd.s32 $0xFFFFFF80  }
0x124: {  	[spmem:s2] =	stream.indirect.scatter.add.f32 [tilespmem:s20], [sflag:$0xD], $0x1, s0, s30, $0xb8;
	[tilespmem:$0x1FB70] =	vst v63  }
0x125: {  	_ =	swait.ge [sflag:s7], $0x1000  }
0x126: {  	[sflag:s7] =	ssyncset.done $0x0  }
0x127: {  	s9 =	simm.s32 $0x2C00;
	[sflag:s7] =	ssyncadd.s32 $0xFFFFF000  }
0x128: {  	[spmem:s29] =	stream.indirect.scatter.add.f32 [tilespmem:s9], [sflag:$0x6], $0x20, s13, s30, $0xb8;
	[tilespmem:$0x1FB70] =	vst v63  }
0x129: {  	_ =	swait.ge [sflag:s8], $0x80  }
0x12a: {  	[sflag:s8] =	ssyncset.done $0x0  }
0x12b: {  	[sflag:s8] =	ssyncadd.s32 $0xFFFFFF80  }
0x12c: {  	[spmem:s2] =	stream.indirect.scatter.add.f32 [tilespmem:s11], [sflag:$0xE], $0x1, s12, s30, $0xb8;
	[tilespmem:$0x1FB70] =	vst v63  }
0x12d: {  	_ =	swait.ge [sflag:s10], $0x1000  }
0x12e: {  	[sflag:s10] =	ssyncset.done $0x0  }
0x12f: {  	s19 =	simm.s32 $0x3C00;
	[sflag:s10] =	ssyncadd.s32 $0xFFFFF000  }
0x130: {  	[spmem:s29] =	stream.indirect.scatter.add.f32 [tilespmem:s19], [sflag:$0x7], $0x20, s31, s30, $0xb8;
	[tilespmem:$0x1FB70] =	vst v63  }
0x131: {  	_ =	swait.ge [sflag:s4], $0x80  }
0x132: {  	[sflag:s4] =	ssyncset.done $0x0  }
0x133: {  	[sflag:s4] =	ssyncadd.s32 $0xFFFFFF80  }
0x134: {  	[spmem:s2] =	stream.indirect.scatter.add.f32 [tilespmem:s18], [sflag:$0xF], $0x1, s14, s30, $0xb8;
	[tilespmem:$0x1FB70] =	vst v63  }
0x135: {  	_ =	swait.ge [sflag:s24], $0x1000  }
0x136: {  	[sflag:s24] =	ssyncset.done $0x0  }
0x137: {  	[sflag:s24] =	ssyncadd.s32 $0xFFFFF000  }
0x138: {  	[spmem:s29] =	stream.indirect.scatter.add.f32 [tilespmem:s21], [sflag:$0x8], $0x20, s25, s30, $0xb8;
	[tilespmem:$0x1FB70] =	vst v63  }
0x139: {  	_ =	swait.ge [sflag:s23], $0x80  }
0x13a: {  	[sflag:s23] =	ssyncset.done $0x0  }
0x13b: {  	s20 =	simm.s32 $0x5;
	[sflag:s23] =	ssyncadd.s32 $0xFFFFFF80  }
0x13c: {  	[spmem:s2] =	stream.indirect.scatter.add.f32 [tilespmem:s1], [sflag:$0x10], $0x1, s16, s30, $0xb8;
	[tilespmem:$0x1FB70] =	vst v63  }
0x13d: {  	_ =	swait.ge [sflag:s20], $0x1000  }
0x13e: {  	[sflag:s20] =	ssyncset.done $0x0  }
0x13f: {  	s22 =	simm.s32 $0xD;
	[sflag:s20] =	ssyncadd.s32 $0xFFFFF000  }
0x140: {  	_ =	swait.ge [sflag:s22], $0x80  }
0x141: {  	[sflag:s22] =	ssyncset.done $0x0  }
0x142: {  	s23 =	simm.s32 $0x6;
	[sflag:s22] =	ssyncadd.s32 $0xFFFFFF80  }
0x143: {  	_ =	swait.ge [sflag:s23], $0x1000  }
0x144: {  	[sflag:s23] =	ssyncset.done $0x0  }
0x145: {  	s24 =	simm.s32 $0xE;
	[sflag:s23] =	ssyncadd.s32 $0xFFFFF000  }
0x146: {  	_ =	swait.ge [sflag:s24], $0x80  }
0x147: {  	[sflag:s24] =	ssyncset.done $0x0  }
0x148: {  	s25 =	simm.s32 $0x7;
	[sflag:s24] =	ssyncadd.s32 $0xFFFFFF80  }
0x149: {  	_ =	swait.ge [sflag:s25], $0x1000  }
0x14a: {  	[sflag:s25] =	ssyncset.done $0x0  }
0x14b: {  	s26 =	simm.s32 $0xF;
	[sflag:s25] =	ssyncadd.s32 $0xFFFFF000  }
0x14c: {  	_ =	swait.ge [sflag:s26], $0x80  }
0x14d: {  	[sflag:s26] =	ssyncset.done $0x0  }
0x14e: {  	s28 =	simm.s32 $0x8;
	[sflag:s26] =	ssyncadd.s32 $0xFFFFFF80  }
0x14f: {  	_ =	swait.ge [sflag:s28], $0x1000  }
0x150: {  	[sflag:s28] =	ssyncset.done $0x0  }
0x151: {  	s17 =	simm.s32 $0x10;
	[sflag:s28] =	ssyncadd.s32 $0xFFFFF000  }
0x152: {  	_ =	swait.ge [sflag:s17], $0x80  }
0x153: {  	s31 =	rddreg [dreg:$0x17]  }
0x154: {  	s0 =	sadd.s32 $0x1, s31  }
0x155: {  	p0 =	sne.s32 s0, $0x7  }
.Ltmp3:
0x156: {  	_ = 	snop;
	(pc) =	sbr.rel @p0 .LBB2_6-.Ltmp3, $4  }
0x157: {  	_ = 	snop  }
0x158: {  	s15 =	simm.s32 $0x11;
	s3 =	simm.s32 $0x1C00  }
0x159: {  	s13 =	simm.s32 $0x2C00;
	s9 =	simm.s32 $0x5D80;
	[sflag:s17] =	ssyncset.done $0x0  }
0x15a: {  	s12 =	simm.s32 $0xF;
	s14 =	simm.s32 $0x8;
	[sflag:s17] =	ssyncadd.s32 $0xFFFFFF80  }
0x15b: {  	[bflag:$0x0] =	sbarrier.arrive $0xFFFF  }
0x15c: {  	s14 =	simm.s32 $0x5E00;
	s12 =	rddreg [dreg:$0x14]  }
0x15d: {  	[tilespmem:s14], [sflag:$0x11] =	stream.linear.gather [spmem:s12], $0x620, $0x38;
	[tilespmem:$0x1FB70] =	vst v63  }
0x15e: {  	_ =	swait.ge [sflag:s15], $0x620  }
0x15f: {  	[sflag:s15] =	ssyncset.done $0x0;
	s13 =	rddreg [dreg:$0x15]  }
0x160: {  	s3 =	simm.s32 $0x0;
	[sflag:s15] =	ssyncadd.s32 $0xFFFFF9E0;
	s0 =	sadd.s32 $0x0, s13  }
0x161: {  	[hbm4b:s0+s3] =	stream.linear.scatter [tilespmem:s14], [sflag:$0x11], $0x620, $0x38;
	[tilespmem:$0x1FB70] =	vst v63  }
0x162: {  	s25 =	simm.s32 $0xC4;
	_ =	swait.ge [sflag:s15], $0x620  }
0x163: {  	s26 =	smov.u32 s12;
	[sflag:s15] =	ssyncset.done $0x0;
	s17 =	rddreg [dreg:$0x16]  }
.LBB2_10:
0x164: {  	p0 =	seq.s32 s25, $0x303C;
	[sflag:s15] =	ssyncadd.s32 $0xFFFFF9E0;
	s26 =	sadd.s32 $0x620, s26  }
0x165: {  	[tilespmem:s14], [sflag:$0x11] =	stream.linear.gather [spmem:s26], $0x620, $0x38;
	[tilespmem:$0x1FB70] =	vst v63  }
0x166: {  	s0 =	smov.u32 s25;
	s25 =	sadd.s32 $0xC4, s25;
	_ =	swait.ge [sflag:s15], $0x620  }
.Ltmp4:
0x167: {  	[sflag:s15] =	ssyncset.done $0x0;
	(pc) =	sbr.rel @!p0 .LBB2_10-.Ltmp4, $4  }
0x168: {  	s0 =	sadd.s32 s0, s13;
	[sflag:s15] =	ssyncadd.s32 $0xFFFFF9E0  }
0x169: {  	[hbm4b:s0+s3] =	stream.linear.scatter [tilespmem:s14], [sflag:$0x11], $0x620, $0x38;
	[tilespmem:$0x1FB70] =	vst v63  }
0x16a: {  	_ =	swait.ge [sflag:s15], $0x620  }
0x16b: {  	[sflag:s15] =	ssyncset.done $0x0  }
0x16c: {  	[sflag:s15] =	ssyncadd.s32 $0xFFFFF9E0;
	s9 =	simm.s32 $0x6420;
	s0 =	rddreg [dreg:$0x8]  }
0x16d: {  	[tilespmem:s9], [sflag:$0x11] =	stream.linear.gather [spmem:s0], $0x310, $0x38;
	[tilespmem:$0x1FB70] =	vst v63  }
0x16e: {  	_ =	swait.ge [sflag:s15], $0x310  }
0x16f: {  	[sflag:s15] =	ssyncset.done $0x0  }
0x170: {  	s21 =	rddreg [dreg:$0xd];
	[sflag:s15] =	ssyncadd.s32 $0xFFFFFCF0  }
0x171: {  	[hbm4b:s21+s3] =	stream.linear.scatter [tilespmem:s9], [sflag:$0x11], $0x310, $0x38;
	[tilespmem:$0x1FB70] =	vst v63  }
0x172: {  	_ =	swait.ge [sflag:s15], $0x310  }
0x173: {  	[sflag:s15] =	ssyncset.done $0x0  }
0x174: {  	s22 =	rddreg [dreg:$0xe];
	[sflag:s15] =	ssyncadd.s32 $0xFFFFFCF0  }
0x175: {  	[tilespmem:s9], [sflag:$0x11] =	stream.linear.gather [spmem:s22], $0x310, $0x38;
	[tilespmem:$0x1FB70] =	vst v63  }
0x176: {  	_ =	swait.ge [sflag:s15], $0x310  }
0x177: {  	[sflag:s15] =	ssyncset.done $0x0  }
0x178: {  	s23 =	rddreg [dreg:$0xf];
	[sflag:s15] =	ssyncadd.s32 $0xFFFFFCF0  }
0x179: {  	[hbm4b:s23+s3] =	stream.linear.scatter [tilespmem:s9], [sflag:$0x11], $0x310, $0x38;
	[tilespmem:$0x1FB70] =	vst v63  }
0x17a: {  	_ =	swait.ge [sflag:s15], $0x310  }
0x17b: {  	[sflag:s15] =	ssyncset.done $0x0  }
0x17c: {  	s24 =	rddreg [dreg:$0x10];
	[sflag:s15] =	ssyncadd.s32 $0xFFFFFCF0  }
0x17d: {  	[tilespmem:s9], [sflag:$0x11] =	stream.linear.gather [spmem:s24], $0x310, $0x38;
	[tilespmem:$0x1FB70] =	vst v63  }
0x17e: {  	_ =	swait.ge [sflag:s15], $0x310  }
0x17f: {  	[sflag:s15] =	ssyncset.done $0x0  }
0x180: {  	s25 =	rddreg [dreg:$0x11];
	[sflag:s15] =	ssyncadd.s32 $0xFFFFFCF0  }
0x181: {  	[hbm4b:s25+s3] =	stream.linear.scatter [tilespmem:s9], [sflag:$0x11], $0x310, $0x38;
	[tilespmem:$0x1FB70] =	vst v63  }
0x182: {  	_ =	swait.ge [sflag:s15], $0x310  }
0x183: {  	[sflag:s15] =	ssyncset.done $0x0  }
0x184: {  	s26 =	rddreg [dreg:$0x12];
	[sflag:s15] =	ssyncadd.s32 $0xFFFFFCF0  }
0x185: {  	[tilespmem:s9], [sflag:$0x11] =	stream.linear.gather [spmem:s26], $0x310, $0x38;
	[tilespmem:$0x1FB70] =	vst v63  }
0x186: {  	_ =	swait.ge [sflag:s15], $0x310  }
0x187: {  	[sflag:s15] =	ssyncset.done $0x0  }
0x188: {  	s28 =	rddreg [dreg:$0x13];
	[sflag:s15] =	ssyncadd.s32 $0xFFFFFCF0  }
0x189: {  	[hbm4b:s28+s3] =	stream.linear.scatter [tilespmem:s9], [sflag:$0x11], $0x310, $0x38;
	[tilespmem:$0x1FB70] =	vst v63  }
0x18a: {  	_ =	swait.ge [sflag:s15], $0x310  }
0x18b: {  	s17 =	sadd.s32 $0x1, s17;
	s31 =	rddreg [dreg:$0x9]  }
0x18c: {  	p0 =	seq.s32 s17, s31  }
.Ltmp5:
0x18d: {  	_ = 	snop;
	(pc) =	sbr.rel @!p0 .LBB2_1-.Ltmp5, $3  }
0x18e: {  	_ =	sdelay $0x1  }
0x18f: {  	[sflag:s15] =	ssyncset.done $0x0  }
0x190: {  	s3 =	simm.s32 $0x1C00;
	[sflag:s15] =	ssyncadd.s32 $0xFFFFFCF0  }
0x191: {  	_ =	sfence.sel $0x180000  }
0x192: {  	[bflag:$0x0] =	sbarrier.arrive $0xFFFF  }
0x193: {  	_ =	strace $0x9000004A  }
0x194: {  	s0 =	stileid.u32;
	[bflag:$0x2] =	sbarrier.arrive $0xFFFF  }
0x195: {  	p0 =	sne.s32 s0, $0x0;
	s0 =	rddreg [dreg:$0x3]  }
0x196: {  	s0 =	sadd.s32 @!p0 $0x100000, s0  }
0x197: {  	[sflag:s0] =	ssyncadd.tile.s32 @!p0 $0x1;
	_ =	shalt  }
.Lfunc_end2:
_tile_overlayer_lowered:
.L_overlay_start_2:
0x198: {  	(tag) =	ssettag $0x2  }
0x199: {  	s0 =	rddreg [dreg:$0x0];
	s2 =	stileid.u32  }
0x19a: {  	s1 =	rddreg [dreg:$0x1];
	p0 =	sne.s32 s2, $0x0  }
0x19b: {  	s3 =	rddreg [dreg:$0x2];
	[bflag:$0x3] =	sbarrier.arrive $0xFFFF;
	s2 =	simm.s32 @!p0 $0x1C11  }
0x19c: {  	[timem:s3], [sflag:s2] =	dma.local @!p0 [hbm:s0], s1  }
0x19d: {  	s0 =	simm.s32 @!p0 $0x11  }
0x19e: {  	_ =	swait.ge @!p0 [sflag:s0], s1  }
0x19f: {  	s1 =	ssub.s32 @!p0 $0x0, s1;
	[sflag:s0] =	ssyncset.done @!p0 $0x0  }
0x1a0: {  	[sflag:s0] =	ssyncadd.s32 @!p0 s1  }
0x1a1: {  	[bflag:$0x3] =	sbarrier.arrive $0xFFFF  }
0x1a2: {  	_ =	shalt  }

// kernel: kernel.14.cloned.1.call-start
scs
__scs_entry_jumppad:
0x0: {  	(pc) =	sbr.rel $0x88, $3  }
0x1: {  	(tag) =	ssettag $0x0;
	lr =	simm.s32 $0x1  }
0x2: {  	[smem:$0x3F99] =	sst lr;
	_ =	strace $0xD0000000  }
0x3: {  	_ = 	snop  }
0x4: {  	_ = 	snop  }
0x5: {  	_ = 	snop  }
0x6: {  	_ = 	snop  }
0x7: {  	_ = 	snop  }
__scs_overlays_trampoline_lowered:
0x8: {  	[smem:$0x3FA8] =	sst s0  }
0x9: {  	[smem:$0x3FA9] =	sst s1  }
0xa: {  	[smem:$0x3FAA] =	sst s2  }
0xb: {  	[smem:$0x3FAB] =	sst s3  }
0xc: {  	[smem:$0x3FAC] =	sst s4  }
0xd: {  	[smem:$0x3FAD] =	sst s5  }
0xe: {  	[smem:$0x3FAE] =	sst s6  }
0xf: {  	[smem:$0x3FAF] =	sst s7  }
0x10: {  	[smem:$0x3FB0] =	sst s8  }
0x11: {  	[smem:$0x3FB1] =	sst s9;
	s0 =	simm.s32 @!p0 $0x0  }
0x12: {  	s1 =	sld [smem:$0x3F97];
	s0 =	simm.s32 @p0 $0x1  }
0x13: {  	[smem:$0x3FB2] =	sst s0;
	s0 =	simm.s32 @!p1 $0x0  }
0x14: {  	s2 =	sld [smem:$0x3F96];
	s0 =	simm.s32 @p1 $0x1  }
0x15: {  	[smem:$0x3FB3] =	sst s0;
	s0 =	simm.s32 @!p2 $0x0  }
0x16: {  	s3 =	sld [smem:$0x3FDB];
	s0 =	simm.s32 @p2 $0x1  }
0x17: {  	s4 =	simm.s32 $0x1BF5;
	[smem:$0x3FB5] =	sst s0  }
0x18: {  	s0 =	sld [smem:$0x3F98];
	_ =	swait.ge [sflag:s4], $0x0  }
0x19: {  	s7 =	sld [smem:$0x3F99]  }
0x1a: {  	s8 =	sadd.s32 $0xFFFFE003, lr  }
0x1b: {  	s9 =	sadd.s32 $0xFFFFFEF7, lr;
	s5 =	simm.s32 $0xFFFFFFFF;
	p2 =	slt.u32 s8, $0xFFFFF086  }
0x1c: {  	p1 =	slt.u32 s9, $0xF7A;
	s5 =	simm.s32 @!p2 $0x0  }
0x1d: {  	s5 =	simm.s32 @p1 $0x1;
	p0 =	seq.s32 s7, s2  }
0x1e: {  	s7 =	smul.u32 @!p0 $0xF7A, s2;
	p2 =	seq.s32 @!p0 s5, $0x0  }
0x1f: {  	s9 =	smul.u32 $0xF7A, s1;
	s8 =	simm.s32 @!p0 $0x1BF5;
	p2 =	por !p2, p0  }
0x20: {  	[sflag:s8] =	ssyncset.s32 @!p0 $0xFFFFF086;
	s6 =	sadd.s32 @!p0 s3, s7;
	s7 =	simm.s32 @!p0 $0x108  }
0x21: {  	s3 =	sadd.s32 s3, s9;
	s6 =	sadd.s32 @!p0 $0x88, s6;
	s7 =	simm.s32 @p2 $0x1082  }
0x22: {  	[simem:s7], [sflag:s8] =	dma.local @!p0 [hbm:s6], $0xF7A  }
0x23: {  	s9 =	sor.u32 $0xD0000000, s2;
	s6 =	simm.s32 $0x108;
	_ =	swait.ge @!p0 [sflag:s8], $0x0  }
0x24: {  	s3 =	sadd.s32 $0x88, s3;
	s6 =	simm.s32 @!p1 $0x1082;
	[sflag:s4] =	ssyncset.s32 $0xFFFFF086  }
0x25: {  	[simem:s6], [sflag:s4] =	dma.local [hbm:s3], $0xF7A  }
0x26: {  	[smem:$0x3F99] =	sst s1;
	(tag) =	ssettag s2;
	_ =	strace s9  }
0x27: {  	s1 =	sld [smem:$0x3FA9]  }
0x28: {  	s2 =	sld [smem:$0x3FAA]  }
0x29: {  	s4 =	sld [smem:$0x3FAC]  }
0x2a: {  	p0 =	seq.s32 s5, $0x0;
	s5 =	sld [smem:$0x3FAD]  }
0x2b: {  	s6 =	sld [smem:$0x3FAE]  }
0x2c: {  	s7 =	sld [smem:$0x3FAF]  }
0x2d: {  	s3 =	simm.s32 $0x108;
	s8 =	sld [smem:$0x3FB0]  }
0x2e: {  	s3 =	simm.s32 @!p0 $0x1082;
	s9 =	sld [smem:$0x3FB1]  }
0x2f: {  	lr =	sadd.s32 s0, s3;
	s0 =	sld [smem:$0x3FA8]  }
0x30: {  	s3 =	sld [smem:$0x3FAB]  }
0x31: {  	[smem:$0x3FB4] =	sst s10  }
0x32: {  	s10 =	sld [smem:$0x3FB2];
	_ =	sdelay $0x3  }
0x33: {  	p0 =	seq.s32 s10, $0x1;
	s10 =	sld [smem:$0x3FB4];
	_ =	sdelay $0x3  }
0x34: {  	[smem:$0x3FB4] =	sst s10  }
0x35: {  	s10 =	sld [smem:$0x3FB3];
	_ =	sdelay $0x3  }
0x36: {  	p1 =	seq.s32 s10, $0x1;
	s10 =	sld [smem:$0x3FB4];
	_ =	sdelay $0x3  }
0x37: {  	[smem:$0x3FB4] =	sst s10  }
0x38: {  	s10 =	sld [smem:$0x3FB5]  }
0x39: {  	_ = 	snop;
	(pc) =	sbr.ind lr, $3  }
0x3a: {  	_ = 	snop  }
0x3b: {  	_ = 	snop  }
0x3c: {  	p2 =	seq.s32 s10, $0x1;
	s10 =	sld [smem:$0x3FB4]  }
0x3d: {  	_ =	shalt  }
0x3e: {  	_ =	shalt  }
0x3f: {  	_ =	shalt  }
0x40: {  	_ =	shalt  }
0x41: {  	_ =	shalt  }
0x42: {  	_ =	shalt  }
0x43: {  	_ =	shalt  }
0x44: {  	_ =	shalt  }
0x45: {  	_ =	shalt  }
0x46: {  	_ =	shalt  }
0x47: {  	_ =	shalt  }
0x48: {  	_ =	shalt  }
0x49: {  	_ =	shalt  }
0x4a: {  	_ =	shalt  }
0x4b: {  	_ =	shalt  }
0x4c: {  	_ =	shalt  }
0x4d: {  	_ =	shalt  }
0x4e: {  	_ =	shalt  }
0x4f: {  	_ =	shalt  }
0x50: {  	_ =	shalt  }
0x51: {  	_ =	shalt  }
0x52: {  	_ =	shalt  }
0x53: {  	_ =	shalt  }
0x54: {  	_ =	shalt  }
0x55: {  	_ =	shalt  }
0x56: {  	_ =	shalt  }
0x57: {  	_ =	shalt  }
0x58: {  	_ =	shalt  }
0x59: {  	_ =	shalt  }
0x5a: {  	_ =	shalt  }
0x5b: {  	_ =	shalt  }
0x5c: {  	_ =	shalt  }
0x5d: {  	_ =	shalt  }
0x5e: {  	_ =	shalt  }
0x5f: {  	_ =	shalt  }
0x60: {  	_ =	shalt  }
0x61: {  	_ =	shalt  }
0x62: {  	_ =	shalt  }
0x63: {  	_ =	shalt  }
0x64: {  	_ =	shalt  }
0x65: {  	_ =	shalt  }
0x66: {  	_ =	shalt  }
0x67: {  	_ =	shalt  }
0x68: {  	_ =	shalt  }
0x69: {  	_ =	shalt  }
0x6a: {  	_ =	shalt  }
0x6b: {  	_ =	shalt  }
0x6c: {  	_ =	shalt  }
0x6d: {  	_ =	shalt  }
0x6e: {  	_ =	shalt  }
0x6f: {  	_ =	shalt  }
0x70: {  	_ =	shalt  }
0x71: {  	_ =	shalt  }
0x72: {  	_ =	shalt  }
0x73: {  	_ =	shalt  }
0x74: {  	_ =	shalt  }
0x75: {  	_ =	shalt  }
0x76: {  	_ =	shalt  }
0x77: {  	_ =	shalt  }
0x78: {  	_ =	shalt  }
0x79: {  	_ =	shalt  }
0x7a: {  	_ =	shalt  }
0x7b: {  	_ =	shalt  }
0x7c: {  	_ =	shalt  }
0x7d: {  	_ =	shalt  }
0x7e: {  	_ =	shalt  }
0x7f: {  	_ =	shalt  }
0x80: {  	_ =	shalt  }
0x81: {  	_ =	shalt  }
0x82: {  	_ =	shalt  }
0x83: {  	_ =	shalt  }
0x84: {  	_ =	shalt  }
0x85: {  	_ =	shalt  }
0x86: {  	_ =	shalt  }
0x87: {  	_ =	shalt  }
.Lfunc_end0:
.L_simem_size_0:
called_computation.2_lowered:
.L_overlay_start_0:
0x88: {  	s2 =	sld [smem:$0x3FD9]  }
0x89: {  	s3 =	sld [smem:$0x3FFE];
	_ =	sdelay $0x1  }
0x8a: {  	s1 =	srdreg.scid  }
0x8b: {  	s0 =	sand.u32 $0x1, s1  }
0x8c: {  	s16 =	sshll.u32 s0, $0xA;
	s2 =	sadd.s32 s3, s2  }
0x8d: {  	s2 =	sadd.s32 s2, s16  }
0x8e: {  	[smem:$0x3FC0] =	sst s2  }
0x8f: {  	_ = 	snop  }
0x90: {  	(tm) =	ssettm $0x1  }
0x91: {  	s17 =	sld [smem:$0x3FFB];
	_ =	sdelay $0x3  }
0x92: {  	_ =	strace s17  }
0x93: {  	s2 =	sld [smem:$0x3FFC];
	_ =	sdelay $0x3  }
0x94: {  	_ =	strace s2  }
0x95: {  	s2 =	sld [smem:$0x3FFD];
	_ =	sdelay $0x3  }
0x96: {  	_ =	strace s2  }
0x97: {  	_ =	strace $0x8FFFFFFF  }
0x98: {  	s18 =	sld [smem:$0x3FDB];
	_ =	sdelay $0x1  }
0x99: {  	s19 =	simm.s32 $_scs_section_size  }
0x9a: {  	s4 =	simm.s32 $_size__tile_overlayer_lowered;
	s5 =	simm.s32 $_tile_overlayer_lowered  }
0x9b: {  	s22 =	simm.s32 $0x1BFF;
	s21 =	sshll.u32 s5, $0x1;
	s2 =	sadd.s32 s19, s18  }
0x9c: {  	s6 =	simm.s32 $0x0;
	s20 =	sshll.u32 s4, $0x1;
	s4 =	sadd.s32 s21, s2  }
0x9d: {  	[timem:s6], [sflag:s22] =	dma.local [hbm:s4], s20  }
0x9e: {  	_ =	swait.ge [sflag:s22], s20  }
0x9f: {  	s3 =	ssub.s32 $0x0, s20;
	[sflag:s22] =	ssyncset.done $0x0  }
0xa0: {  	[sflag:s22] =	ssyncadd.s32 s3;
	_ =	sdelay $0x1  }
0xa1: {  	s23 =	simm.s32 $0x1B8B  }
0xa2: {  	_ =	swait.ge [sflag:s23], $0x1  }
0xa3: {  	[sflag:s23] =	ssyncset.done $0x0  }
0xa4: {  	s25 =	simm.s32 $0x1B8E;
	s24 =	sld [smem:$0x3FFE];
	[sflag:s23] =	ssyncadd.s32 $0xFFFFFFFF  }
0xa5: {  	s26 =	simm.s32 $execute0_lowered;
	[smem:$0x3FD2] =	sst s25  }
0xa6: {  	s4 =	sshll.u32 s26, $0x1;
	_ =	strace $0x8000004C;
	[dreg:$0x1] =	wrdreg $0xFFFFFFFF  }
0xa7: {  	s28 =	simm.s32 $_size_execute0_lowered;
	s2 =	sadd.s32 s2, s4;
	[dreg:$0x0] =	wrdreg $0x0  }
0xa8: {  	s4 =	sshll.u32 s28, $0x1;
	[dreg:$0x2] =	wrdreg s2  }
0xa9: {  	[dreg:$0x3] =	wrdreg s4  }
0xaa: {  	[dreg:$0x4] =	wrdreg $0xC0  }
0xab: {  	_ =	task [dreg:s6], $0x5FFFF  }
0xac: {  	[dreg:$0x1] =	wrdreg $0xFFFFFFFF  }
0xad: {  	[dreg:$0x0] =	wrdreg $0x60  }
0xae: {  	[dreg:$0x2] =	wrdreg s24  }
0xaf: {  	[dreg:$0x3] =	wrdreg $0x62200  }
0xb0: {  	[dreg:$0x4] =	wrdreg $0x9  }
0xb1: {  	_ =	task.clear_ibuf [dreg:s6], $0x5FFFF;
	_ =	strace $0x9000004C  }
0xb2: {  	s29 =	simm.s32 $0x9;
	_ =	strace $0x8000004E  }
0xb3: {  	_ =	swait.ge [sflag:s29], $0x1  }
0xb4: {  	[sflag:s29] =	ssyncadd.s32 $0xFFFFFFFF  }
0xb5: {  	_ =	strace $0x9000004E  }
0xb6: {  	_ =	sfence  }
0xb7: {  	s30 =	sld [smem:$0x0];
	_ =	sdelay $0x2  }
0xb8: {  	s31 =	sshll.u32 s1, $0xD;
	s1 =	sshrl.u32 s1, $0x2  }
0xb9: {  	s3 =	sand.u32 $0x4000, s31;
	s1 =	sadd.s32 s1, s30  }
0xba: {  	s0 =	sor.u32 s3, s0;
	s1 =	sshll.u32 s1, $0x11  }
0xbb: {  	s0 =	sor.u32 s1, s0  }
0xbc: {  	s0 =	sadd.s32 $0x8F2B, s0  }
0xbd: {  	[sflag:s0] =	ssyncadd.remote.s32 $0x1  }
0xbe: {  	_ =	sfence.sel $0xFFFF  }
0xbf: {  	[dreg:$0x0] =	wrdreg $0xFFFFFFFF;
	(pc) =	sbr.abs _section_cstart, $3  }
0xc0: {  	[dreg:$0x1] =	wrdreg $0xFFFFFFFF  }
0xc1: {  	_ =	task.clear_ibuf [dreg:s6], $0x2FFFF;
	_ =	strace $0x9FFFFFFF  }
0xc2: {  	(tm) =	ssettm $0x7FFFFFFF  }
0xc3: {  	_ =	shalt  }
tec
execute0_lowered:
.L_overlay_start_1:
0x0: {  	(tag) =	ssettag $0x1  }
0x1: {  	s0 =	rddreg [dreg:$0x0]  }
0x2: {  	s1 =	rddreg [dreg:$0x1];
	s2 =	srdreg.scid  }
0x3: {  	s3 =	simm.s32 $0x0;
	s10 =	stileid.u32;
	s11 =	simm.s32 $0x5C00  }
0x4: {  	s12 =	simm.s32 $0x9;
	s13 =	simm.s32 $0xE00;
	s14 =	simm.s32 $0x80  }
0x5: {  	s15 =	simm.s32 $0x1C00;
	s16 =	simm.s32 $0x2C00;
	s17 =	simm.s32 $0x3C00  }
0x6: {  	s18 =	simm.s32 $0x4C00;
	s19 =	simm.s32 $0x1;
	s20 =	simm.s32 $0x2  }
0x7: {  	s21 =	simm.s32 $0x3;
	s22 =	simm.s32 $0x4;
	s23 =	simm.s32 $0x5  }
0x8: {  	s24 =	simm.s32 $0x6;
	s25 =	simm.s32 $0x7;
	s26 =	simm.s32 $0x8  }
0x9: {  	s28 =	simm.s32 $0x0;
	s2 =	sand.u32 $0x1, s2;
	s8 =	smul.u32 $0x18800, s10  }
0xa: {  	[smem:$0x7FF] =	sst s3;
	s4 =	sadd.s32 $0x37C00, s0;
	s9 =	smul.u32 $0x62000, s10  }
0xb: {  	s5 =	sadd.s32 $0x1F400, s0;
	s6 =	sadd.s32 $0x3A00, s0;
	s7 =	smul.u32 $0x188000, s2  }
0xc: {  	_ =	strace $0x8000004D;
	s29 =	ssub.s32 $0x2, s2;
	s2 =	sshll.u32 s2, $0x4  }
0xd: {  	s30 =	sshrl.u32 s29, $0x1;
	s2 =	sor.u32 s10, s2;
	s7 =	sadd.s32 s8, s7  }
0xe: {  	s9 =	sshrl.u32 s9, $0x2;
	s8 =	ssub.s32 s29, s30;
	s7 =	sshrl.u32 s7, $0x3  }
0xf: {  	s9 =	sadd.s32 s9, s1;
	s31 =	smax.u32 s8, $0x1;
	s0 =	sadd.s32 s7, s0  }
0x10: {  	v0 =	vimm.f32 $0.0e+00;
	s7 =	smul.u32 $0x6200, s2;
	[dreg:$0x3] =	wrdreg s31;
	s10 =	sadd.s32 $0x99C00, s0  }
.LBB2_1:
0x11: {  	s0 =	simm.s32 $0x0  }
.LBB2_2:
0x12: {  	p0 =	sne.s32 s0, $0x1800  }
.Ltmp0:
0x13: {  	_ = 	snop;
	(pc) =	sbr.rel @p0 .LBB2_2-.Ltmp0, $4  }
0x14: {  	_ = 	snop  }
0x15: {  	s2 =	sshra.s32 s0, $0x2  }
0x16: {  	[tilespmem:s2+$0x5C00] =	vst v0  }
0x17: {  	s0 =	sadd.s32 $0x80, s0;
	[tilespmem:s2+$0x5C10] =	vst v0  }
0x18: {  	s0 =	sadd.s32 $0x0, s9  }
0x19: {  	[spmem:s0] =	stream.linear.scatter [tilespmem:s11], [sflag:$0x9], $0x620, $0x38;
	[tilespmem:$0x1EA20] =	vst v63  }
0x1a: {  	s0 =	simm.s32 $0x1880;
	_ =	swait.ge [sflag:s12], $0x620  }
.LBB2_4:
0x1b: {  	s2 =	sshra.s32 s0, $0x2;
	[sflag:s12] =	ssyncset.done $0x0;
	p0 =	sne.s32 s0, $0x60780  }
.Ltmp1:
0x1c: {  	s2 =	sadd.s32 s2, s9;
	[sflag:s12] =	ssyncadd.s32 $0xFFFFF9E0;
	(pc) =	sbr.rel @p0 .LBB2_4-.Ltmp1, $3  }
0x1d: {  	[spmem:s2] =	stream.linear.scatter [tilespmem:s11], [sflag:$0x9], $0x620, $0x38;
	[tilespmem:$0x1EA20] =	vst v63  }
0x1e: {  	s0 =	sadd.s32 $0x1880, s0;
	_ =	sdelay $0x1  }
0x1f: {  	_ =	swait.ge [sflag:s12], $0x620  }
0x20: {  	[sflag:s12] =	ssyncset.done $0x0  }
0x21: {  	[sflag:s12] =	ssyncadd.s32 $0xFFFFF9E0  }
0x22: {  	s29 =	simm.s32 $0x0;
	s30 =	simm.s32 $0x0;
	[bflag:$0x0] =	sbarrier.arrive $0xFFFF  }
.LBB2_6:
0x23: {  	s0 =	smul.u32 $0xE00, s30;
	_ =	sdelay $0x1  }
0x24: {  	s0 =	sadd.s32 s7, s0  }
0x25: {  	s0 =	sshrl.u32 s0, $0x3  }
0x26: {  	s2 =	sadd.s32 s5, s0  }
0x27: {  	[tilespmem:s29], [sflag:$0x9] =	stream.linear.gather [hbm4b:s2+s29], $0xE00, $0x38;
	[tilespmem:$0x1EA20] =	vst v63  }
0x28: {  	_ =	swait.ge [sflag:s12], $0xE00  }
0x29: {  	[sflag:s12] =	ssyncset.done $0x0  }
0x2a: {  	s0 =	sadd.s32 s6, s0;
	[sflag:s12] =	ssyncadd.s32 $0xFFFFF200  }
0x2b: {  	[tilespmem:s13], [sflag:$0x9] =	stream.linear.gather [hbm4b:s0+s29], $0xE00, $0x38;
	[tilespmem:$0x1EA20] =	vst v63  }
0x2c: {  	_ =	swait.ge [sflag:s12], $0xE00  }
0x2d: {  	[sflag:s12] =	ssyncset.done $0x0  }
0x2e: {  	s2 =	simm.s32 $0x0;
	[sflag:s12] =	ssyncadd.s32 $0xFFFFF200  }
0x2f: {  	[tilespmem:s15], [sflag:$0x1] =	stream.indirect.gather [hbm4b:s4+s14], $0x20, s2, s14, $0xb8;
	[tilespmem:$0x1EA20] =	vst v63  }
0x30: {  	s8 =	simm.s32 $0x80  }
0x31: {  	[tilespmem:s16], [sflag:$0x2] =	stream.indirect.gather [hbm4b:s4+s14], $0x20, s8, s14, $0xb8;
	[tilespmem:$0x1EA20] =	vst v63  }
0x32: {  	s2 =	simm.s32 $0x100  }
0x33: {  	[tilespmem:s17], [sflag:$0x3] =	stream.indirect.gather [hbm4b:s4+s14], $0x20, s2, s14, $0xb8;
	[tilespmem:$0x1EA20] =	vst v63  }
0x34: {  	s8 =	simm.s32 $0x180  }
0x35: {  	[tilespmem:s18], [sflag:$0x4] =	stream.indirect.gather [hbm4b:s4+s14], $0x20, s8, s14, $0xb8;
	[tilespmem:$0x1EA20] =	vst v63  }
0x36: {  	_ =	swait.ge [sflag:s19], $0x1000  }
0x37: {  	[sflag:s19] =	ssyncset.done $0x0  }
0x38: {  	s2 =	simm.s32 $0xE00;
	[sflag:s19] =	ssyncadd.s32 $0xFFFFF000  }
0x39: {  	[spmem:s1] =	stream.indirect.scatter.add.f32 [tilespmem:s15], [sflag:$0x5], $0x20, s2, s14, $0xb8;
	[tilespmem:$0x1EA20] =	vst v63  }
0x3a: {  	_ =	swait.ge [sflag:s20], $0x1000  }
0x3b: {  	[sflag:s20] =	ssyncset.done $0x0  }
0x3c: {  	s8 =	simm.s32 $0xE80;
	[sflag:s20] =	ssyncadd.s32 $0xFFFFF000  }
0x3d: {  	[spmem:s1] =	stream.indirect.scatter.add.f32 [tilespmem:s16], [sflag:$0x6], $0x20, s8, s14, $0xb8;
	[tilespmem:$0x1EA20] =	vst v63  }
0x3e: {  	_ =	swait.ge [sflag:s21], $0x1000  }
0x3f: {  	[sflag:s21] =	ssyncset.done $0x0  }
0x40: {  	s2 =	simm.s32 $0xF00;
	[sflag:s21] =	ssyncadd.s32 $0xFFFFF000  }
0x41: {  	[spmem:s1] =	stream.indirect.scatter.add.f32 [tilespmem:s17], [sflag:$0x7], $0x20, s2, s14, $0xb8;
	[tilespmem:$0x1EA20] =	vst v63  }
0x42: {  	_ =	swait.ge [sflag:s22], $0x1000  }
0x43: {  	[sflag:s22] =	ssyncset.done $0x0  }
0x44: {  	s8 =	simm.s32 $0xF80;
	[sflag:s22] =	ssyncadd.s32 $0xFFFFF000  }
0x45: {  	[spmem:s1] =	stream.indirect.scatter.add.f32 [tilespmem:s18], [sflag:$0x8], $0x20, s8, s14, $0xb8;
	[tilespmem:$0x1EA20] =	vst v63  }
0x46: {  	_ =	swait.ge [sflag:s23], $0x1000  }
0x47: {  	[sflag:s23] =	ssyncset.done $0x0  }
0x48: {  	[sflag:s23] =	ssyncadd.s32 $0xFFFFF000  }
0x49: {  	_ =	swait.ge [sflag:s24], $0x1000  }
0x4a: {  	[sflag:s24] =	ssyncset.done $0x0  }
0x4b: {  	[sflag:s24] =	ssyncadd.s32 $0xFFFFF000  }
0x4c: {  	_ =	swait.ge [sflag:s25], $0x1000  }
0x4d: {  	[sflag:s25] =	ssyncset.done $0x0  }
0x4e: {  	[sflag:s25] =	ssyncadd.s32 $0xFFFFF000  }
0x4f: {  	_ =	swait.ge [sflag:s26], $0x1000  }
0x50: {  	s31 =	simm.s32 $0x800;
	s0 =	simm.s32 $0x1000;
	[sflag:s26] =	ssyncset.done $0x0  }
.LBB2_7:
0x51: {  	s8 =	sshra.s32 s31, $0x2  }
0x52: {  	[sflag:s26] =	ssyncadd.s32 $0xFFFFF000;
	s31 =	smov.u32 s0;
	s2 =	sadd.s32 $0x800, s0  }
0x53: {  	[tilespmem:s15], [sflag:$0x1] =	stream.indirect.gather [hbm4b:s4+s14], $0x20, s8, s14, $0xb8;
	[tilespmem:$0x1EA20] =	vst v63  }
0x54: {  	p0 =	sne.s32 s0, $0x3000;
	s0 =	sadd.s32 $0x80, s8  }
0x55: {  	[tilespmem:s16], [sflag:$0x2] =	stream.indirect.gather [hbm4b:s4+s14], $0x20, s0, s14, $0xb8;
	[tilespmem:$0x1EA20] =	vst v63  }
0x56: {  	s0 =	sadd.s32 $0x100, s8  }
0x57: {  	[tilespmem:s17], [sflag:$0x3] =	stream.indirect.gather [hbm4b:s4+s14], $0x20, s0, s14, $0xb8;
	[tilespmem:$0x1EA20] =	vst v63  }
0x58: {  	s0 =	sadd.s32 $0x180, s8  }
0x59: {  	[tilespmem:s18], [sflag:$0x4] =	stream.indirect.gather [hbm4b:s4+s14], $0x20, s0, s14, $0xb8;
	[tilespmem:$0x1EA20] =	vst v63  }
0x5a: {  	_ =	swait.ge [sflag:s19], $0x1000  }
0x5b: {  	[sflag:s19] =	ssyncset.done $0x0  }
0x5c: {  	s0 =	sadd.s32 $0xE00, s8;
	[sflag:s19] =	ssyncadd.s32 $0xFFFFF000  }
0x5d: {  	[spmem:s1] =	stream.indirect.scatter.add.f32 [tilespmem:s15], [sflag:$0x5], $0x20, s0, s14, $0xb8;
	[tilespmem:$0x1EA20] =	vst v63  }
0x5e: {  	_ =	swait.ge [sflag:s20], $0x1000  }
0x5f: {  	[sflag:s20] =	ssyncset.done $0x0  }
0x60: {  	s0 =	sadd.s32 $0xE80, s8;
	[sflag:s20] =	ssyncadd.s32 $0xFFFFF000  }
0x61: {  	[spmem:s1] =	stream.indirect.scatter.add.f32 [tilespmem:s16], [sflag:$0x6], $0x20, s0, s14, $0xb8;
	[tilespmem:$0x1EA20] =	vst v63  }
0x62: {  	_ =	swait.ge [sflag:s21], $0x1000  }
0x63: {  	[sflag:s21] =	ssyncset.done $0x0  }
0x64: {  	s0 =	sadd.s32 $0xF00, s8;
	[sflag:s21] =	ssyncadd.s32 $0xFFFFF000  }
0x65: {  	[spmem:s1] =	stream.indirect.scatter.add.f32 [tilespmem:s17], [sflag:$0x7], $0x20, s0, s14, $0xb8;
	[tilespmem:$0x1EA20] =	vst v63  }
0x66: {  	_ =	swait.ge [sflag:s22], $0x1000  }
0x67: {  	[sflag:s22] =	ssyncset.done $0x0  }
0x68: {  	s0 =	sadd.s32 $0xF80, s8;
	[sflag:s22] =	ssyncadd.s32 $0xFFFFF000  }
0x69: {  	[spmem:s1] =	stream.indirect.scatter.add.f32 [tilespmem:s18], [sflag:$0x8], $0x20, s0, s14, $0xb8;
	[tilespmem:$0x1EA20] =	vst v63  }
0x6a: {  	_ =	swait.ge [sflag:s23], $0x1000  }
0x6b: {  	[sflag:s23] =	ssyncset.done $0x0  }
0x6c: {  	[sflag:s23] =	ssyncadd.s32 $0xFFFFF000  }
0x6d: {  	_ =	swait.ge [sflag:s24], $0x1000  }
0x6e: {  	[sflag:s24] =	ssyncset.done $0x0  }
0x6f: {  	[sflag:s24] =	ssyncadd.s32 $0xFFFFF000  }
.Ltmp2:
0x70: {  	_ =	swait.ge [sflag:s25], $0x1000;
	(pc) =	sbr.rel @p0 .LBB2_7-.Ltmp2, $4  }
0x71: {  	[sflag:s25] =	ssyncset.done $0x0  }
0x72: {  	[sflag:s25] =	ssyncadd.s32 $0xFFFFF000  }
0x73: {  	_ =	swait.ge [sflag:s26], $0x1000  }
0x74: {  	s0 =	smov.u32 s2;
	[sflag:s26] =	ssyncset.done $0x0  }
0x75: {  	s0 =	sshra.s32 s31, $0x2;
	[sflag:s26] =	ssyncadd.s32 $0xFFFFF000  }
0x76: {  	[tilespmem:s15], [sflag:$0x1] =	stream.indirect.gather [hbm4b:s4+s14], $0x20, s0, s14, $0xb8;
	[tilespmem:$0x1EA20] =	vst v63  }
0x77: {  	s2 =	sadd.s32 $0x80, s0  }
0x78: {  	[tilespmem:s16], [sflag:$0x2] =	stream.indirect.gather [hbm4b:s4+s14], $0x20, s2, s14, $0xb8;
	[tilespmem:$0x1EA20] =	vst v63  }
0x79: {  	s31 =	sadd.s32 $0x100, s0  }
0x7a: {  	[tilespmem:s17], [sflag:$0x3] =	stream.indirect.gather [hbm4b:s4+s14], $0x20, s31, s14, $0xb8;
	[tilespmem:$0x1EA20] =	vst v63  }
0x7b: {  	s8 =	sadd.s32 $0x180, s0  }
0x7c: {  	[tilespmem:s18], [sflag:$0x4] =	stream.indirect.gather [hbm4b:s4+s14], $0x20, s8, s14, $0xb8;
	[tilespmem:$0x1EA20] =	vst v63  }
0x7d: {  	_ =	swait.ge [sflag:s19], $0x1000  }
0x7e: {  	[sflag:s19] =	ssyncset.done $0x0  }
0x7f: {  	s31 =	sadd.s32 $0xE00, s0;
	[sflag:s19] =	ssyncadd.s32 $0xFFFFF000  }
0x80: {  	[spmem:s1] =	stream.indirect.scatter.add.f32 [tilespmem:s15], [sflag:$0x5], $0x20, s31, s14, $0xb8;
	[tilespmem:$0x1EA20] =	vst v63  }
0x81: {  	_ =	swait.ge [sflag:s20], $0x1000  }
0x82: {  	[sflag:s20] =	ssyncset.done $0x0  }
0x83: {  	s8 =	sadd.s32 $0xE80, s0;
	[sflag:s20] =	ssyncadd.s32 $0xFFFFF000  }
0x84: {  	[spmem:s1] =	stream.indirect.scatter.add.f32 [tilespmem:s16], [sflag:$0x6], $0x20, s8, s14, $0xb8;
	[tilespmem:$0x1EA20] =	vst v63  }
0x85: {  	_ =	swait.ge [sflag:s21], $0x1000  }
0x86: {  	[sflag:s21] =	ssyncset.done $0x0  }
0x87: {  	s31 =	sadd.s32 $0xF00, s0;
	[sflag:s21] =	ssyncadd.s32 $0xFFFFF000  }
0x88: {  	[spmem:s1] =	stream.indirect.scatter.add.f32 [tilespmem:s17], [sflag:$0x7], $0x20, s31, s14, $0xb8;
	[tilespmem:$0x1EA20] =	vst v63  }
0x89: {  	_ =	swait.ge [sflag:s22], $0x1000  }
0x8a: {  	[sflag:s22] =	ssyncset.done $0x0  }
0x8b: {  	s0 =	sadd.s32 $0xF80, s0;
	[sflag:s22] =	ssyncadd.s32 $0xFFFFF000  }
0x8c: {  	[spmem:s1] =	stream.indirect.scatter.add.f32 [tilespmem:s18], [sflag:$0x8], $0x20, s0, s14, $0xb8;
	[tilespmem:$0x1EA20] =	vst v63  }
0x8d: {  	_ =	swait.ge [sflag:s23], $0x1000  }
0x8e: {  	[sflag:s23] =	ssyncset.done $0x0  }
0x8f: {  	[sflag:s23] =	ssyncadd.s32 $0xFFFFF000  }
0x90: {  	_ =	swait.ge [sflag:s24], $0x1000  }
0x91: {  	[sflag:s24] =	ssyncset.done $0x0  }
0x92: {  	s30 =	sadd.s32 $0x1, s30;
	[sflag:s24] =	ssyncadd.s32 $0xFFFFF000  }
0x93: {  	p0 =	sne.s32 s30, $0x7;
	_ =	swait.ge [sflag:s25], $0x1000  }
.Ltmp3:
0x94: {  	[sflag:s25] =	ssyncset.done $0x0;
	(pc) =	sbr.rel @p0 .LBB2_6-.Ltmp3, $4  }
0x95: {  	[sflag:s25] =	ssyncadd.s32 $0xFFFFF000  }
0x96: {  	_ =	swait.ge [sflag:s26], $0x1000  }
0x97: {  	[sflag:s26] =	ssyncset.done $0x0  }
0x98: {  	[sflag:s26] =	ssyncadd.s32 $0xFFFFF000  }
0x99: {  	[bflag:$0x0] =	sbarrier.arrive $0xFFFF  }
0x9a: {  	[tilespmem:s11], [sflag:$0x9] =	stream.linear.gather [spmem:s9], $0x620, $0x38;
	[tilespmem:$0x1EA20] =	vst v63  }
0x9b: {  	_ =	swait.ge [sflag:s12], $0x620  }
0x9c: {  	[sflag:s12] =	ssyncset.done $0x0  }
0x9d: {  	s0 =	sadd.s32 $0x0, s10;
	[sflag:s12] =	ssyncadd.s32 $0xFFFFF9E0  }
0x9e: {  	[hbm4b:s0+s3] =	stream.linear.scatter [tilespmem:s11], [sflag:$0x9], $0x620, $0x38;
	[tilespmem:$0x1EA20] =	vst v63  }
0x9f: {  	_ =	swait.ge [sflag:s12], $0x620  }
0xa0: {  	s29 =	smov.u32 s9;
	s0 =	simm.s32 $0xC4;
	[sflag:s12] =	ssyncset.done $0x0  }
.LBB2_10:
0xa1: {  	p0 =	sne.s32 s0, $0x303C;
	[sflag:s12] =	ssyncadd.s32 $0xFFFFF9E0;
	s29 =	sadd.s32 $0x620, s29  }
0xa2: {  	[tilespmem:s11], [sflag:$0x9] =	stream.linear.gather [spmem:s29], $0x620, $0x38;
	[tilespmem:$0x1EA20] =	vst v63  }
0xa3: {  	s2 =	smov.u32 s0;
	s0 =	sadd.s32 $0xC4, s0;
	_ =	swait.ge [sflag:s12], $0x620  }
.Ltmp4:
0xa4: {  	[sflag:s12] =	ssyncset.done $0x0;
	(pc) =	sbr.rel @p0 .LBB2_10-.Ltmp4, $4  }
0xa5: {  	s2 =	sadd.s32 s2, s10;
	[sflag:s12] =	ssyncadd.s32 $0xFFFFF9E0  }
0xa6: {  	[hbm4b:s2+s3] =	stream.linear.scatter [tilespmem:s11], [sflag:$0x9], $0x620, $0x38;
	[tilespmem:$0x1EA20] =	vst v63  }
0xa7: {  	_ =	swait.ge [sflag:s12], $0x620  }
0xa8: {  	[sflag:s12] =	ssyncset.done $0x0  }
0xa9: {  	s28 =	sadd.s32 $0x1, s28;
	s0 =	rddreg [dreg:$0x3]  }
0xaa: {  	p0 =	sne.s32 s28, s0  }
.Ltmp5:
0xab: {  	_ = 	snop;
	(pc) =	sbr.rel @p0 .LBB2_1-.Ltmp5, $2  }
0xac: {  	_ =	sdelay $0x2  }
0xad: {  	[sflag:s12] =	ssyncadd.s32 $0xFFFFF9E0  }
0xae: {  	_ =	sfence.sel $0x180000  }
0xaf: {  	[bflag:$0x0] =	sbarrier.arrive $0xFFFF  }
0xb0: {  	_ =	strace $0x9000004D  }
0xb1: {  	s0 =	stileid.u32;
	[bflag:$0x2] =	sbarrier.arrive $0xFFFF  }
0xb2: {  	p0 =	sne.s32 s0, $0x0;
	s0 =	rddreg [dreg:$0x2]  }
0xb3: {  	s0 =	sadd.s32 @!p0 $0x100000, s0  }
0xb4: {  	[sflag:s0] =	ssyncadd.tile.s32 @!p0 $0x1;
	_ =	shalt  }
.Lfunc_end2:
_tile_overlayer_lowered:
.L_overlay_start_2:
0xb5: {  	(tag) =	ssettag $0x2  }
0xb6: {  	s0 =	rddreg [dreg:$0x0];
	s2 =	stileid.u32  }
0xb7: {  	s1 =	rddreg [dreg:$0x1];
	p0 =	sne.s32 s2, $0x0  }
0xb8: {  	s3 =	rddreg [dreg:$0x2];
	[bflag:$0x3] =	sbarrier.arrive $0xFFFF;
	s2 =	simm.s32 @!p0 $0x1C09  }
0xb9: {  	[timem:s3], [sflag:s2] =	dma.local @!p0 [hbm:s0], s1  }
0xba: {  	s0 =	simm.s32 @!p0 $0x9  }
0xbb: {  	_ =	swait.ge @!p0 [sflag:s0], s1  }
0xbc: {  	s1 =	ssub.s32 @!p0 $0x0, s1;
	[sflag:s0] =	ssyncset.done @!p0 $0x0  }
0xbd: {  	[sflag:s0] =	ssyncadd.s32 @!p0 s1  }
0xbe: {  	[bflag:$0x3] =	sbarrier.arrive $0xFFFF  }
0xbf: {  	_ =	shalt  }

// kernel: kernel.8.cloned.1.call-start
scs
__scs_entry_jumppad:
0x0: {  	(pc) =	sbr.rel $0x88, $3  }
0x1: {  	(tag) =	ssettag $0x0;
	lr =	simm.s32 $0x1  }
0x2: {  	[smem:$0x3F99] =	sst lr;
	_ =	strace $0xD0000000  }
0x3: {  	_ = 	snop  }
0x4: {  	_ = 	snop  }
0x5: {  	_ = 	snop  }
0x6: {  	_ = 	snop  }
0x7: {  	_ = 	snop  }
__scs_overlays_trampoline_lowered:
0x8: {  	[smem:$0x3FA8] =	sst s0  }
0x9: {  	[smem:$0x3FA9] =	sst s1  }
0xa: {  	[smem:$0x3FAA] =	sst s2  }
0xb: {  	[smem:$0x3FAB] =	sst s3  }
0xc: {  	[smem:$0x3FAC] =	sst s4  }
0xd: {  	[smem:$0x3FAD] =	sst s5  }
0xe: {  	[smem:$0x3FAE] =	sst s6  }
0xf: {  	[smem:$0x3FAF] =	sst s7  }
0x10: {  	[smem:$0x3FB0] =	sst s8  }
0x11: {  	[smem:$0x3FB1] =	sst s9;
	s0 =	simm.s32 @!p0 $0x0  }
0x12: {  	s1 =	sld [smem:$0x3F97];
	s0 =	simm.s32 @p0 $0x1  }
0x13: {  	[smem:$0x3FB2] =	sst s0;
	s0 =	simm.s32 @!p1 $0x0  }
0x14: {  	s2 =	sld [smem:$0x3F96];
	s0 =	simm.s32 @p1 $0x1  }
0x15: {  	[smem:$0x3FB3] =	sst s0;
	s0 =	simm.s32 @!p2 $0x0  }
0x16: {  	s3 =	sld [smem:$0x3FDB];
	s0 =	simm.s32 @p2 $0x1  }
0x17: {  	s4 =	simm.s32 $0x1BF5;
	[smem:$0x3FB5] =	sst s0  }
0x18: {  	s0 =	sld [smem:$0x3F98];
	_ =	swait.ge [sflag:s4], $0x0  }
0x19: {  	s7 =	sld [smem:$0x3F99]  }
0x1a: {  	s8 =	sadd.s32 $0xFFFFE003, lr  }
0x1b: {  	s9 =	sadd.s32 $0xFFFFFEF7, lr;
	s5 =	simm.s32 $0xFFFFFFFF;
	p2 =	slt.u32 s8, $0xFFFFF086  }
0x1c: {  	p1 =	slt.u32 s9, $0xF7A;
	s5 =	simm.s32 @!p2 $0x0  }
0x1d: {  	s5 =	simm.s32 @p1 $0x1;
	p0 =	seq.s32 s7, s2  }
0x1e: {  	s7 =	smul.u32 @!p0 $0xF7A, s2;
	p2 =	seq.s32 @!p0 s5, $0x0  }
0x1f: {  	s9 =	smul.u32 $0xF7A, s1;
	s8 =	simm.s32 @!p0 $0x1BF5;
	p2 =	por !p2, p0  }
0x20: {  	[sflag:s8] =	ssyncset.s32 @!p0 $0xFFFFF086;
	s6 =	sadd.s32 @!p0 s3, s7;
	s7 =	simm.s32 @!p0 $0x108  }
0x21: {  	s3 =	sadd.s32 s3, s9;
	s6 =	sadd.s32 @!p0 $0x88, s6;
	s7 =	simm.s32 @p2 $0x1082  }
0x22: {  	[simem:s7], [sflag:s8] =	dma.local @!p0 [hbm:s6], $0xF7A  }
0x23: {  	s9 =	sor.u32 $0xD0000000, s2;
	s6 =	simm.s32 $0x108;
	_ =	swait.ge @!p0 [sflag:s8], $0x0  }
0x24: {  	s3 =	sadd.s32 $0x88, s3;
	s6 =	simm.s32 @!p1 $0x1082;
	[sflag:s4] =	ssyncset.s32 $0xFFFFF086  }
0x25: {  	[simem:s6], [sflag:s4] =	dma.local [hbm:s3], $0xF7A  }
0x26: {  	[smem:$0x3F99] =	sst s1;
	(tag) =	ssettag s2;
	_ =	strace s9  }
0x27: {  	s1 =	sld [smem:$0x3FA9]  }
0x28: {  	s2 =	sld [smem:$0x3FAA]  }
0x29: {  	s4 =	sld [smem:$0x3FAC]  }
0x2a: {  	p0 =	seq.s32 s5, $0x0;
	s5 =	sld [smem:$0x3FAD]  }
0x2b: {  	s6 =	sld [smem:$0x3FAE]  }
0x2c: {  	s7 =	sld [smem:$0x3FAF]  }
0x2d: {  	s3 =	simm.s32 $0x108;
	s8 =	sld [smem:$0x3FB0]  }
0x2e: {  	s3 =	simm.s32 @!p0 $0x1082;
	s9 =	sld [smem:$0x3FB1]  }
0x2f: {  	lr =	sadd.s32 s0, s3;
	s0 =	sld [smem:$0x3FA8]  }
0x30: {  	s3 =	sld [smem:$0x3FAB]  }
0x31: {  	[smem:$0x3FB4] =	sst s10  }
0x32: {  	s10 =	sld [smem:$0x3FB2];
	_ =	sdelay $0x3  }
0x33: {  	p0 =	seq.s32 s10, $0x1;
	s10 =	sld [smem:$0x3FB4];
	_ =	sdelay $0x3  }
0x34: {  	[smem:$0x3FB4] =	sst s10  }
0x35: {  	s10 =	sld [smem:$0x3FB3];
	_ =	sdelay $0x3  }
0x36: {  	p1 =	seq.s32 s10, $0x1;
	s10 =	sld [smem:$0x3FB4];
	_ =	sdelay $0x3  }
0x37: {  	[smem:$0x3FB4] =	sst s10  }
0x38: {  	s10 =	sld [smem:$0x3FB5]  }
0x39: {  	_ = 	snop;
	(pc) =	sbr.ind lr, $3  }
0x3a: {  	_ = 	snop  }
0x3b: {  	_ = 	snop  }
0x3c: {  	p2 =	seq.s32 s10, $0x1;
	s10 =	sld [smem:$0x3FB4]  }
0x3d: {  	_ =	shalt  }
0x3e: {  	_ =	shalt  }
0x3f: {  	_ =	shalt  }
0x40: {  	_ =	shalt  }
0x41: {  	_ =	shalt  }
0x42: {  	_ =	shalt  }
0x43: {  	_ =	shalt  }
0x44: {  	_ =	shalt  }
0x45: {  	_ =	shalt  }
0x46: {  	_ =	shalt  }
0x47: {  	_ =	shalt  }
0x48: {  	_ =	shalt  }
0x49: {  	_ =	shalt  }
0x4a: {  	_ =	shalt  }
0x4b: {  	_ =	shalt  }
0x4c: {  	_ =	shalt  }
0x4d: {  	_ =	shalt  }
0x4e: {  	_ =	shalt  }
0x4f: {  	_ =	shalt  }
0x50: {  	_ =	shalt  }
0x51: {  	_ =	shalt  }
0x52: {  	_ =	shalt  }
0x53: {  	_ =	shalt  }
0x54: {  	_ =	shalt  }
0x55: {  	_ =	shalt  }
0x56: {  	_ =	shalt  }
0x57: {  	_ =	shalt  }
0x58: {  	_ =	shalt  }
0x59: {  	_ =	shalt  }
0x5a: {  	_ =	shalt  }
0x5b: {  	_ =	shalt  }
0x5c: {  	_ =	shalt  }
0x5d: {  	_ =	shalt  }
0x5e: {  	_ =	shalt  }
0x5f: {  	_ =	shalt  }
0x60: {  	_ =	shalt  }
0x61: {  	_ =	shalt  }
0x62: {  	_ =	shalt  }
0x63: {  	_ =	shalt  }
0x64: {  	_ =	shalt  }
0x65: {  	_ =	shalt  }
0x66: {  	_ =	shalt  }
0x67: {  	_ =	shalt  }
0x68: {  	_ =	shalt  }
0x69: {  	_ =	shalt  }
0x6a: {  	_ =	shalt  }
0x6b: {  	_ =	shalt  }
0x6c: {  	_ =	shalt  }
0x6d: {  	_ =	shalt  }
0x6e: {  	_ =	shalt  }
0x6f: {  	_ =	shalt  }
0x70: {  	_ =	shalt  }
0x71: {  	_ =	shalt  }
0x72: {  	_ =	shalt  }
0x73: {  	_ =	shalt  }
0x74: {  	_ =	shalt  }
0x75: {  	_ =	shalt  }
0x76: {  	_ =	shalt  }
0x77: {  	_ =	shalt  }
0x78: {  	_ =	shalt  }
0x79: {  	_ =	shalt  }
0x7a: {  	_ =	shalt  }
0x7b: {  	_ =	shalt  }
0x7c: {  	_ =	shalt  }
0x7d: {  	_ =	shalt  }
0x7e: {  	_ =	shalt  }
0x7f: {  	_ =	shalt  }
0x80: {  	_ =	shalt  }
0x81: {  	_ =	shalt  }
0x82: {  	_ =	shalt  }
0x83: {  	_ =	shalt  }
0x84: {  	_ =	shalt  }
0x85: {  	_ =	shalt  }
0x86: {  	_ =	shalt  }
0x87: {  	_ =	shalt  }
.Lfunc_end0:
.L_simem_size_0:
called_computation_lowered:
.L_overlay_start_0:
0x88: {  	s2 =	sld [smem:$0x3FD9]  }
0x89: {  	s3 =	sld [smem:$0x3FFE];
	_ =	sdelay $0x1  }
0x8a: {  	s1 =	srdreg.scid  }
0x8b: {  	s0 =	sand.u32 $0x1, s1  }
0x8c: {  	s16 =	sshll.u32 s0, $0xA;
	s2 =	sadd.s32 s3, s2  }
0x8d: {  	s2 =	sadd.s32 s2, s16  }
0x8e: {  	[smem:$0x3FC0] =	sst s2  }
0x8f: {  	_ = 	snop  }
0x90: {  	(tm) =	ssettm $0x1  }
0x91: {  	s17 =	sld [smem:$0x3FFB];
	_ =	sdelay $0x3  }
0x92: {  	_ =	strace s17  }
0x93: {  	s2 =	sld [smem:$0x3FFC];
	_ =	sdelay $0x3  }
0x94: {  	_ =	strace s2  }
0x95: {  	s2 =	sld [smem:$0x3FFD];
	_ =	sdelay $0x3  }
0x96: {  	_ =	strace s2  }
0x97: {  	_ =	strace $0x8FFFFFFF  }
0x98: {  	s18 =	sld [smem:$0x3FDB];
	_ =	sdelay $0x1  }
0x99: {  	s19 =	simm.s32 $_scs_section_size  }
0x9a: {  	s4 =	simm.s32 $_size__tile_overlayer_lowered;
	s5 =	simm.s32 $_tile_overlayer_lowered  }
0x9b: {  	s22 =	simm.s32 $0x1BFF;
	s21 =	sshll.u32 s5, $0x1;
	s2 =	sadd.s32 s19, s18  }
0x9c: {  	s6 =	simm.s32 $0x0;
	s20 =	sshll.u32 s4, $0x1;
	s4 =	sadd.s32 s21, s2  }
0x9d: {  	[timem:s6], [sflag:s22] =	dma.local [hbm:s4], s20  }
0x9e: {  	_ =	swait.ge [sflag:s22], s20  }
0x9f: {  	s3 =	ssub.s32 $0x0, s20;
	[sflag:s22] =	ssyncset.done $0x0  }
0xa0: {  	[sflag:s22] =	ssyncadd.s32 s3;
	_ =	sdelay $0x1  }
0xa1: {  	s23 =	simm.s32 $0x1B8B  }
0xa2: {  	_ =	swait.ge [sflag:s23], $0x1  }
0xa3: {  	[sflag:s23] =	ssyncset.done $0x0  }
0xa4: {  	s25 =	simm.s32 $0x1B8E;
	s24 =	sld [smem:$0x3FFE];
	[sflag:s23] =	ssyncadd.s32 $0xFFFFFFFF  }
0xa5: {  	s26 =	simm.s32 $execute0_lowered;
	[smem:$0x3FD2] =	sst s25  }
0xa6: {  	s4 =	sshll.u32 s26, $0x1;
	_ =	strace $0x80000046;
	[dreg:$0x1] =	wrdreg $0xFFFFFFFF  }
0xa7: {  	s28 =	simm.s32 $_size_execute0_lowered;
	s2 =	sadd.s32 s2, s4;
	[dreg:$0x0] =	wrdreg $0x0  }
0xa8: {  	s4 =	sshll.u32 s28, $0x1;
	[dreg:$0x2] =	wrdreg s2  }
0xa9: {  	[dreg:$0x3] =	wrdreg s4  }
0xaa: {  	[dreg:$0x4] =	wrdreg $0xC0  }
0xab: {  	_ =	task [dreg:s6], $0x5FFFF  }
0xac: {  	[dreg:$0x1] =	wrdreg $0xFFFFFFFF  }
0xad: {  	[dreg:$0x0] =	wrdreg $0x60  }
0xae: {  	[dreg:$0x2] =	wrdreg s24  }
0xaf: {  	[dreg:$0x3] =	wrdreg $0x1AC00  }
0xb0: {  	[dreg:$0x4] =	wrdreg $0x9  }
0xb1: {  	_ =	task.clear_ibuf [dreg:s6], $0x5FFFF;
	_ =	strace $0x90000046  }
0xb2: {  	s29 =	simm.s32 $0x9;
	_ =	strace $0x80000048  }
0xb3: {  	_ =	swait.ge [sflag:s29], $0x1  }
0xb4: {  	[sflag:s29] =	ssyncadd.s32 $0xFFFFFFFF  }
0xb5: {  	_ =	strace $0x90000048  }
0xb6: {  	_ =	sfence  }
0xb7: {  	s30 =	sld [smem:$0x0];
	_ =	sdelay $0x2  }
0xb8: {  	s31 =	sshll.u32 s1, $0xD;
	s1 =	sshrl.u32 s1, $0x2  }
0xb9: {  	s3 =	sand.u32 $0x4000, s31;
	s1 =	sadd.s32 s1, s30  }
0xba: {  	s0 =	sor.u32 s3, s0;
	s1 =	sshll.u32 s1, $0x11  }
0xbb: {  	s0 =	sor.u32 s1, s0  }
0xbc: {  	s0 =	sadd.s32 $0x8F2B, s0  }
0xbd: {  	[sflag:s0] =	ssyncadd.remote.s32 $0x1  }
0xbe: {  	_ =	sfence.sel $0xFFFF  }
0xbf: {  	[dreg:$0x0] =	wrdreg $0xFFFFFFFF;
	(pc) =	sbr.abs _section_cstart, $3  }
0xc0: {  	[dreg:$0x1] =	wrdreg $0xFFFFFFFF  }
0xc1: {  	_ =	task.clear_ibuf [dreg:s6], $0x2FFFF;
	_ =	strace $0x9FFFFFFF  }
0xc2: {  	(tm) =	ssettm $0x7FFFFFFF  }
0xc3: {  	_ =	shalt  }
tec
execute0_lowered:
.L_overlay_start_1:
0x0: {  	(tag) =	ssettag $0x1  }
0x1: {  	s0 =	srdreg.scid;
	s4 =	rddreg [dreg:$0x0]  }
0x2: {  	s3 =	stileid.u32;
	s2 =	rddreg [dreg:$0x1]  }
0x3: {  	s15 =	simm.s32 $0xE80;
	s8 =	simm.s32 $0x5;
	s20 =	simm.s32 $0x100  }
0x4: {  	s9 =	simm.s32 $0x80;
	s21 =	simm.s32 $0x180;
	s10 =	simm.s32 $0xE00  }
0x5: {  	s22 =	simm.s32 $0x200;
	s11 =	simm.s32 $0x1;
	s23 =	simm.s32 $0x280  }
0x6: {  	s12 =	simm.s32 $0x2;
	s24 =	simm.s32 $0x300;
	s5 =	smul.u32 $0x6200, s3  }
0x7: {  	s13 =	simm.s32 $0x3;
	s6 =	smul.u32 $0xC40, s3;
	s3 =	simm.s32 $0x0  }
0x8: {  	s25 =	simm.s32 $0x380;
	s14 =	simm.s32 $0x4;
	[smem:$0x7FF] =	sst s3  }
0x9: {  	s26 =	simm.s32 $0x400;
	_ =	strace $0x80000047;
	[dreg:$0x4] =	wrdreg s20  }
0xa: {  	s16 =	simm.s32 $0x500;
	s17 =	simm.s32 $0x580;
	[dreg:$0x5] =	wrdreg s21  }
0xb: {  	s28 =	simm.s32 $0xA80;
	s29 =	simm.s32 $0xB00;
	[dreg:$0x6] =	wrdreg s22  }
0xc: {  	s30 =	simm.s32 $0xB80;
	s0 =	sand.u32 $0x1, s0;
	[dreg:$0x7] =	wrdreg s23  }
0xd: {  	s31 =	simm.s32 $0xC00;
	s1 =	smul.u32 $0x62000, s0;
	[dreg:$0x8] =	wrdreg s24  }
0xe: {  	s7 =	smul.u32 $0xC400, s0;
	s0 =	ssub.s32 $0x2, s0;
	[dreg:$0x9] =	wrdreg s25  }
0xf: {  	s19 =	sshrl.u32 s0, $0x1;
	[dreg:$0xa] =	wrdreg s26;
	s20 =	simm.s32 $0x700  }
0x10: {  	s21 =	simm.s32 $0x780;
	s22 =	simm.s32 $0x800;
	s23 =	simm.s32 $0x880  }
0x11: {  	s24 =	simm.s32 $0x900;
	s25 =	simm.s32 $0x980;
	s26 =	simm.s32 $0xA00  }
0x12: {  	s1 =	sadd.s32 s5, s1;
	s18 =	sadd.s32 s6, s7;
	s0 =	ssub.s32 s0, s19  }
0x13: {  	s7 =	sadd.s32 s6, s2;
	s19 =	simm.s32 $0x680;
	s6 =	simm.s32 $0x0  }
0x14: {  	s1 =	sshrl.u32 s1, $0x3;
	s5 =	sshrl.u32 s18, $0x3;
	s0 =	smax.u32 s0, $0x1  }
0x15: {  	[dreg:$0xb] =	wrdreg s7;
	s1 =	sadd.s32 s1, s4;
	s4 =	sadd.s32 s5, s4  }
0x16: {  	s18 =	simm.s32 $0x600;
	[dreg:$0xd] =	wrdreg s0;
	s4 =	sadd.s32 $0x1C200, s4  }
0x17: {  	s0 =	simm.s32 $0xD00;
	s1 =	sadd.s32 $0x3A00, s1;
	[dreg:$0xc] =	wrdreg s4  }
0x18: {  	v0 =	vimm.f32 $1.000000000e+00;
	v1 =	vimm.f32 $0.0e+00;
	s5 =	simm.s32 $0xD80;
	[dreg:$0x3] =	wrdreg s1;
	s1 =	simm.s32 $0xC80  }
.LBB2_1:
0x19: {  	[tilespmem:$0xE00] =	vst v0  }
0x1a: {  	[tilespmem:$0xE10] =	vst v0  }
0x1b: {  	[tilespmem:$0xE20] =	vst v0  }
0x1c: {  	[tilespmem:$0xE30] =	vst v0  }
0x1d: {  	[tilespmem:$0xE40] =	vst v0  }
0x1e: {  	[tilespmem:$0xE50] =	vst v0  }
0x1f: {  	[tilespmem:$0xE60] =	vst v0  }
0x20: {  	[dreg:$0xe] =	wrdreg s6;
	[tilespmem:$0xE70] =	vst v0;
	s4 =	simm.s32 $0x40;
	s6 =	simm.s32 $0x0  }
.LBB2_2:
0x21: {  	p0 =	sne.s32 s4, $0x30C0;
	[tilespmem:s6+$0xE80] =	vst v1;
	s6 =	smov.u32 s4;
	s4 =	sadd.s32 $0x40, s4  }
.Ltmp0:
0x22: {  	(pc) =	sbr.rel @p0 .LBB2_2-.Ltmp0, $2  }
0x23: {  	_ =	sdelay $0x2  }
0x24: {  	s6 =	sshra.s32 s6, $0x2  }
0x25: {  	[tilespmem:s6+$0xE80] =	vst v1  }
0x26: {  	[spmem:s7] =	stream.linear.scatter [tilespmem:s15], [sflag:$0x5], $0xC40, $0x38;
	[tilespmem:$0x2700] =	vst v63  }
0x27: {  	_ =	swait.ge [sflag:s8], $0xC40  }
0x28: {  	[sflag:s8] =	ssyncset.done $0x0  }
0x29: {  	[sflag:s8] =	ssyncadd.s32 $0xFFFFF3C0  }
0x2a: {  	[bflag:$0x0] =	sbarrier.arrive $0xFFFF  }
0x2b: {  	s4 =	rddreg [dreg:$0x3]  }
0x2c: {  	s4 =	sadd.s32 $0x0, s4  }
0x2d: {  	[tilespmem:s3], [sflag:$0x5] =	stream.linear.gather [hbm4b:s4+s3], $0xE00, $0x38;
	[tilespmem:$0x2700] =	vst v63  }
0x2e: {  	_ =	swait.ge [sflag:s8], $0xE00  }
0x2f: {  	[sflag:s8] =	ssyncset.done $0x0  }
0x30: {  	[sflag:s8] =	ssyncadd.s32 $0xFFFFF200  }
0x31: {  	[spmem:s2] =	stream.indirect.scatter.add.f32 [tilespmem:s10], [sflag:$0x1], $0x1, s3, s9, $0xb8;
	[tilespmem:$0x2700] =	vst v63  }
0x32: {  	_ = 	snop  }
0x33: {  	[spmem:s2] =	stream.indirect.scatter.add.f32 [tilespmem:s10], [sflag:$0x2], $0x1, s9, s9, $0xb8;
	[tilespmem:$0x2700] =	vst v63  }
0x34: {  	s7 =	rddreg [dreg:$0x4]  }
0x35: {  	[spmem:s2] =	stream.indirect.scatter.add.f32 [tilespmem:s10], [sflag:$0x3], $0x1, s7, s9, $0xb8;
	[tilespmem:$0x2700] =	vst v63  }
0x36: {  	s15 =	rddreg [dreg:$0x5]  }
0x37: {  	[spmem:s2] =	stream.indirect.scatter.add.f32 [tilespmem:s10], [sflag:$0x4], $0x1, s15, s9, $0xb8;
	[tilespmem:$0x2700] =	vst v63  }
0x38: {  	_ =	swait.ge [sflag:s11], $0x80  }
0x39: {  	[sflag:s11] =	ssyncset.done $0x0  }
0x3a: {  	[sflag:s11] =	ssyncadd.s32 $0xFFFFFF80  }
0x3b: {  	_ =	swait.ge [sflag:s12], $0x80  }
0x3c: {  	[sflag:s12] =	ssyncset.done $0x0  }
0x3d: {  	[sflag:s12] =	ssyncadd.s32 $0xFFFFFF80  }
0x3e: {  	_ =	swait.ge [sflag:s13], $0x80  }
0x3f: {  	[sflag:s13] =	ssyncset.done $0x0  }
0x40: {  	[sflag:s13] =	ssyncadd.s32 $0xFFFFFF80  }
0x41: {  	_ =	swait.ge [sflag:s14], $0x80  }
0x42: {  	[sflag:s14] =	ssyncset.done $0x0  }
0x43: {  	s7 =	rddreg [dreg:$0x6];
	[sflag:s14] =	ssyncadd.s32 $0xFFFFFF80  }
0x44: {  	[spmem:s2] =	stream.indirect.scatter.add.f32 [tilespmem:s10], [sflag:$0x1], $0x1, s7, s9, $0xb8;
	[tilespmem:$0x2700] =	vst v63  }
0x45: {  	s15 =	rddreg [dreg:$0x7]  }
0x46: {  	[spmem:s2] =	stream.indirect.scatter.add.f32 [tilespmem:s10], [sflag:$0x2], $0x1, s15, s9, $0xb8;
	[tilespmem:$0x2700] =	vst v63  }
0x47: {  	s7 =	rddreg [dreg:$0x8]  }
0x48: {  	[spmem:s2] =	stream.indirect.scatter.add.f32 [tilespmem:s10], [sflag:$0x3], $0x1, s7, s9, $0xb8;
	[tilespmem:$0x2700] =	vst v63  }
0x49: {  	s15 =	rddreg [dreg:$0x9]  }
0x4a: {  	[spmem:s2] =	stream.indirect.scatter.add.f32 [tilespmem:s10], [sflag:$0x4], $0x1, s15, s9, $0xb8;
	[tilespmem:$0x2700] =	vst v63  }
0x4b: {  	_ =	swait.ge [sflag:s11], $0x80  }
0x4c: {  	[sflag:s11] =	ssyncset.done $0x0  }
0x4d: {  	[sflag:s11] =	ssyncadd.s32 $0xFFFFFF80  }
0x4e: {  	_ =	swait.ge [sflag:s12], $0x80  }
0x4f: {  	[sflag:s12] =	ssyncset.done $0x0  }
0x50: {  	[sflag:s12] =	ssyncadd.s32 $0xFFFFFF80  }
0x51: {  	_ =	swait.ge [sflag:s13], $0x80  }
0x52: {  	[sflag:s13] =	ssyncset.done $0x0  }
0x53: {  	[sflag:s13] =	ssyncadd.s32 $0xFFFFFF80  }
0x54: {  	_ =	swait.ge [sflag:s14], $0x80  }
0x55: {  	[sflag:s14] =	ssyncset.done $0x0  }
0x56: {  	s7 =	rddreg [dreg:$0xa];
	[sflag:s14] =	ssyncadd.s32 $0xFFFFFF80  }
0x57: {  	[spmem:s2] =	stream.indirect.scatter.add.f32 [tilespmem:s10], [sflag:$0x1], $0x1, s7, s9, $0xb8;
	[tilespmem:$0x2700] =	vst v63  }
0x58: {  	s15 =	simm.s32 $0x480  }
0x59: {  	[spmem:s2] =	stream.indirect.scatter.add.f32 [tilespmem:s10], [sflag:$0x2], $0x1, s15, s9, $0xb8;
	[tilespmem:$0x2700] =	vst v63  }
0x5a: {  	_ = 	snop  }
0x5b: {  	[spmem:s2] =	stream.indirect.scatter.add.f32 [tilespmem:s10], [sflag:$0x3], $0x1, s16, s9, $0xb8;
	[tilespmem:$0x2700] =	vst v63  }
0x5c: {  	_ = 	snop  }
0x5d: {  	[spmem:s2] =	stream.indirect.scatter.add.f32 [tilespmem:s10], [sflag:$0x4], $0x1, s17, s9, $0xb8;
	[tilespmem:$0x2700] =	vst v63  }
0x5e: {  	_ =	swait.ge [sflag:s11], $0x80  }
0x5f: {  	[sflag:s11] =	ssyncset.done $0x0  }
0x60: {  	[sflag:s11] =	ssyncadd.s32 $0xFFFFFF80  }
0x61: {  	_ =	swait.ge [sflag:s12], $0x80  }
0x62: {  	[sflag:s12] =	ssyncset.done $0x0  }
0x63: {  	[sflag:s12] =	ssyncadd.s32 $0xFFFFFF80  }
0x64: {  	_ =	swait.ge [sflag:s13], $0x80  }
0x65: {  	[sflag:s13] =	ssyncset.done $0x0  }
0x66: {  	[sflag:s13] =	ssyncadd.s32 $0xFFFFFF80  }
0x67: {  	_ =	swait.ge [sflag:s14], $0x80  }
0x68: {  	[sflag:s14] =	ssyncset.done $0x0  }
0x69: {  	[sflag:s14] =	ssyncadd.s32 $0xFFFFFF80  }
0x6a: {  	[spmem:s2] =	stream.indirect.scatter.add.f32 [tilespmem:s10], [sflag:$0x1], $0x1, s18, s9, $0xb8;
	[tilespmem:$0x2700] =	vst v63  }
0x6b: {  	_ = 	snop  }
0x6c: {  	[spmem:s2] =	stream.indirect.scatter.add.f32 [tilespmem:s10], [sflag:$0x2], $0x1, s19, s9, $0xb8;
	[tilespmem:$0x2700] =	vst v63  }
0x6d: {  	_ = 	snop  }
0x6e: {  	[spmem:s2] =	stream.indirect.scatter.add.f32 [tilespmem:s10], [sflag:$0x3], $0x1, s20, s9, $0xb8;
	[tilespmem:$0x2700] =	vst v63  }
0x6f: {  	_ = 	snop  }
0x70: {  	[spmem:s2] =	stream.indirect.scatter.add.f32 [tilespmem:s10], [sflag:$0x4], $0x1, s21, s9, $0xb8;
	[tilespmem:$0x2700] =	vst v63  }
0x71: {  	_ =	swait.ge [sflag:s11], $0x80  }
0x72: {  	[sflag:s11] =	ssyncset.done $0x0  }
0x73: {  	[sflag:s11] =	ssyncadd.s32 $0xFFFFFF80  }
0x74: {  	_ =	swait.ge [sflag:s12], $0x80  }
0x75: {  	[sflag:s12] =	ssyncset.done $0x0  }
0x76: {  	[sflag:s12] =	ssyncadd.s32 $0xFFFFFF80  }
0x77: {  	_ =	swait.ge [sflag:s13], $0x80  }
0x78: {  	[sflag:s13] =	ssyncset.done $0x0  }
0x79: {  	[sflag:s13] =	ssyncadd.s32 $0xFFFFFF80  }
0x7a: {  	_ =	swait.ge [sflag:s14], $0x80  }
0x7b: {  	[sflag:s14] =	ssyncset.done $0x0  }
0x7c: {  	[sflag:s14] =	ssyncadd.s32 $0xFFFFFF80  }
0x7d: {  	[spmem:s2] =	stream.indirect.scatter.add.f32 [tilespmem:s10], [sflag:$0x1], $0x1, s22, s9, $0xb8;
	[tilespmem:$0x2700] =	vst v63  }
0x7e: {  	_ = 	snop  }
0x7f: {  	[spmem:s2] =	stream.indirect.scatter.add.f32 [tilespmem:s10], [sflag:$0x2], $0x1, s23, s9, $0xb8;
	[tilespmem:$0x2700] =	vst v63  }
0x80: {  	_ = 	snop  }
0x81: {  	[spmem:s2] =	stream.indirect.scatter.add.f32 [tilespmem:s10], [sflag:$0x3], $0x1, s24, s9, $0xb8;
	[tilespmem:$0x2700] =	vst v63  }
0x82: {  	_ = 	snop  }
0x83: {  	[spmem:s2] =	stream.indirect.scatter.add.f32 [tilespmem:s10], [sflag:$0x4], $0x1, s25, s9, $0xb8;
	[tilespmem:$0x2700] =	vst v63  }
0x84: {  	_ =	swait.ge [sflag:s11], $0x80  }
0x85: {  	[sflag:s11] =	ssyncset.done $0x0  }
0x86: {  	[sflag:s11] =	ssyncadd.s32 $0xFFFFFF80  }
0x87: {  	_ =	swait.ge [sflag:s12], $0x80  }
0x88: {  	[sflag:s12] =	ssyncset.done $0x0  }
0x89: {  	[sflag:s12] =	ssyncadd.s32 $0xFFFFFF80  }
0x8a: {  	_ =	swait.ge [sflag:s13], $0x80  }
0x8b: {  	[sflag:s13] =	ssyncset.done $0x0  }
0x8c: {  	[sflag:s13] =	ssyncadd.s32 $0xFFFFFF80  }
0x8d: {  	_ =	swait.ge [sflag:s14], $0x80  }
0x8e: {  	[sflag:s14] =	ssyncset.done $0x0  }
0x8f: {  	[sflag:s14] =	ssyncadd.s32 $0xFFFFFF80  }
0x90: {  	[spmem:s2] =	stream.indirect.scatter.add.f32 [tilespmem:s10], [sflag:$0x1], $0x1, s26, s9, $0xb8;
	[tilespmem:$0x2700] =	vst v63  }
0x91: {  	_ = 	snop  }
0x92: {  	[spmem:s2] =	stream.indirect.scatter.add.f32 [tilespmem:s10], [sflag:$0x2], $0x1, s28, s9, $0xb8;
	[tilespmem:$0x2700] =	vst v63  }
0x93: {  	_ = 	snop  }
0x94: {  	[spmem:s2] =	stream.indirect.scatter.add.f32 [tilespmem:s10], [sflag:$0x3], $0x1, s29, s9, $0xb8;
	[tilespmem:$0x2700] =	vst v63  }
0x95: {  	_ = 	snop  }
0x96: {  	[spmem:s2] =	stream.indirect.scatter.add.f32 [tilespmem:s10], [sflag:$0x4], $0x1, s30, s9, $0xb8;
	[tilespmem:$0x2700] =	vst v63  }
0x97: {  	_ =	swait.ge [sflag:s11], $0x80  }
0x98: {  	[sflag:s11] =	ssyncset.done $0x0  }
0x99: {  	[sflag:s11] =	ssyncadd.s32 $0xFFFFFF80  }
0x9a: {  	_ =	swait.ge [sflag:s12], $0x80  }
0x9b: {  	[sflag:s12] =	ssyncset.done $0x0  }
0x9c: {  	[sflag:s12] =	ssyncadd.s32 $0xFFFFFF80  }
0x9d: {  	_ =	swait.ge [sflag:s13], $0x80  }
0x9e: {  	[sflag:s13] =	ssyncset.done $0x0  }
0x9f: {  	[sflag:s13] =	ssyncadd.s32 $0xFFFFFF80  }
0xa0: {  	_ =	swait.ge [sflag:s14], $0x80  }
0xa1: {  	[sflag:s14] =	ssyncset.done $0x0  }
0xa2: {  	[sflag:s14] =	ssyncadd.s32 $0xFFFFFF80  }
0xa3: {  	[spmem:s2] =	stream.indirect.scatter.add.f32 [tilespmem:s10], [sflag:$0x1], $0x1, s31, s9, $0xb8;
	[tilespmem:$0x2700] =	vst v63  }
0xa4: {  	_ = 	snop  }
0xa5: {  	[spmem:s2] =	stream.indirect.scatter.add.f32 [tilespmem:s10], [sflag:$0x2], $0x1, s1, s9, $0xb8;
	[tilespmem:$0x2700] =	vst v63  }
0xa6: {  	_ = 	snop  }
0xa7: {  	[spmem:s2] =	stream.indirect.scatter.add.f32 [tilespmem:s10], [sflag:$0x3], $0x1, s0, s9, $0xb8;
	[tilespmem:$0x2700] =	vst v63  }
0xa8: {  	_ = 	snop  }
0xa9: {  	[spmem:s2] =	stream.indirect.scatter.add.f32 [tilespmem:s10], [sflag:$0x4], $0x1, s5, s9, $0xb8;
	[tilespmem:$0x2700] =	vst v63  }
0xaa: {  	_ =	swait.ge [sflag:s11], $0x80  }
0xab: {  	[sflag:s11] =	ssyncset.done $0x0  }
0xac: {  	[sflag:s11] =	ssyncadd.s32 $0xFFFFFF80  }
0xad: {  	_ =	swait.ge [sflag:s12], $0x80  }
0xae: {  	[sflag:s12] =	ssyncset.done $0x0  }
0xaf: {  	[sflag:s12] =	ssyncadd.s32 $0xFFFFFF80  }
0xb0: {  	_ =	swait.ge [sflag:s13], $0x80  }
0xb1: {  	[sflag:s13] =	ssyncset.done $0x0  }
0xb2: {  	[sflag:s13] =	ssyncadd.s32 $0xFFFFFF80  }
0xb3: {  	s4 =	simm.s32 $0x380;
	_ =	swait.ge [sflag:s14], $0x80  }
0xb4: {  	s7 =	simm.s32 $0x1C0;
	s6 =	rddreg [dreg:$0x3];
	[sflag:s14] =	ssyncset.done $0x0  }
.LBB2_4:
0xb5: {  	[sflag:s14] =	ssyncadd.s32 $0xFFFFFF80;
	s6 =	sadd.s32 s7, s6  }
0xb6: {  	[tilespmem:s3], [sflag:$0x5] =	stream.linear.gather [hbm4b:s6+s3], $0xE00, $0x38;
	[tilespmem:$0x2700] =	vst v63  }
0xb7: {  	_ =	swait.ge [sflag:s8], $0xE00  }
0xb8: {  	[sflag:s8] =	ssyncset.done $0x0  }
0xb9: {  	[sflag:s8] =	ssyncadd.s32 $0xFFFFF200  }
0xba: {  	[spmem:s2] =	stream.indirect.scatter.add.f32 [tilespmem:s10], [sflag:$0x1], $0x1, s3, s9, $0xb8;
	[tilespmem:$0x2700] =	vst v63  }
0xbb: {  	_ = 	snop  }
0xbc: {  	[spmem:s2] =	stream.indirect.scatter.add.f32 [tilespmem:s10], [sflag:$0x2], $0x1, s9, s9, $0xb8;
	[tilespmem:$0x2700] =	vst v63  }
0xbd: {  	s15 =	smov.u32 s4;
	s6 =	rddreg [dreg:$0x4]  }
0xbe: {  	[spmem:s2] =	stream.indirect.scatter.add.f32 [tilespmem:s10], [sflag:$0x3], $0x1, s6, s9, $0xb8;
	[tilespmem:$0x2700] =	vst v63  }
0xbf: {  	s7 =	smov.u32 s15;
	s15 =	rddreg [dreg:$0x5]  }
0xc0: {  	[spmem:s2] =	stream.indirect.scatter.add.f32 [tilespmem:s10], [sflag:$0x4], $0x1, s15, s9, $0xb8;
	[tilespmem:$0x2700] =	vst v63  }
0xc1: {  	_ =	swait.ge [sflag:s11], $0x80  }
0xc2: {  	[sflag:s11] =	ssyncset.done $0x0  }
0xc3: {  	[sflag:s11] =	ssyncadd.s32 $0xFFFFFF80  }
0xc4: {  	_ =	swait.ge [sflag:s12], $0x80  }
0xc5: {  	[sflag:s12] =	ssyncset.done $0x0  }
0xc6: {  	[sflag:s12] =	ssyncadd.s32 $0xFFFFFF80  }
0xc7: {  	_ =	swait.ge [sflag:s13], $0x80  }
0xc8: {  	[sflag:s13] =	ssyncset.done $0x0  }
0xc9: {  	[sflag:s13] =	ssyncadd.s32 $0xFFFFFF80  }
0xca: {  	_ =	swait.ge [sflag:s14], $0x80  }
0xcb: {  	[sflag:s14] =	ssyncset.done $0x0  }
0xcc: {  	s6 =	rddreg [dreg:$0x6];
	[sflag:s14] =	ssyncadd.s32 $0xFFFFFF80  }
0xcd: {  	[spmem:s2] =	stream.indirect.scatter.add.f32 [tilespmem:s10], [sflag:$0x1], $0x1, s6, s9, $0xb8;
	[tilespmem:$0x2700] =	vst v63  }
0xce: {  	s15 =	rddreg [dreg:$0x7]  }
0xcf: {  	[spmem:s2] =	stream.indirect.scatter.add.f32 [tilespmem:s10], [sflag:$0x2], $0x1, s15, s9, $0xb8;
	[tilespmem:$0x2700] =	vst v63  }
0xd0: {  	s6 =	rddreg [dreg:$0x8]  }
0xd1: {  	[spmem:s2] =	stream.indirect.scatter.add.f32 [tilespmem:s10], [sflag:$0x3], $0x1, s6, s9, $0xb8;
	[tilespmem:$0x2700] =	vst v63  }
0xd2: {  	s15 =	rddreg [dreg:$0x9]  }
0xd3: {  	[spmem:s2] =	stream.indirect.scatter.add.f32 [tilespmem:s10], [sflag:$0x4], $0x1, s15, s9, $0xb8;
	[tilespmem:$0x2700] =	vst v63  }
0xd4: {  	_ =	swait.ge [sflag:s11], $0x80  }
0xd5: {  	[sflag:s11] =	ssyncset.done $0x0  }
0xd6: {  	[sflag:s11] =	ssyncadd.s32 $0xFFFFFF80  }
0xd7: {  	_ =	swait.ge [sflag:s12], $0x80  }
0xd8: {  	[sflag:s12] =	ssyncset.done $0x0  }
0xd9: {  	[sflag:s12] =	ssyncadd.s32 $0xFFFFFF80  }
0xda: {  	_ =	swait.ge [sflag:s13], $0x80  }
0xdb: {  	[sflag:s13] =	ssyncset.done $0x0  }
0xdc: {  	[sflag:s13] =	ssyncadd.s32 $0xFFFFFF80  }
0xdd: {  	_ =	swait.ge [sflag:s14], $0x80  }
0xde: {  	[sflag:s14] =	ssyncset.done $0x0  }
0xdf: {  	s6 =	rddreg [dreg:$0xa];
	[sflag:s14] =	ssyncadd.s32 $0xFFFFFF80  }
0xe0: {  	[spmem:s2] =	stream.indirect.scatter.add.f32 [tilespmem:s10], [sflag:$0x1], $0x1, s6, s9, $0xb8;
	[tilespmem:$0x2700] =	vst v63  }
0xe1: {  	s15 =	simm.s32 $0x480  }
0xe2: {  	[spmem:s2] =	stream.indirect.scatter.add.f32 [tilespmem:s10], [sflag:$0x2], $0x1, s15, s9, $0xb8;
	[tilespmem:$0x2700] =	vst v63  }
0xe3: {  	_ = 	snop  }
0xe4: {  	[spmem:s2] =	stream.indirect.scatter.add.f32 [tilespmem:s10], [sflag:$0x3], $0x1, s16, s9, $0xb8;
	[tilespmem:$0x2700] =	vst v63  }
0xe5: {  	_ = 	snop  }
0xe6: {  	[spmem:s2] =	stream.indirect.scatter.add.f32 [tilespmem:s10], [sflag:$0x4], $0x1, s17, s9, $0xb8;
	[tilespmem:$0x2700] =	vst v63  }
0xe7: {  	_ =	swait.ge [sflag:s11], $0x80  }
0xe8: {  	[sflag:s11] =	ssyncset.done $0x0  }
0xe9: {  	[sflag:s11] =	ssyncadd.s32 $0xFFFFFF80  }
0xea: {  	_ =	swait.ge [sflag:s12], $0x80  }
0xeb: {  	[sflag:s12] =	ssyncset.done $0x0  }
0xec: {  	[sflag:s12] =	ssyncadd.s32 $0xFFFFFF80  }
0xed: {  	_ =	swait.ge [sflag:s13], $0x80  }
0xee: {  	[sflag:s13] =	ssyncset.done $0x0  }
0xef: {  	[sflag:s13] =	ssyncadd.s32 $0xFFFFFF80  }
0xf0: {  	_ =	swait.ge [sflag:s14], $0x80  }
0xf1: {  	[sflag:s14] =	ssyncset.done $0x0  }
0xf2: {  	[sflag:s14] =	ssyncadd.s32 $0xFFFFFF80  }
0xf3: {  	[spmem:s2] =	stream.indirect.scatter.add.f32 [tilespmem:s10], [sflag:$0x1], $0x1, s18, s9, $0xb8;
	[tilespmem:$0x2700] =	vst v63  }
0xf4: {  	_ = 	snop  }
0xf5: {  	[spmem:s2] =	stream.indirect.scatter.add.f32 [tilespmem:s10], [sflag:$0x2], $0x1, s19, s9, $0xb8;
	[tilespmem:$0x2700] =	vst v63  }
0xf6: {  	_ = 	snop  }
0xf7: {  	[spmem:s2] =	stream.indirect.scatter.add.f32 [tilespmem:s10], [sflag:$0x3], $0x1, s20, s9, $0xb8;
	[tilespmem:$0x2700] =	vst v63  }
0xf8: {  	_ = 	snop  }
0xf9: {  	[spmem:s2] =	stream.indirect.scatter.add.f32 [tilespmem:s10], [sflag:$0x4], $0x1, s21, s9, $0xb8;
	[tilespmem:$0x2700] =	vst v63  }
0xfa: {  	_ =	swait.ge [sflag:s11], $0x80  }
0xfb: {  	[sflag:s11] =	ssyncset.done $0x0  }
0xfc: {  	[sflag:s11] =	ssyncadd.s32 $0xFFFFFF80  }
0xfd: {  	_ =	swait.ge [sflag:s12], $0x80  }
0xfe: {  	[sflag:s12] =	ssyncset.done $0x0  }
0xff: {  	[sflag:s12] =	ssyncadd.s32 $0xFFFFFF80  }
0x100: {  	_ =	swait.ge [sflag:s13], $0x80  }
0x101: {  	[sflag:s13] =	ssyncset.done $0x0  }
0x102: {  	[sflag:s13] =	ssyncadd.s32 $0xFFFFFF80  }
0x103: {  	_ =	swait.ge [sflag:s14], $0x80  }
0x104: {  	[sflag:s14] =	ssyncset.done $0x0  }
0x105: {  	[sflag:s14] =	ssyncadd.s32 $0xFFFFFF80  }
0x106: {  	[spmem:s2] =	stream.indirect.scatter.add.f32 [tilespmem:s10], [sflag:$0x1], $0x1, s22, s9, $0xb8;
	[tilespmem:$0x2700] =	vst v63  }
0x107: {  	_ = 	snop  }
0x108: {  	[spmem:s2] =	stream.indirect.scatter.add.f32 [tilespmem:s10], [sflag:$0x2], $0x1, s23, s9, $0xb8;
	[tilespmem:$0x2700] =	vst v63  }
0x109: {  	_ = 	snop  }
0x10a: {  	[spmem:s2] =	stream.indirect.scatter.add.f32 [tilespmem:s10], [sflag:$0x3], $0x1, s24, s9, $0xb8;
	[tilespmem:$0x2700] =	vst v63  }
0x10b: {  	_ = 	snop  }
0x10c: {  	[spmem:s2] =	stream.indirect.scatter.add.f32 [tilespmem:s10], [sflag:$0x4], $0x1, s25, s9, $0xb8;
	[tilespmem:$0x2700] =	vst v63  }
0x10d: {  	_ =	swait.ge [sflag:s11], $0x80  }
0x10e: {  	[sflag:s11] =	ssyncset.done $0x0  }
0x10f: {  	[sflag:s11] =	ssyncadd.s32 $0xFFFFFF80  }
0x110: {  	_ =	swait.ge [sflag:s12], $0x80  }
0x111: {  	[sflag:s12] =	ssyncset.done $0x0  }
0x112: {  	[sflag:s12] =	ssyncadd.s32 $0xFFFFFF80  }
0x113: {  	_ =	swait.ge [sflag:s13], $0x80  }
0x114: {  	[sflag:s13] =	ssyncset.done $0x0  }
0x115: {  	[sflag:s13] =	ssyncadd.s32 $0xFFFFFF80  }
0x116: {  	_ =	swait.ge [sflag:s14], $0x80  }
0x117: {  	[sflag:s14] =	ssyncset.done $0x0  }
0x118: {  	[sflag:s14] =	ssyncadd.s32 $0xFFFFFF80  }
0x119: {  	[spmem:s2] =	stream.indirect.scatter.add.f32 [tilespmem:s10], [sflag:$0x1], $0x1, s26, s9, $0xb8;
	[tilespmem:$0x2700] =	vst v63  }
0x11a: {  	_ = 	snop  }
0x11b: {  	[spmem:s2] =	stream.indirect.scatter.add.f32 [tilespmem:s10], [sflag:$0x2], $0x1, s28, s9, $0xb8;
	[tilespmem:$0x2700] =	vst v63  }
0x11c: {  	_ = 	snop  }
0x11d: {  	[spmem:s2] =	stream.indirect.scatter.add.f32 [tilespmem:s10], [sflag:$0x3], $0x1, s29, s9, $0xb8;
	[tilespmem:$0x2700] =	vst v63  }
0x11e: {  	_ = 	snop  }
0x11f: {  	[spmem:s2] =	stream.indirect.scatter.add.f32 [tilespmem:s10], [sflag:$0x4], $0x1, s30, s9, $0xb8;
	[tilespmem:$0x2700] =	vst v63  }
0x120: {  	_ =	swait.ge [sflag:s11], $0x80  }
0x121: {  	[sflag:s11] =	ssyncset.done $0x0  }
0x122: {  	[sflag:s11] =	ssyncadd.s32 $0xFFFFFF80  }
0x123: {  	_ =	swait.ge [sflag:s12], $0x80  }
0x124: {  	[sflag:s12] =	ssyncset.done $0x0  }
0x125: {  	[sflag:s12] =	ssyncadd.s32 $0xFFFFFF80  }
0x126: {  	_ =	swait.ge [sflag:s13], $0x80  }
0x127: {  	[sflag:s13] =	ssyncset.done $0x0  }
0x128: {  	[sflag:s13] =	ssyncadd.s32 $0xFFFFFF80  }
0x129: {  	_ =	swait.ge [sflag:s14], $0x80  }
0x12a: {  	[sflag:s14] =	ssyncset.done $0x0  }
0x12b: {  	[sflag:s14] =	ssyncadd.s32 $0xFFFFFF80  }
0x12c: {  	[spmem:s2] =	stream.indirect.scatter.add.f32 [tilespmem:s10], [sflag:$0x1], $0x1, s31, s9, $0xb8;
	[tilespmem:$0x2700] =	vst v63  }
0x12d: {  	_ = 	snop  }
0x12e: {  	[spmem:s2] =	stream.indirect.scatter.add.f32 [tilespmem:s10], [sflag:$0x2], $0x1, s1, s9, $0xb8;
	[tilespmem:$0x2700] =	vst v63  }
0x12f: {  	_ = 	snop  }
0x130: {  	[spmem:s2] =	stream.indirect.scatter.add.f32 [tilespmem:s10], [sflag:$0x3], $0x1, s0, s9, $0xb8;
	[tilespmem:$0x2700] =	vst v63  }
0x131: {  	_ = 	snop  }
0x132: {  	[spmem:s2] =	stream.indirect.scatter.add.f32 [tilespmem:s10], [sflag:$0x4], $0x1, s5, s9, $0xb8;
	[tilespmem:$0x2700] =	vst v63  }
0x133: {  	_ =	swait.ge [sflag:s11], $0x80  }
0x134: {  	[sflag:s11] =	ssyncset.done $0x0  }
0x135: {  	[sflag:s11] =	ssyncadd.s32 $0xFFFFFF80  }
0x136: {  	_ =	swait.ge [sflag:s12], $0x80  }
0x137: {  	[sflag:s12] =	ssyncset.done $0x0  }
0x138: {  	p0 =	sne.s32 s4, $0xA80;
	[sflag:s12] =	ssyncadd.s32 $0xFFFFFF80  }
.Ltmp1:
0x139: {  	_ =	swait.ge [sflag:s13], $0x80;
	(pc) =	sbr.rel @p0 .LBB2_4-.Ltmp1, $4  }
0x13a: {  	[sflag:s13] =	ssyncset.done $0x0  }
0x13b: {  	[sflag:s13] =	ssyncadd.s32 $0xFFFFFF80  }
0x13c: {  	_ =	swait.ge [sflag:s14], $0x80  }
0x13d: {  	s4 =	sadd.s32 $0x1C0, s4;
	s6 =	rddreg [dreg:$0x3];
	[sflag:s14] =	ssyncset.done $0x0  }
0x13e: {  	[sflag:s14] =	ssyncadd.s32 $0xFFFFFF80;
	s4 =	sadd.s32 s7, s6  }
0x13f: {  	[tilespmem:s3], [sflag:$0x5] =	stream.linear.gather [hbm4b:s4+s3], $0xE00, $0x38;
	[tilespmem:$0x2700] =	vst v63  }
0x140: {  	_ =	swait.ge [sflag:s8], $0xE00  }
0x141: {  	[sflag:s8] =	ssyncset.done $0x0  }
0x142: {  	[sflag:s8] =	ssyncadd.s32 $0xFFFFF200  }
0x143: {  	[spmem:s2] =	stream.indirect.scatter.add.f32 [tilespmem:s10], [sflag:$0x1], $0x1, s3, s9, $0xb8;
	[tilespmem:$0x2700] =	vst v63  }
0x144: {  	_ = 	snop  }
0x145: {  	[spmem:s2] =	stream.indirect.scatter.add.f32 [tilespmem:s10], [sflag:$0x2], $0x1, s9, s9, $0xb8;
	[tilespmem:$0x2700] =	vst v63  }
0x146: {  	s6 =	rddreg [dreg:$0x4]  }
0x147: {  	[spmem:s2] =	stream.indirect.scatter.add.f32 [tilespmem:s10], [sflag:$0x3], $0x1, s6, s9, $0xb8;
	[tilespmem:$0x2700] =	vst v63  }
0x148: {  	s7 =	rddreg [dreg:$0x5]  }
0x149: {  	[spmem:s2] =	stream.indirect.scatter.add.f32 [tilespmem:s10], [sflag:$0x4], $0x1, s7, s9, $0xb8;
	[tilespmem:$0x2700] =	vst v63  }
0x14a: {  	_ =	swait.ge [sflag:s11], $0x80  }
0x14b: {  	[sflag:s11] =	ssyncset.done $0x0  }
0x14c: {  	[sflag:s11] =	ssyncadd.s32 $0xFFFFFF80  }
0x14d: {  	_ =	swait.ge [sflag:s12], $0x80  }
0x14e: {  	[sflag:s12] =	ssyncset.done $0x0  }
0x14f: {  	[sflag:s12] =	ssyncadd.s32 $0xFFFFFF80  }
0x150: {  	_ =	swait.ge [sflag:s13], $0x80  }
0x151: {  	[sflag:s13] =	ssyncset.done $0x0  }
0x152: {  	[sflag:s13] =	ssyncadd.s32 $0xFFFFFF80  }
0x153: {  	_ =	swait.ge [sflag:s14], $0x80  }
0x154: {  	[sflag:s14] =	ssyncset.done $0x0  }
0x155: {  	s6 =	rddreg [dreg:$0x6];
	[sflag:s14] =	ssyncadd.s32 $0xFFFFFF80  }
0x156: {  	[spmem:s2] =	stream.indirect.scatter.add.f32 [tilespmem:s10], [sflag:$0x1], $0x1, s6, s9, $0xb8;
	[tilespmem:$0x2700] =	vst v63  }
0x157: {  	s7 =	rddreg [dreg:$0x7]  }
0x158: {  	[spmem:s2] =	stream.indirect.scatter.add.f32 [tilespmem:s10], [sflag:$0x2], $0x1, s7, s9, $0xb8;
	[tilespmem:$0x2700] =	vst v63  }
0x159: {  	s4 =	rddreg [dreg:$0x8]  }
0x15a: {  	[spmem:s2] =	stream.indirect.scatter.add.f32 [tilespmem:s10], [sflag:$0x3], $0x1, s4, s9, $0xb8;
	[tilespmem:$0x2700] =	vst v63  }
0x15b: {  	s7 =	rddreg [dreg:$0x9]  }
0x15c: {  	[spmem:s2] =	stream.indirect.scatter.add.f32 [tilespmem:s10], [sflag:$0x4], $0x1, s7, s9, $0xb8;
	[tilespmem:$0x2700] =	vst v63  }
0x15d: {  	_ =	swait.ge [sflag:s11], $0x80  }
0x15e: {  	[sflag:s11] =	ssyncset.done $0x0  }
0x15f: {  	[sflag:s11] =	ssyncadd.s32 $0xFFFFFF80  }
0x160: {  	_ =	swait.ge [sflag:s12], $0x80  }
0x161: {  	[sflag:s12] =	ssyncset.done $0x0  }
0x162: {  	[sflag:s12] =	ssyncadd.s32 $0xFFFFFF80  }
0x163: {  	_ =	swait.ge [sflag:s13], $0x80  }
0x164: {  	[sflag:s13] =	ssyncset.done $0x0  }
0x165: {  	[sflag:s13] =	ssyncadd.s32 $0xFFFFFF80  }
0x166: {  	_ =	swait.ge [sflag:s14], $0x80  }
0x167: {  	[sflag:s14] =	ssyncset.done $0x0  }
0x168: {  	s7 =	rddreg [dreg:$0xa];
	[sflag:s14] =	ssyncadd.s32 $0xFFFFFF80  }
0x169: {  	[spmem:s2] =	stream.indirect.scatter.add.f32 [tilespmem:s10], [sflag:$0x1], $0x1, s7, s9, $0xb8;
	[tilespmem:$0x2700] =	vst v63  }
0x16a: {  	_ = 	snop  }
0x16b: {  	[spmem:s2] =	stream.indirect.scatter.add.f32 [tilespmem:s10], [sflag:$0x2], $0x1, s15, s9, $0xb8;
	[tilespmem:$0x2700] =	vst v63  }
0x16c: {  	_ = 	snop  }
0x16d: {  	[spmem:s2] =	stream.indirect.scatter.add.f32 [tilespmem:s10], [sflag:$0x3], $0x1, s16, s9, $0xb8;
	[tilespmem:$0x2700] =	vst v63  }
0x16e: {  	_ = 	snop  }
0x16f: {  	[spmem:s2] =	stream.indirect.scatter.add.f32 [tilespmem:s10], [sflag:$0x4], $0x1, s17, s9, $0xb8;
	[tilespmem:$0x2700] =	vst v63  }
0x170: {  	_ =	swait.ge [sflag:s11], $0x80  }
0x171: {  	[sflag:s11] =	ssyncset.done $0x0  }
0x172: {  	[sflag:s11] =	ssyncadd.s32 $0xFFFFFF80  }
0x173: {  	_ =	swait.ge [sflag:s12], $0x80  }
0x174: {  	[sflag:s12] =	ssyncset.done $0x0  }
0x175: {  	[sflag:s12] =	ssyncadd.s32 $0xFFFFFF80  }
0x176: {  	_ =	swait.ge [sflag:s13], $0x80  }
0x177: {  	[sflag:s13] =	ssyncset.done $0x0  }
0x178: {  	[sflag:s13] =	ssyncadd.s32 $0xFFFFFF80  }
0x179: {  	_ =	swait.ge [sflag:s14], $0x80  }
0x17a: {  	[sflag:s14] =	ssyncset.done $0x0  }
0x17b: {  	[sflag:s14] =	ssyncadd.s32 $0xFFFFFF80  }
0x17c: {  	[spmem:s2] =	stream.indirect.scatter.add.f32 [tilespmem:s10], [sflag:$0x1], $0x1, s18, s9, $0xb8;
	[tilespmem:$0x2700] =	vst v63  }
0x17d: {  	_ = 	snop  }
0x17e: {  	[spmem:s2] =	stream.indirect.scatter.add.f32 [tilespmem:s10], [sflag:$0x2], $0x1, s19, s9, $0xb8;
	[tilespmem:$0x2700] =	vst v63  }
0x17f: {  	_ = 	snop  }
0x180: {  	[spmem:s2] =	stream.indirect.scatter.add.f32 [tilespmem:s10], [sflag:$0x3], $0x1, s20, s9, $0xb8;
	[tilespmem:$0x2700] =	vst v63  }
0x181: {  	_ = 	snop  }
0x182: {  	[spmem:s2] =	stream.indirect.scatter.add.f32 [tilespmem:s10], [sflag:$0x4], $0x1, s21, s9, $0xb8;
	[tilespmem:$0x2700] =	vst v63  }
0x183: {  	_ =	swait.ge [sflag:s11], $0x80  }
0x184: {  	[sflag:s11] =	ssyncset.done $0x0  }
0x185: {  	[sflag:s11] =	ssyncadd.s32 $0xFFFFFF80  }
0x186: {  	_ =	swait.ge [sflag:s12], $0x80  }
0x187: {  	[sflag:s12] =	ssyncset.done $0x0  }
0x188: {  	[sflag:s12] =	ssyncadd.s32 $0xFFFFFF80  }
0x189: {  	_ =	swait.ge [sflag:s13], $0x80  }
0x18a: {  	[sflag:s13] =	ssyncset.done $0x0  }
0x18b: {  	[sflag:s13] =	ssyncadd.s32 $0xFFFFFF80  }
0x18c: {  	_ =	swait.ge [sflag:s14], $0x80  }
0x18d: {  	[sflag:s14] =	ssyncset.done $0x0  }
0x18e: {  	[sflag:s14] =	ssyncadd.s32 $0xFFFFFF80  }
0x18f: {  	[spmem:s2] =	stream.indirect.scatter.add.f32 [tilespmem:s10], [sflag:$0x1], $0x1, s22, s9, $0xb8;
	[tilespmem:$0x2700] =	vst v63  }
0x190: {  	_ = 	snop  }
0x191: {  	[spmem:s2] =	stream.indirect.scatter.add.f32 [tilespmem:s10], [sflag:$0x2], $0x1, s23, s9, $0xb8;
	[tilespmem:$0x2700] =	vst v63  }
0x192: {  	_ = 	snop  }
0x193: {  	[spmem:s2] =	stream.indirect.scatter.add.f32 [tilespmem:s10], [sflag:$0x3], $0x1, s24, s9, $0xb8;
	[tilespmem:$0x2700] =	vst v63  }
0x194: {  	_ = 	snop  }
0x195: {  	[spmem:s2] =	stream.indirect.scatter.add.f32 [tilespmem:s10], [sflag:$0x4], $0x1, s25, s9, $0xb8;
	[tilespmem:$0x2700] =	vst v63  }
0x196: {  	_ =	swait.ge [sflag:s11], $0x80  }
0x197: {  	[sflag:s11] =	ssyncset.done $0x0  }
0x198: {  	[sflag:s11] =	ssyncadd.s32 $0xFFFFFF80  }
0x199: {  	_ =	swait.ge [sflag:s12], $0x80  }
0x19a: {  	[sflag:s12] =	ssyncset.done $0x0  }
0x19b: {  	[sflag:s12] =	ssyncadd.s32 $0xFFFFFF80  }
0x19c: {  	_ =	swait.ge [sflag:s13], $0x80  }
0x19d: {  	[sflag:s13] =	ssyncset.done $0x0  }
0x19e: {  	[sflag:s13] =	ssyncadd.s32 $0xFFFFFF80  }
0x19f: {  	_ =	swait.ge [sflag:s14], $0x80  }
0x1a0: {  	[sflag:s14] =	ssyncset.done $0x0  }
0x1a1: {  	[sflag:s14] =	ssyncadd.s32 $0xFFFFFF80  }
0x1a2: {  	[spmem:s2] =	stream.indirect.scatter.add.f32 [tilespmem:s10], [sflag:$0x1], $0x1, s26, s9, $0xb8;
	[tilespmem:$0x2700] =	vst v63  }
0x1a3: {  	_ = 	snop  }
0x1a4: {  	[spmem:s2] =	stream.indirect.scatter.add.f32 [tilespmem:s10], [sflag:$0x2], $0x1, s28, s9, $0xb8;
	[tilespmem:$0x2700] =	vst v63  }
0x1a5: {  	_ = 	snop  }
0x1a6: {  	[spmem:s2] =	stream.indirect.scatter.add.f32 [tilespmem:s10], [sflag:$0x3], $0x1, s29, s9, $0xb8;
	[tilespmem:$0x2700] =	vst v63  }
0x1a7: {  	_ = 	snop  }
0x1a8: {  	[spmem:s2] =	stream.indirect.scatter.add.f32 [tilespmem:s10], [sflag:$0x4], $0x1, s30, s9, $0xb8;
	[tilespmem:$0x2700] =	vst v63  }
0x1a9: {  	_ =	swait.ge [sflag:s11], $0x80  }
0x1aa: {  	[sflag:s11] =	ssyncset.done $0x0  }
0x1ab: {  	[sflag:s11] =	ssyncadd.s32 $0xFFFFFF80  }
0x1ac: {  	_ =	swait.ge [sflag:s12], $0x80  }
0x1ad: {  	[sflag:s12] =	ssyncset.done $0x0  }
0x1ae: {  	[sflag:s12] =	ssyncadd.s32 $0xFFFFFF80  }
0x1af: {  	_ =	swait.ge [sflag:s13], $0x80  }
0x1b0: {  	[sflag:s13] =	ssyncset.done $0x0  }
0x1b1: {  	[sflag:s13] =	ssyncadd.s32 $0xFFFFFF80  }
0x1b2: {  	_ =	swait.ge [sflag:s14], $0x80  }
0x1b3: {  	[sflag:s14] =	ssyncset.done $0x0  }
0x1b4: {  	[sflag:s14] =	ssyncadd.s32 $0xFFFFFF80  }
0x1b5: {  	[spmem:s2] =	stream.indirect.scatter.add.f32 [tilespmem:s10], [sflag:$0x1], $0x1, s31, s9, $0xb8;
	[tilespmem:$0x2700] =	vst v63  }
0x1b6: {  	_ = 	snop  }
0x1b7: {  	[spmem:s2] =	stream.indirect.scatter.add.f32 [tilespmem:s10], [sflag:$0x2], $0x1, s1, s9, $0xb8;
	[tilespmem:$0x2700] =	vst v63  }
0x1b8: {  	_ = 	snop  }
0x1b9: {  	[spmem:s2] =	stream.indirect.scatter.add.f32 [tilespmem:s10], [sflag:$0x3], $0x1, s0, s9, $0xb8;
	[tilespmem:$0x2700] =	vst v63  }
0x1ba: {  	_ = 	snop  }
0x1bb: {  	[spmem:s2] =	stream.indirect.scatter.add.f32 [tilespmem:s10], [sflag:$0x4], $0x1, s5, s9, $0xb8;
	[tilespmem:$0x2700] =	vst v63  }
0x1bc: {  	_ =	swait.ge [sflag:s11], $0x80  }
0x1bd: {  	[sflag:s11] =	ssyncset.done $0x0  }
0x1be: {  	[sflag:s11] =	ssyncadd.s32 $0xFFFFFF80  }
0x1bf: {  	_ =	swait.ge [sflag:s12], $0x80  }
0x1c0: {  	[sflag:s12] =	ssyncset.done $0x0  }
0x1c1: {  	[sflag:s12] =	ssyncadd.s32 $0xFFFFFF80  }
0x1c2: {  	_ =	swait.ge [sflag:s13], $0x80  }
0x1c3: {  	[sflag:s13] =	ssyncset.done $0x0  }
0x1c4: {  	[sflag:s13] =	ssyncadd.s32 $0xFFFFFF80  }
0x1c5: {  	_ =	swait.ge [sflag:s14], $0x80  }
0x1c6: {  	[sflag:s14] =	ssyncset.done $0x0  }
0x1c7: {  	[sflag:s14] =	ssyncadd.s32 $0xFFFFFF80  }
0x1c8: {  	[bflag:$0x0] =	sbarrier.arrive $0xFFFF  }
0x1c9: {  	s15 =	simm.s32 $0xE80;
	s7 =	rddreg [dreg:$0xb]  }
0x1ca: {  	[tilespmem:s15], [sflag:$0x5] =	stream.linear.gather [spmem:s7], $0xC40, $0x38;
	[tilespmem:$0x2700] =	vst v63  }
0x1cb: {  	_ =	swait.ge [sflag:s8], $0xC40  }
0x1cc: {  	[sflag:s8] =	ssyncset.done $0x0  }
0x1cd: {  	s6 =	rddreg [dreg:$0xc];
	[sflag:s8] =	ssyncadd.s32 $0xFFFFF3C0  }
0x1ce: {  	[hbm4b:s6+s3] =	stream.linear.scatter [tilespmem:s15], [sflag:$0x5], $0xC40, $0x38;
	[tilespmem:$0x2700] =	vst v63  }
0x1cf: {  	_ =	swait.ge [sflag:s8], $0xC40  }
0x1d0: {  	s4 =	rddreg [dreg:$0xe]  }
0x1d1: {  	s6 =	sadd.s32 $0x1, s4;
	s4 =	rddreg [dreg:$0xd]  }
0x1d2: {  	p0 =	sne.s32 s6, s4  }
.Ltmp2:
0x1d3: {  	_ = 	snop;
	(pc) =	sbr.rel @p0 .LBB2_1-.Ltmp2, $3  }
0x1d4: {  	_ =	sdelay $0x1  }
0x1d5: {  	[sflag:s8] =	ssyncset.done $0x0  }
0x1d6: {  	[sflag:s8] =	ssyncadd.s32 $0xFFFFF3C0  }
0x1d7: {  	_ =	sfence.sel $0x180000  }
0x1d8: {  	[bflag:$0x0] =	sbarrier.arrive $0xFFFF  }
0x1d9: {  	_ =	strace $0x90000047  }
0x1da: {  	s0 =	stileid.u32;
	[bflag:$0x2] =	sbarrier.arrive $0xFFFF  }
0x1db: {  	p0 =	sne.s32 s0, $0x0;
	s0 =	rddreg [dreg:$0x2]  }
0x1dc: {  	s0 =	sadd.s32 @!p0 $0x100000, s0  }
0x1dd: {  	[sflag:s0] =	ssyncadd.tile.s32 @!p0 $0x1;
	_ =	shalt  }
.Lfunc_end2:
_tile_overlayer_lowered:
.L_overlay_start_2:
0x1de: {  	(tag) =	ssettag $0x2  }
0x1df: {  	s0 =	rddreg [dreg:$0x0];
	s2 =	stileid.u32  }
0x1e0: {  	s1 =	rddreg [dreg:$0x1];
	p0 =	sne.s32 s2, $0x0  }
0x1e1: {  	s3 =	rddreg [dreg:$0x2];
	[bflag:$0x3] =	sbarrier.arrive $0xFFFF;
	s2 =	simm.s32 @!p0 $0x1C05  }
0x1e2: {  	[timem:s3], [sflag:s2] =	dma.local @!p0 [hbm:s0], s1  }
0x1e3: {  	s0 =	simm.s32 @!p0 $0x5  }
0x1e4: {  	_ =	swait.ge @!p0 [sflag:s0], s1  }
0x1e5: {  	s1 =	ssub.s32 @!p0 $0x0, s1;
	[sflag:s0] =	ssyncset.done @!p0 $0x0  }
0x1e6: {  	[sflag:s0] =	ssyncadd.s32 @!p0 s1  }
0x1e7: {  	[bflag:$0x3] =	sbarrier.arrive $0xFFFF  }
0x1e8: {  	_ =	shalt  }

</sc_bundles>
